<compile_context>
chip_gen: v7x
topology: tpu7x:2x2x1
jax: 0.10.2.dev20260603
libtpu: 0.0.44.dev20260713+nightly
codegen_flags: <defaults>
</compile_context>

<pallas_src>
import functools

import jax
import jax.numpy as jnp
from jax import lax
from jax.experimental import pallas as pl
from jax.experimental.pallas import tpu as pltpu
from jax.experimental.pallas import tpu_sc as plsc

MAX_LEN = 20
TOP_K = 5


def _mm_nt(a, b):
    return lax.dot_general(
        a, b, dimension_numbers=(((1,), (1,)), ((), ())),
        preferred_element_type=jnp.float32)


def _gather_embed(emb, tok_flat):
    BT = tok_flat.shape[0]
    Hd = emb.shape[1]
    NW = 32
    b_per_w = BT // NW
    CH = 80
    n_ch = b_per_w // CH
    mesh = plsc.VectorSubcoreMesh(core_axis_name="c", subcore_axis_name="s")

    @functools.partial(
        pl.kernel, mesh=mesh,
        out_type=jax.ShapeDtypeStruct((BT, Hd), jnp.float32),
        scratch_types=[
            pltpu.VMEM((b_per_w,), jnp.int32),
            pltpu.VMEM((CH, Hd), jnp.float32),
            pltpu.VMEM((CH, Hd), jnp.float32),
            pltpu.SemaphoreType.DMA,
            pltpu.SemaphoreType.DMA,
        ],
    )
    def k(tok_hbm, emb_hbm, out_hbm, idx_v, buf0, buf1, sem0, sem1):
        wid = lax.axis_index("s") * 2 + lax.axis_index("c")
        base = wid * b_per_w
        pltpu.sync_copy(tok_hbm.at[pl.ds(base, b_per_w)], idx_v)
        bufs = (buf0, buf1)
        sems = (sem0, sem1)
        pending = [None, None]
        pending[0] = pltpu.async_copy(
            emb_hbm.at[idx_v.at[pl.ds(0, CH)]], bufs[0], sems[0])
        for i in range(n_ch):
            cur = i % 2
            nxt = (i + 1) % 2
            if i + 1 < n_ch:
                pending[nxt] = pltpu.async_copy(
                    emb_hbm.at[idx_v.at[pl.ds((i + 1) * CH, CH)]],
                    bufs[nxt], sems[nxt])
            pending[cur].wait()
            pltpu.sync_copy(bufs[cur], out_hbm.at[pl.ds(base + i * CH, CH)])

    return k(tok_flat, emb)


def _lstm_encode(x_tbh, w_ih, w_hh, bias_row):
    T, Bsz, Hd = x_tbh.shape

    def body(x_ref, wih_ref, whh_ref, b_ref, out_ref, h_ref, c_ref):
        t = pl.program_id(0)

        @pl.when(t == 0)
        def _():
            h_ref[...] = jnp.zeros_like(h_ref)
            c_ref[...] = jnp.zeros_like(c_ref)

        x = x_ref[0]
        h = h_ref[...]
        c = c_ref[...]
        gates = _mm_nt(x, wih_ref[...]) + _mm_nt(h, whh_ref[...]) \
            + b_ref[0][None, :]
        i_g = gates[:, :Hd]
        f_g = gates[:, Hd:2 * Hd]
        g_g = gates[:, 2 * Hd:3 * Hd]
        o_g = gates[:, 3 * Hd:]
        c_new = jax.nn.sigmoid(f_g) * c + jax.nn.sigmoid(i_g) * jnp.tanh(g_g)
        h_new = jax.nn.sigmoid(o_g) * jnp.tanh(c_new)
        h_ref[...] = h_new
        c_ref[...] = c_new

        @pl.when(t == T - 1)
        def _():
            out_ref[...] = h_new

    return pl.pallas_call(
        body,
        grid=(T,),
        in_specs=[
            pl.BlockSpec((1, Bsz, Hd), lambda t: (t, 0, 0)),
            pl.BlockSpec((4 * Hd, Hd), lambda t: (0, 0)),
            pl.BlockSpec((4 * Hd, Hd), lambda t: (0, 0)),
            pl.BlockSpec((1, 4 * Hd), lambda t: (0, 0)),
        ],
        out_specs=pl.BlockSpec((Bsz, Hd), lambda t: (0, 0)),
        out_shape=jax.ShapeDtypeStruct((Bsz, Hd), jnp.float32),
        scratch_shapes=[
            pltpu.VMEM((Bsz, Hd), jnp.float32),
            pltpu.VMEM((Bsz, Hd), jnp.float32),
        ],
    )(x_tbh, w_ih, w_hh, bias_row)


def _sim_matmul(q, kn):
    Bsz, Hd = q.shape
    S = kn.shape[0]
    KB = 2048
    nk = S // KB

    def body(q_ref, k_ref, o_ref):
        o_ref[...] = _mm_nt(q_ref[...], k_ref[...])

    return pl.pallas_call(
        body,
        grid=(nk,),
        in_specs=[
            pl.BlockSpec((Bsz, Hd), lambda j: (0, 0)),
            pl.BlockSpec((KB, Hd), lambda j: (j, 0)),
        ],
        out_specs=pl.BlockSpec((Bsz, KB), lambda j: (0, j)),
        out_shape=jax.ShapeDtypeStruct((Bsz, S), jnp.float32),
    )(q, kn)


def _gru_hiddens(recalled, fc_in_w, fc_in_b_row, gw_ih, gw_hh, gb_ih_row,
                 gb_hh_row):
    Bsz, Hd = recalled.shape

    def body(rec_ref, fw_ref, fb_ref, wih_ref, whh_ref, bih_ref, bhh_ref,
             out_ref):
        hidden = _mm_nt(rec_ref[...], fw_ref[...]) + fb_ref[0][None, :]
        inputs = jnp.zeros((Bsz, Hd), jnp.float32)
        for t in range(MAX_LEN):
            gi = _mm_nt(inputs, wih_ref[...]) + bih_ref[0][None, :]
            gh = _mm_nt(hidden, whh_ref[...]) + bhh_ref[0][None, :]
            r = jax.nn.sigmoid(gi[:, :Hd] + gh[:, :Hd])
            z = jax.nn.sigmoid(gi[:, Hd:2 * Hd] + gh[:, Hd:2 * Hd])
            n = jnp.tanh(gi[:, 2 * Hd:] + r * gh[:, 2 * Hd:])
            hidden = (1.0 - z) * n + z * hidden
            out_ref[t] = hidden
            inputs = hidden

    return pl.pallas_call(
        body,
        out_shape=jax.ShapeDtypeStruct((MAX_LEN, Bsz, Hd), jnp.float32),
    )(recalled, fc_in_w, fc_in_b_row, gw_ih, gw_hh, gb_ih_row, gb_hh_row)


def _logits_and_max(hid, w_out, b2d):
    Bsz, Hd = hid.shape
    V = w_out.shape[0]
    VB = 2048
    NV = (V + VB - 1) // VB
    NEG = float("-inf")

    def body(h_ref, w_ref, b_ref, lg_ref, m_ref, ms_ref):
        v = pl.program_id(0)

        @pl.when(v == 0)
        def _():
            ms_ref[...] = jnp.full_like(ms_ref, NEG)

        logits = _mm_nt(h_ref[...], w_ref[...]) + b_ref[0][None, :]
        lg_ref[...] = logits
        col_ids = v * VB + lax.broadcasted_iota(jnp.int32, (Bsz, VB), 1)
        masked = jnp.where(col_ids < V, logits, NEG)
        mx = jnp.max(masked, axis=1, keepdims=True)
        m_new = jnp.maximum(ms_ref[:, 0:1], mx)
        ms_ref[...] = jnp.broadcast_to(m_new, (Bsz, 128))

        @pl.when(v == NV - 1)
        def _():
            m_ref[...] = ms_ref[...]

    return pl.pallas_call(
        body,
        grid=(NV,),
        in_specs=[
            pl.BlockSpec((Bsz, Hd), lambda v: (0, 0)),
            pl.BlockSpec((VB, Hd), lambda v: (v, 0)),
            pl.BlockSpec((8, VB), lambda v: (0, v)),
        ],
        out_specs=[
            pl.BlockSpec((Bsz, VB), lambda v: (0, v)),
            pl.BlockSpec((Bsz, 128), lambda v: (0, 0)),
        ],
        out_shape=[
            jax.ShapeDtypeStruct((Bsz, V), jnp.float32),
            jax.ShapeDtypeStruct((Bsz, 128), jnp.float32),
        ],
        scratch_shapes=[pltpu.VMEM((Bsz, 128), jnp.float32)],
    )(hid, w_out, b2d)


def _select_top5(logits, m2d, l2d):
    Bsz, V = logits.shape
    VB = 2048
    NV = (V + VB - 1) // VB
    K = 8
    NEG = float("-inf")

    def body(lg_ref, m_ref, l_ref, tv_ref, ti_ref, sv_ref, si_ref):
        v = pl.program_id(0)

        @pl.when(v == 0)
        def _():
            sv_ref[...] = jnp.full_like(sv_ref, NEG)
            si_ref[...] = jnp.zeros_like(si_ref)

        s = lg_ref[...] - m_ref[:, 0:1]
        vq = s - l_ref[:, 0:1]
        col_ids = v * VB + lax.broadcasted_iota(jnp.int32, (Bsz, VB), 1)
        vq = jnp.where(col_ids < V, vq, NEG)
        cand_v = jnp.concatenate([sv_ref[...], vq], axis=1)
        cand_i = jnp.concatenate([si_ref[...], col_ids], axis=1)
        pos_iota = lax.broadcasted_iota(jnp.int32, cand_v.shape, 1)
        new_v = []
        new_i = []
        for _ in range(TOP_K):
            m = jnp.max(cand_v, axis=1, keepdims=True)
            pos = jnp.min(jnp.where(cand_v == m, pos_iota, 2**30),
                          axis=1, keepdims=True)
            hit = pos_iota == pos
            sel = jnp.max(jnp.where(hit, cand_i, -1), axis=1, keepdims=True)
            new_v.append(m)
            new_i.append(sel)
            cand_v = jnp.where(hit, NEG, cand_v)
        pad_v = jnp.full((Bsz, K - TOP_K), NEG, jnp.float32)
        pad_i = jnp.zeros((Bsz, K - TOP_K), jnp.int32)
        sv_new = jnp.concatenate(new_v + [pad_v], axis=1)
        si_new = jnp.concatenate(new_i + [pad_i], axis=1)
        sv_ref[...] = sv_new
        si_ref[...] = si_new

        @pl.when(v == NV - 1)
        def _():
            tv_ref[...] = sv_new
            ti_ref[...] = si_new

    return pl.pallas_call(
        body,
        grid=(NV,),
        in_specs=[
            pl.BlockSpec((Bsz, VB), lambda v: (0, v)),
            pl.BlockSpec((Bsz, 128), lambda v: (0, 0)),
            pl.BlockSpec((Bsz, 128), lambda v: (0, 0)),
        ],
        out_specs=[
            pl.BlockSpec((Bsz, K), lambda v: (0, 0)),
            pl.BlockSpec((Bsz, K), lambda v: (0, 0)),
        ],
        out_shape=[
            jax.ShapeDtypeStruct((Bsz, K), jnp.float32),
            jax.ShapeDtypeStruct((Bsz, K), jnp.int32),
        ],
        scratch_shapes=[
            pltpu.VMEM((Bsz, K), jnp.float32),
            pltpu.VMEM((Bsz, K), jnp.int32),
        ],
    )(logits, m2d, l2d)


def kernel(tokens, emb, lstm_W_ih, lstm_W_hh, lstm_b_ih, lstm_b_hh,
           mem_keys, mem_weights, fc_in_W, fc_in_b, gru_W_ih, gru_W_hh,
           gru_b_ih, gru_b_hh, fc_out_W, fc_out_b):
    Bsz, T = tokens.shape
    V, Hd = emb.shape

    tok_flat = tokens.astype(jnp.int32).T.reshape(-1)
    x = _gather_embed(emb, tok_flat).reshape(T, Bsz, Hd)

    lstm_bias = (lstm_b_ih + lstm_b_hh).reshape(1, 4 * Hd)
    h_last = _lstm_encode(x, lstm_W_ih, lstm_W_hh, lstm_bias)
    encoded = h_last / (jnp.linalg.norm(h_last, axis=-1, keepdims=True)
                        + 1e-8)

    q = encoded / (jnp.linalg.norm(encoded, axis=-1, keepdims=True) + 1e-8)
    kn = mem_keys / (jnp.linalg.norm(mem_keys, axis=-1, keepdims=True)
                     + 1e-8)
    sim = _sim_matmul(q, kn)
    attn = jax.nn.softmax(sim, axis=-1)
    recalled = attn @ mem_weights

    hiddens = _gru_hiddens(
        recalled, fc_in_W, fc_in_b.reshape(1, Hd), gru_W_ih, gru_W_hh,
        gru_b_ih.reshape(1, 3 * Hd), gru_b_hh.reshape(1, 3 * Hd))

    b2d = jnp.broadcast_to(fc_out_b, (8, V))
    tvs, tis = [], []
    for t in range(MAX_LEN):
        logits, m2d = _logits_and_max(hiddens[t], fc_out_W, b2d)
        m1 = m2d[:, 0:1]
        zsum = jnp.sum(jnp.exp(logits - m1), axis=-1, keepdims=True)
        l2d = jnp.broadcast_to(jnp.log(zsum), (Bsz, 128))
        tv, ti = _select_top5(logits, m2d, l2d)
        tvs.append(tv[:, :TOP_K])
        tis.append(ti[:, :TOP_K])
    top_p = jnp.stack(tvs)
    top_i = jnp.stack(tis)

    skey = jax.random.key(1234)
    keys = jax.vmap(lambda t: jax.random.fold_in(skey, t))(
        jnp.arange(MAX_LEN))
    sampled = jax.vmap(
        lambda k, l: jax.random.categorical(k, l, axis=-1))(keys, top_p)
    next_tok = jnp.take_along_axis(top_i, sampled[:, :, None], axis=2)[..., 0]
    decoded = next_tok.T
    return encoded, decoded

# --- scband reference (transcript-rebuilt; emitter-appended) ---
"""Pipeline reference for scband-memory-system-75935021794082 (READ-ONLY COPY).

The authoritative reference and input builder live on the scoring server;
editing this copy changes nothing except your own understanding.
"""

import jax, jax.numpy as jnp
import numpy as np

VOCAB = 100000
H = 128
SLOTS = 65536
B = 1024
T = 50
MAX_LEN = 20
TOP_K = 5


def setup_inputs(seed: int = 0) -> dict:
    key = jax.random.key(seed)
    ks = jax.random.split(key, 16)
    tokens = jax.random.randint(ks[0], (B, T), 0, VOCAB)
    emb = jax.random.normal(ks[1], (VOCAB, H), dtype=jnp.float32) * 0.02
    lstm_W_ih = jax.random.normal(ks[2], (4 * H, H), dtype=jnp.float32) * 0.05
    lstm_W_hh = jax.random.normal(ks[3], (4 * H, H), dtype=jnp.float32) * 0.05
    lstm_b_ih = jnp.zeros((4 * H,), jnp.float32)
    lstm_b_hh = jnp.zeros((4 * H,), jnp.float32)
    mem_keys = jax.random.normal(ks[4], (SLOTS, H), dtype=jnp.float32)
    mem_weights = jax.random.normal(ks[5], (SLOTS, H), dtype=jnp.float32) * 0.1
    fc_in_W = jax.random.normal(ks[6], (H, H), dtype=jnp.float32) * 0.05
    fc_in_b = jnp.zeros((H,), jnp.float32)
    gru_W_ih = jax.random.normal(ks[7], (3 * H, H), dtype=jnp.float32) * 0.05
    gru_W_hh = jax.random.normal(ks[8], (3 * H, H), dtype=jnp.float32) * 0.05
    gru_b_ih = jnp.zeros((3 * H,), jnp.float32)
    gru_b_hh = jnp.zeros((3 * H,), jnp.float32)
    fc_out_W = jax.random.normal(ks[9], (VOCAB, H), dtype=jnp.float32) * 0.05
    fc_out_b = jnp.zeros((VOCAB,), jnp.float32)
    return {
        "tokens": tokens,
        "emb": emb,
        "lstm_W_ih": lstm_W_ih,
        "lstm_W_hh": lstm_W_hh,
        "lstm_b_ih": lstm_b_ih,
        "lstm_b_hh": lstm_b_hh,
        "mem_keys": mem_keys,
        "mem_weights": mem_weights,
        "fc_in_W": fc_in_W,
        "fc_in_b": fc_in_b,
        "gru_W_ih": gru_W_ih,
        "gru_W_hh": gru_W_hh,
        "gru_b_ih": gru_b_ih,
        "gru_b_hh": gru_b_hh,
        "fc_out_W": fc_out_W,
        "fc_out_b": fc_out_b,
    }


def reference(tokens, emb, lstm_W_ih, lstm_W_hh, lstm_b_ih, lstm_b_hh, mem_keys, mem_weights, fc_in_W, fc_in_b, gru_W_ih, gru_W_hh, gru_b_ih, gru_b_hh, fc_out_W, fc_out_b):
    Bsz = tokens.shape[0]
    Hs = emb.shape[1]
    # EncoderNet: embedding lookup (gather) + single-layer LSTM, take last hidden
    x = jnp.take(emb, tokens, axis=0)  # [B, T, H]

    def lstm_step(carry, xt):
        h, c = carry
        gates = xt @ lstm_W_ih.T + lstm_b_ih + h @ lstm_W_hh.T + lstm_b_hh
        i_g, f_g, g_g, o_g = jnp.split(gates, 4, axis=-1)
        c_new = jax.nn.sigmoid(f_g) * c + jax.nn.sigmoid(i_g) * jnp.tanh(g_g)
        h_new = jax.nn.sigmoid(o_g) * jnp.tanh(c_new)
        return (h_new, c_new), None

    h0 = jnp.zeros((Bsz, Hs), jnp.float32)
    c0 = jnp.zeros((Bsz, Hs), jnp.float32)
    (h_last, _), _ = jax.lax.scan(lstm_step, (h0, c0), jnp.swapaxes(x, 0, 1))
    encoded = h_last / (jnp.linalg.norm(h_last, axis=-1, keepdims=True) + 1e-8)

    # AssociativeNet.retrieve: cosine similarity against all slots, softmax recall
    q = encoded / (jnp.linalg.norm(encoded, axis=-1, keepdims=True) + 1e-8)
    kn = mem_keys / (jnp.linalg.norm(mem_keys, axis=-1, keepdims=True) + 1e-8)
    sim = q @ kn.T  # [B, SLOTS]
    attn = jax.nn.softmax(sim, axis=-1)
    recalled = attn @ mem_weights  # [B, H]

    # RetrieverNet: GRU decoder with top-k multinomial sampling, feeds GRU output back
    hidden = recalled @ fc_in_W.T + fc_in_b
    inputs = jnp.zeros((Bsz, Hs), jnp.float32)
    skey = jax.random.key(1234)
    toks = []
    for t in range(MAX_LEN):
        gi = inputs @ gru_W_ih.T + gru_b_ih
        gh = hidden @ gru_W_hh.T + gru_b_hh
        r = jax.nn.sigmoid(gi[:, :Hs] + gh[:, :Hs])
        z = jax.nn.sigmoid(gi[:, Hs:2 * Hs] + gh[:, Hs:2 * Hs])
        n = jnp.tanh(gi[:, 2 * Hs:] + r * gh[:, 2 * Hs:])
        hidden = (1.0 - z) * n + z * hidden
        logits = hidden @ fc_out_W.T + fc_out_b
        logp = jax.nn.log_softmax(logits, axis=-1)
        top_p, top_i = jax.lax.top_k(logp, TOP_K)
        sampled = jax.random.categorical(jax.random.fold_in(skey, t), top_p, axis=-1)
        next_tok = jnp.take_along_axis(top_i, sampled[:, None], axis=1)[:, 0]
        toks.append(next_tok)
        inputs = hidden
    decoded = jnp.stack(toks, axis=1)  # [B, MAX_LEN] int
    return encoded, decoded

if __name__ == "__main__":
    import jax
    _d = setup_inputs()
    print(jax.jit(kernel)(*tuple(_d.values())))

</pallas_src>

<mosaic_0001>
#map = affine_map<(d0, d1) -> (0)>
#map1 = affine_map<(d0, d1) -> (0, 0)>
module attributes {stable_mosaic.version = 14 : i64} {
  func.func @k(%arg0: i32, %arg1: i32, %arg2: memref<51200xi32, #tpu.memory_space<hbm>>, %arg3: memref<100000x128xf32, #tpu.memory_space<hbm>>, %arg4: memref<51200x128xf32, #tpu.memory_space<hbm>>, %arg5: memref<1600xi32, #tpu.memory_space<vmem>>, %arg6: memref<80x128xf32, #tpu.memory_space<vmem>>, %arg7: memref<80x128xf32, #tpu.memory_space<vmem>>, %arg8: memref<!tpu.dma_semaphore, #tpu.memory_space<semaphore_mem>>, %arg9: memref<!tpu.dma_semaphore, #tpu.memory_space<semaphore_mem>>) attributes {dimension_semantics = [#tpu.dimension_semantics<core_parallel>, #tpu.dimension_semantics<subcore_parallel>], iteration_bounds = array<i64: 2, 16>, scalar_prefetch = 0 : i64, scratch_operands = 5 : i64, tpu.core_type = #tpu.core_type<sc_vector_subcore>, window_params = [{transform_indices = #map}, {transform_indices = #map1}, {transform_indices = #map1}]} {
    %mul3A = arith.constant 2 : i32
    %mul3A_0 = arith.muli %arg1, %mul3A : i32
    %add3A = arith.addi %mul3A_0, %arg0 : i32
    %mul3A_1 = arith.constant 1600 : i32
    %mul3A_2 = arith.muli %add3A, %mul3A_1 : i32
    "tpu.region"() ({
      %run_scoped3A = tpu.sem_alloc : memref<!tpu.dma_semaphore, #tpu.memory_space<semaphore_mem>>
      %dma_start3A_241 = tpu.memref_slice %arg2[%mul3A_2] : memref<51200xi32, #tpu.memory_space<hbm>> -> memref<1600xi32, #tpu.memory_space<hbm>>
      %dma_start3A_242 = tpu.memref_slice %arg2[%mul3A_2] : memref<51200xi32, #tpu.memory_space<hbm>> -> memref<1600xi32, #tpu.memory_space<hbm>>
      tpu.enqueue_dma source(%dma_start3A_242 : memref<1600xi32, #tpu.memory_space<hbm>>) target(%arg5 : memref<1600xi32, #tpu.memory_space<vmem>>) target_semaphore(%run_scoped3A : memref<!tpu.dma_semaphore, #tpu.memory_space<semaphore_mem>>)
      %dma_wait3A_243 = tpu.memref_slice %arg2[%mul3A_2] : memref<51200xi32, #tpu.memory_space<hbm>> -> memref<1600xi32, #tpu.memory_space<hbm>>
      %dma_wait3A_244 = tpu.memref_slice %arg2[%mul3A_2] : memref<51200xi32, #tpu.memory_space<hbm>> -> memref<1600xi32, #tpu.memory_space<hbm>>
      tpu.wait_dma2 semaphore(%run_scoped3A : memref<!tpu.dma_semaphore, #tpu.memory_space<semaphore_mem>>) src(%dma_wait3A_244 : memref<1600xi32, #tpu.memory_space<hbm>>) dst(%arg5 : memref<1600xi32, #tpu.memory_space<vmem>>)
      tpu.yield
    }) : () -> ()
    %dma_start3A = arith.constant 0 : i32
    %dma_start3A_3 = tpu.memref_slice %arg5[%dma_start3A] : memref<1600xi32, #tpu.memory_space<vmem>> -> memref<80xi32, #tpu.memory_space<vmem>>
    %dma_start3A_4 = arith.constant 0 : i32
    %dma_start3A_5 = arith.constant 0 : i32
    %dma_start3A_6 = tpu.memref_slice %arg3[%dma_start3A_4, %dma_start3A_5] : memref<100000x128xf32, #tpu.memory_space<hbm>> -> memref<100000x128xf32, #tpu.memory_space<hbm>>
    tpu.enqueue_indirect_dma source(%dma_start3A_6 : memref<100000x128xf32, #tpu.memory_space<hbm>>) target(%arg6 : memref<80x128xf32, #tpu.memory_space<vmem>>) offsets(%dma_start3A_3 : memref<80xi32, #tpu.memory_space<vmem>>) semaphore(%arg8 : memref<!tpu.dma_semaphore, #tpu.memory_space<semaphore_mem>>)
    %dma_start3A_7 = arith.constant 80 : i32
    %dma_start3A_8 = tpu.memref_slice %arg5[%dma_start3A_7] : memref<1600xi32, #tpu.memory_space<vmem>> -> memref<80xi32, #tpu.memory_space<vmem>>
    %dma_start3A_9 = arith.constant 0 : i32
    %dma_start3A_10 = arith.constant 0 : i32
    %dma_start3A_11 = tpu.memref_slice %arg3[%dma_start3A_9, %dma_start3A_10] : memref<100000x128xf32, #tpu.memory_space<hbm>> -> memref<100000x128xf32, #tpu.memory_space<hbm>>
    tpu.enqueue_indirect_dma source(%dma_start3A_11 : memref<100000x128xf32, #tpu.memory_space<hbm>>) target(%arg7 : memref<80x128xf32, #tpu.memory_space<vmem>>) offsets(%dma_start3A_8 : memref<80xi32, #tpu.memory_space<vmem>>) semaphore(%arg9 : memref<!tpu.dma_semaphore, #tpu.memory_space<semaphore_mem>>)
    %dma_wait3A = arith.constant 0 : i32
    %dma_wait3A_12 = tpu.memref_slice %arg5[%dma_wait3A] : memref<1600xi32, #tpu.memory_space<vmem>> -> memref<80xi32, #tpu.memory_space<vmem>>
    %dma_wait3A_13 = arith.constant 0 : i32
    %dma_wait3A_14 = arith.constant 0 : i32
    %dma_wait3A_15 = tpu.memref_slice %arg3[%dma_wait3A_13, %dma_wait3A_14] : memref<100000x128xf32, #tpu.memory_space<hbm>> -> memref<100000x128xf32, #tpu.memory_space<hbm>>
    tpu.wait_indirect_dma semaphore(%arg8 : memref<!tpu.dma_semaphore, #tpu.memory_space<semaphore_mem>>) src(%dma_wait3A_15 : memref<100000x128xf32, #tpu.memory_space<hbm>>) dst(%arg6 : memref<80x128xf32, #tpu.memory_space<vmem>>)
    %add3A_16 = arith.constant 0 : i32
    %add3A_17 = arith.addi %mul3A_2, %add3A_16 : i32
    "tpu.region"() ({
      %run_scoped3A = tpu.sem_alloc : memref<!tpu.dma_semaphore, #tpu.memory_space<semaphore_mem>>
      %dma_start3A_241 = arith.constant 0 : i32
      %dma_start3A_242 = tpu.memref_slice %arg4[%add3A_17, %dma_start3A_241] : memref<51200x128xf32, #tpu.memory_space<hbm>> -> memref<80x128xf32, #tpu.memory_space<hbm>>
      %dma_start3A_243 = arith.constant 0 : i32
      %dma_start3A_244 = tpu.memref_slice %arg4[%add3A_17, %dma_start3A_243] : memref<51200x128xf32, #tpu.memory_space<hbm>> -> memref<80x128xf32, #tpu.memory_space<hbm>>
      tpu.enqueue_dma source(%arg6 : memref<80x128xf32, #tpu.memory_space<vmem>>) target(%dma_start3A_244 : memref<80x128xf32, #tpu.memory_space<hbm>>) target_semaphore(%run_scoped3A : memref<!tpu.dma_semaphore, #tpu.memory_space<semaphore_mem>>)
      %dma_wait3A_245 = arith.constant 0 : i32
      %dma_wait3A_246 = tpu.memref_slice %arg4[%add3A_17, %dma_wait3A_245] : memref<51200x128xf32, #tpu.memory_space<hbm>> -> memref<80x128xf32, #tpu.memory_space<hbm>>
      %dma_wait3A_247 = arith.constant 0 : i32
      %dma_wait3A_248 = tpu.memref_slice %arg4[%add3A_17, %dma_wait3A_247] : memref<51200x128xf32, #tpu.memory_space<hbm>> -> memref<80x128xf32, #tpu.memory_space<hbm>>
      tpu.wait_dma2 semaphore(%run_scoped3A : memref<!tpu.dma_semaphore, #tpu.memory_space<semaphore_mem>>) src(%arg6 : memref<80x128xf32, #tpu.memory_space<vmem>>) dst(%dma_wait3A_248 : memref<80x128xf32, #tpu.memory_space<hbm>>)
      tpu.yield
    }) : () -> ()
    %dma_start3A_18 = arith.constant 160 : i32
    %dma_start3A_19 = tpu.memref_slice %arg5[%dma_start3A_18] : memref<1600xi32, #tpu.memory_space<vmem>> -> memref<80xi32, #tpu.memory_space<vmem>>
    %dma_start3A_20 = arith.constant 0 : i32
    %dma_start3A_21 = arith.constant 0 : i32
    %dma_start3A_22 = tpu.memref_slice %arg3[%dma_start3A_20, %dma_start3A_21] : memref<100000x128xf32, #tpu.memory_space<hbm>> -> memref<100000x128xf32, #tpu.memory_space<hbm>>
    tpu.enqueue_indirect_dma source(%dma_start3A_22 : memref<100000x128xf32, #tpu.memory_space<hbm>>) target(%arg6 : memref<80x128xf32, #tpu.memory_space<vmem>>) offsets(%dma_start3A_19 : memref<80xi32, #tpu.memory_space<vmem>>) semaphore(%arg8 : memref<!tpu.dma_semaphore, #tpu.memory_space<semaphore_mem>>)
    %dma_wait3A_23 = arith.constant 80 : i32
    %dma_wait3A_24 = tpu.memref_slice %arg5[%dma_wait3A_23] : memref<1600xi32, #tpu.memory_space<vmem>> -> memref<80xi32, #tpu.memory_space<vmem>>
    %dma_wait3A_25 = arith.constant 0 : i32
    %dma_wait3A_26 = arith.constant 0 : i32
    %dma_wait3A_27 = tpu.memref_slice %arg3[%dma_wait3A_25, %dma_wait3A_26] : memref<100000x128xf32, #tpu.memory_space<hbm>> -> memref<100000x128xf32, #tpu.memory_space<hbm>>
    tpu.wait_indirect_dma semaphore(%arg9 : memref<!tpu.dma_semaphore, #tpu.memory_space<semaphore_mem>>) src(%dma_wait3A_27 : memref<100000x128xf32, #tpu.memory_space<hbm>>) dst(%arg7 : memref<80x128xf32, #tpu.memory_space<vmem>>)
    %add3A_28 = arith.constant 80 : i32
    %add3A_29 = arith.addi %mul3A_2, %add3A_28 : i32
    "tpu.region"() ({
      %run_scoped3A = tpu.sem_alloc : memref<!tpu.dma_semaphore, #tpu.memory_space<semaphore_mem>>
      %dma_start3A_241 = arith.constant 0 : i32
      %dma_start3A_242 = tpu.memref_slice %arg4[%add3A_29, %dma_start3A_241] : memref<51200x128xf32, #tpu.memory_space<hbm>> -> memref<80x128xf32, #tpu.memory_space<hbm>>
      %dma_start3A_243 = arith.constant 0 : i32
      %dma_start3A_244 = tpu.memref_slice %arg4[%add3A_29, %dma_start3A_243] : memref<51200x128xf32, #tpu.memory_space<hbm>> -> memref<80x128xf32, #tpu.memory_space<hbm>>
      tpu.enqueue_dma source(%arg7 : memref<80x128xf32, #tpu.memory_space<vmem>>) target(%dma_start3A_244 : memref<80x128xf32, #tpu.memory_space<hbm>>) target_semaphore(%run_scoped3A : memref<!tpu.dma_semaphore, #tpu.memory_space<semaphore_mem>>)
      %dma_wait3A_245 = arith.constant 0 : i32
      %dma_wait3A_246 = tpu.memref_slice %arg4[%add3A_29, %dma_wait3A_245] : memref<51200x128xf32, #tpu.memory_space<hbm>> -> memref<80x128xf32, #tpu.memory_space<hbm>>
      %dma_wait3A_247 = arith.constant 0 : i32
      %dma_wait3A_248 = tpu.memref_slice %arg4[%add3A_29, %dma_wait3A_247] : memref<51200x128xf32, #tpu.memory_space<hbm>> -> memref<80x128xf32, #tpu.memory_space<hbm>>
      tpu.wait_dma2 semaphore(%run_scoped3A : memref<!tpu.dma_semaphore, #tpu.memory_space<semaphore_mem>>) src(%arg7 : memref<80x128xf32, #tpu.memory_space<vmem>>) dst(%dma_wait3A_248 : memref<80x128xf32, #tpu.memory_space<hbm>>)
      tpu.yield
    }) : () -> ()
    %dma_start3A_30 = arith.constant 240 : i32
    %dma_start3A_31 = tpu.memref_slice %arg5[%dma_start3A_30] : memref<1600xi32, #tpu.memory_space<vmem>> -> memref<80xi32, #tpu.memory_space<vmem>>
    %dma_start3A_32 = arith.constant 0 : i32
    %dma_start3A_33 = arith.constant 0 : i32
    %dma_start3A_34 = tpu.memref_slice %arg3[%dma_start3A_32, %dma_start3A_33] : memref<100000x128xf32, #tpu.memory_space<hbm>> -> memref<100000x128xf32, #tpu.memory_space<hbm>>
    tpu.enqueue_indirect_dma source(%dma_start3A_34 : memref<100000x128xf32, #tpu.memory_space<hbm>>) target(%arg7 : memref<80x128xf32, #tpu.memory_space<vmem>>) offsets(%dma_start3A_31 : memref<80xi32, #tpu.memory_space<vmem>>) semaphore(%arg9 : memref<!tpu.dma_semaphore, #tpu.memory_space<semaphore_mem>>)
    %dma_wait3A_35 = arith.constant 160 : i32
    %dma_wait3A_36 = tpu.memref_slice %arg5[%dma_wait3A_35] : memref<1600xi32, #tpu.memory_space<vmem>> -> memref<80xi32, #tpu.memory_space<vmem>>
    %dma_wait3A_37 = arith.constant 0 : i32
    %dma_wait3A_38 = arith.constant 0 : i32
    %dma_wait3A_39 = tpu.memref_slice %arg3[%dma_wait3A_37, %dma_wait3A_38] : memref<100000x128xf32, #tpu.memory_space<hbm>> -> memref<100000x128xf32, #tpu.memory_space<hbm>>
    tpu.wait_indirect_dma semaphore(%arg8 : memref<!tpu.dma_semaphore, #tpu.memory_space<semaphore_mem>>) src(%dma_wait3A_39 : memref<100000x128xf32, #tpu.memory_space<hbm>>) dst(%arg6 : memref<80x128xf32, #tpu.memory_space<vmem>>)
    %add3A_40 = arith.constant 160 : i32
    %add3A_41 = arith.addi %mul3A_2, %add3A_40 : i32
    "tpu.region"() ({
      %run_scoped3A = tpu.sem_alloc : memref<!tpu.dma_semaphore, #tpu.memory_space<semaphore_mem>>
      %dma_start3A_241 = arith.constant 0 : i32
      %dma_start3A_242 = tpu.memref_slice %arg4[%add3A_41, %dma_start3A_241] : memref<51200x128xf32, #tpu.memory_space<hbm>> -> memref<80x128xf32, #tpu.memory_space<hbm>>
      %dma_start3A_243 = arith.constant 0 : i32
      %dma_start3A_244 = tpu.memref_slice %arg4[%add3A_41, %dma_start3A_243] : memref<51200x128xf32, #tpu.memory_space<hbm>> -> memref<80x128xf32, #tpu.memory_space<hbm>>
      tpu.enqueue_dma source(%arg6 : memref<80x128xf32, #tpu.memory_space<vmem>>) target(%dma_start3A_244 : memref<80x128xf32, #tpu.memory_space<hbm>>) target_semaphore(%run_scoped3A : memref<!tpu.dma_semaphore, #tpu.memory_space<semaphore_mem>>)
      %dma_wait3A_245 = arith.constant 0 : i32
      %dma_wait3A_246 = tpu.memref_slice %arg4[%add3A_41, %dma_wait3A_245] : memref<51200x128xf32, #tpu.memory_space<hbm>> -> memref<80x128xf32, #tpu.memory_space<hbm>>
      %dma_wait3A_247 = arith.constant 0 : i32
      %dma_wait3A_248 = tpu.memref_slice %arg4[%add3A_41, %dma_wait3A_247] : memref<51200x128xf32, #tpu.memory_space<hbm>> -> memref<80x128xf32, #tpu.memory_space<hbm>>
      tpu.wait_dma2 semaphore(%run_scoped3A : memref<!tpu.dma_semaphore, #tpu.memory_space<semaphore_mem>>) src(%arg6 : memref<80x128xf32, #tpu.memory_space<vmem>>) dst(%dma_wait3A_248 : memref<80x128xf32, #tpu.memory_space<hbm>>)
      tpu.yield
    }) : () -> ()
    %dma_start3A_42 = arith.constant 320 : i32
    %dma_start3A_43 = tpu.memref_slice %arg5[%dma_start3A_42] : memref<1600xi32, #tpu.memory_space<vmem>> -> memref<80xi32, #tpu.memory_space<vmem>>
    %dma_start3A_44 = arith.constant 0 : i32
    %dma_start3A_45 = arith.constant 0 : i32
    %dma_start3A_46 = tpu.memref_slice %arg3[%dma_start3A_44, %dma_start3A_45] : memref<100000x128xf32, #tpu.memory_space<hbm>> -> memref<100000x128xf32, #tpu.memory_space<hbm>>
    tpu.enqueue_indirect_dma source(%dma_start3A_46 : memref<100000x128xf32, #tpu.memory_space<hbm>>) target(%arg6 : memref<80x128xf32, #tpu.memory_space<vmem>>) offsets(%dma_start3A_43 : memref<80xi32, #tpu.memory_space<vmem>>) semaphore(%arg8 : memref<!tpu.dma_semaphore, #tpu.memory_space<semaphore_mem>>)
    %dma_wait3A_47 = arith.constant 240 : i32
    %dma_wait3A_48 = tpu.memref_slice %arg5[%dma_wait3A_47] : memref<1600xi32, #tpu.memory_space<vmem>> -> memref<80xi32, #tpu.memory_space<vmem>>
    %dma_wait3A_49 = arith.constant 0 : i32
    %dma_wait3A_50 = arith.constant 0 : i32
    %dma_wait3A_51 = tpu.memref_slice %arg3[%dma_wait3A_49, %dma_wait3A_50] : memref<100000x128xf32, #tpu.memory_space<hbm>> -> memref<100000x128xf32, #tpu.memory_space<hbm>>
    tpu.wait_indirect_dma semaphore(%arg9 : memref<!tpu.dma_semaphore, #tpu.memory_space<semaphore_mem>>) src(%dma_wait3A_51 : memref<100000x128xf32, #tpu.memory_space<hbm>>) dst(%arg7 : memref<80x128xf32, #tpu.memory_space<vmem>>)
    %add3A_52 = arith.constant 240 : i32
    %add3A_53 = arith.addi %mul3A_2, %add3A_52 : i32
    "tpu.region"() ({
      %run_scoped3A = tpu.sem_alloc : memref<!tpu.dma_semaphore, #tpu.memory_space<semaphore_mem>>
      %dma_start3A_241 = arith.constant 0 : i32
      %dma_start3A_242 = tpu.memref_slice %arg4[%add3A_53, %dma_start3A_241] : memref<51200x128xf32, #tpu.memory_space<hbm>> -> memref<80x128xf32, #tpu.memory_space<hbm>>
      %dma_start3A_243 = arith.constant 0 : i32
      %dma_start3A_244 = tpu.memref_slice %arg4[%add3A_53, %dma_start3A_243] : memref<51200x128xf32, #tpu.memory_space<hbm>> -> memref<80x128xf32, #tpu.memory_space<hbm>>
      tpu.enqueue_dma source(%arg7 : memref<80x128xf32, #tpu.memory_space<vmem>>) target(%dma_start3A_244 : memref<80x128xf32, #tpu.memory_space<hbm>>) target_semaphore(%run_scoped3A : memref<!tpu.dma_semaphore, #tpu.memory_space<semaphore_mem>>)
      %dma_wait3A_245 = arith.constant 0 : i32
      %dma_wait3A_246 = tpu.memref_slice %arg4[%add3A_53, %dma_wait3A_245] : memref<51200x128xf32, #tpu.memory_space<hbm>> -> memref<80x128xf32, #tpu.memory_space<hbm>>
      %dma_wait3A_247 = arith.constant 0 : i32
      %dma_wait3A_248 = tpu.memref_slice %arg4[%add3A_53, %dma_wait3A_247] : memref<51200x128xf32, #tpu.memory_space<hbm>> -> memref<80x128xf32, #tpu.memory_space<hbm>>
      tpu.wait_dma2 semaphore(%run_scoped3A : memref<!tpu.dma_semaphore, #tpu.memory_space<semaphore_mem>>) src(%arg7 : memref<80x128xf32, #tpu.memory_space<vmem>>) dst(%dma_wait3A_248 : memref<80x128xf32, #tpu.memory_space<hbm>>)
      tpu.yield
    }) : () -> ()
    %dma_start3A_54 = arith.constant 400 : i32
    %dma_start3A_55 = tpu.memref_slice %arg5[%dma_start3A_54] : memref<1600xi32, #tpu.memory_space<vmem>> -> memref<80xi32, #tpu.memory_space<vmem>>
    %dma_start3A_56 = arith.constant 0 : i32
    %dma_start3A_57 = arith.constant 0 : i32
    %dma_start3A_58 = tpu.memref_slice %arg3[%dma_start3A_56, %dma_start3A_57] : memref<100000x128xf32, #tpu.memory_space<hbm>> -> memref<100000x128xf32, #tpu.memory_space<hbm>>
    tpu.enqueue_indirect_dma source(%dma_start3A_58 : memref<100000x128xf32, #tpu.memory_space<hbm>>) target(%arg7 : memref<80x128xf32, #tpu.memory_space<vmem>>) offsets(%dma_start3A_55 : memref<80xi32, #tpu.memory_space<vmem>>) semaphore(%arg9 : memref<!tpu.dma_semaphore, #tpu.memory_space<semaphore_mem>>)
    %dma_wait3A_59 = arith.constant 320 : i32
    %dma_wait3A_60 = tpu.memref_slice %arg5[%dma_wait3A_59] : memref<1600xi32, #tpu.memory_space<vmem>> -> memref<80xi32, #tpu.memory_space<vmem>>
    %dma_wait3A_61 = arith.constant 0 : i32
    %dma_wait3A_62 = arith.constant 0 : i32
    %dma_wait3A_63 = tpu.memref_slice %arg3[%dma_wait3A_61, %dma_wait3A_62] : memref<100000x128xf32, #tpu.memory_space<hbm>> -> memref<100000x128xf32, #tpu.memory_space<hbm>>
    tpu.wait_indirect_dma semaphore(%arg8 : memref<!tpu.dma_semaphore, #tpu.memory_space<semaphore_mem>>) src(%dma_wait3A_63 : memref<100000x128xf32, #tpu.memory_space<hbm>>) dst(%arg6 : memref<80x128xf32, #tpu.memory_space<vmem>>)
    %add3A_64 = arith.constant 320 : i32
    %add3A_65 = arith.addi %mul3A_2, %add3A_64 : i32
    "tpu.region"() ({
      %run_scoped3A = tpu.sem_alloc : memref<!tpu.dma_semaphore, #tpu.memory_space<semaphore_mem>>
      %dma_start3A_241 = arith.constant 0 : i32
      %dma_start3A_242 = tpu.memref_slice %arg4[%add3A_65, %dma_start3A_241] : memref<51200x128xf32, #tpu.memory_space<hbm>> -> memref<80x128xf32, #tpu.memory_space<hbm>>
      %dma_start3A_243 = arith.constant 0 : i32
      %dma_start3A_244 = tpu.memref_slice %arg4[%add3A_65, %dma_start3A_243] : memref<51200x128xf32, #tpu.memory_space<hbm>> -> memref<80x128xf32, #tpu.memory_space<hbm>>
      tpu.enqueue_dma source(%arg6 : memref<80x128xf32, #tpu.memory_space<vmem>>) target(%dma_start3A_244 : memref<80x128xf32, #tpu.memory_space<hbm>>) target_semaphore(%run_scoped3A : memref<!tpu.dma_semaphore, #tpu.memory_space<semaphore_mem>>)
      %dma_wait3A_245 = arith.constant 0 : i32
      %dma_wait3A_246 = tpu.memref_slice %arg4[%add3A_65, %dma_wait3A_245] : memref<51200x128xf32, #tpu.memory_space<hbm>> -> memref<80x128xf32, #tpu.memory_space<hbm>>
      %dma_wait3A_247 = arith.constant 0 : i32
      %dma_wait3A_248 = tpu.memref_slice %arg4[%add3A_65, %dma_wait3A_247] : memref<51200x128xf32, #tpu.memory_space<hbm>> -> memref<80x128xf32, #tpu.memory_space<hbm>>
      tpu.wait_dma2 semaphore(%run_scoped3A : memref<!tpu.dma_semaphore, #tpu.memory_space<semaphore_mem>>) src(%arg6 : memref<80x128xf32, #tpu.memory_space<vmem>>) dst(%dma_wait3A_248 : memref<80x128xf32, #tpu.memory_space<hbm>>)
      tpu.yield
    }) : () -> ()
    %dma_start3A_66 = arith.constant 480 : i32
    %dma_start3A_67 = tpu.memref_slice %arg5[%dma_start3A_66] : memref<1600xi32, #tpu.memory_space<vmem>> -> memref<80xi32, #tpu.memory_space<vmem>>
    %dma_start3A_68 = arith.constant 0 : i32
    %dma_start3A_69 = arith.constant 0 : i32
    %dma_start3A_70 = tpu.memref_slice %arg3[%dma_start3A_68, %dma_start3A_69] : memref<100000x128xf32, #tpu.memory_space<hbm>> -> memref<100000x128xf32, #tpu.memory_space<hbm>>
    tpu.enqueue_indirect_dma source(%dma_start3A_70 : memref<100000x128xf32, #tpu.memory_space<hbm>>) target(%arg6 : memref<80x128xf32, #tpu.memory_space<vmem>>) offsets(%dma_start3A_67 : memref<80xi32, #tpu.memory_space<vmem>>) semaphore(%arg8 : memref<!tpu.dma_semaphore, #tpu.memory_space<semaphore_mem>>)
    %dma_wait3A_71 = arith.constant 400 : i32
    %dma_wait3A_72 = tpu.memref_slice %arg5[%dma_wait3A_71] : memref<1600xi32, #tpu.memory_space<vmem>> -> memref<80xi32, #tpu.memory_space<vmem>>
    %dma_wait3A_73 = arith.constant 0 : i32
    %dma_wait3A_74 = arith.constant 0 : i32
    %dma_wait3A_75 = tpu.memref_slice %arg3[%dma_wait3A_73, %dma_wait3A_74] : memref<100000x128xf32, #tpu.memory_space<hbm>> -> memref<100000x128xf32, #tpu.memory_space<hbm>>
    tpu.wait_indirect_dma semaphore(%arg9 : memref<!tpu.dma_semaphore, #tpu.memory_space<semaphore_mem>>) src(%dma_wait3A_75 : memref<100000x128xf32, #tpu.memory_space<hbm>>) dst(%arg7 : memref<80x128xf32, #tpu.memory_space<vmem>>)
    %add3A_76 = arith.constant 400 : i32
    %add3A_77 = arith.addi %mul3A_2, %add3A_76 : i32
    "tpu.region"() ({
      %run_scoped3A = tpu.sem_alloc : memref<!tpu.dma_semaphore, #tpu.memory_space<semaphore_mem>>
      %dma_start3A_241 = arith.constant 0 : i32
      %dma_start3A_242 = tpu.memref_slice %arg4[%add3A_77, %dma_start3A_241] : memref<51200x128xf32, #tpu.memory_space<hbm>> -> memref<80x128xf32, #tpu.memory_space<hbm>>
      %dma_start3A_243 = arith.constant 0 : i32
      %dma_start3A_244 = tpu.memref_slice %arg4[%add3A_77, %dma_start3A_243] : memref<51200x128xf32, #tpu.memory_space<hbm>> -> memref<80x128xf32, #tpu.memory_space<hbm>>
      tpu.enqueue_dma source(%arg7 : memref<80x128xf32, #tpu.memory_space<vmem>>) target(%dma_start3A_244 : memref<80x128xf32, #tpu.memory_space<hbm>>) target_semaphore(%run_scoped3A : memref<!tpu.dma_semaphore, #tpu.memory_space<semaphore_mem>>)
      %dma_wait3A_245 = arith.constant 0 : i32
      %dma_wait3A_246 = tpu.memref_slice %arg4[%add3A_77, %dma_wait3A_245] : memref<51200x128xf32, #tpu.memory_space<hbm>> -> memref<80x128xf32, #tpu.memory_space<hbm>>
      %dma_wait3A_247 = arith.constant 0 : i32
      %dma_wait3A_248 = tpu.memref_slice %arg4[%add3A_77, %dma_wait3A_247] : memref<51200x128xf32, #tpu.memory_space<hbm>> -> memref<80x128xf32, #tpu.memory_space<hbm>>
      tpu.wait_dma2 semaphore(%run_scoped3A : memref<!tpu.dma_semaphore, #tpu.memory_space<semaphore_mem>>) src(%arg7 : memref<80x128xf32, #tpu.memory_space<vmem>>) dst(%dma_wait3A_248 : memref<80x128xf32, #tpu.memory_space<hbm>>)
      tpu.yield
    }) : () -> ()
    %dma_start3A_78 = arith.constant 560 : i32
    %dma_start3A_79 = tpu.memref_slice %arg5[%dma_start3A_78] : memref<1600xi32, #tpu.memory_space<vmem>> -> memref<80xi32, #tpu.memory_space<vmem>>
    %dma_start3A_80 = arith.constant 0 : i32
    %dma_start3A_81 = arith.constant 0 : i32
    %dma_start3A_82 = tpu.memref_slice %arg3[%dma_start3A_80, %dma_start3A_81] : memref<100000x128xf32, #tpu.memory_space<hbm>> -> memref<100000x128xf32, #tpu.memory_space<hbm>>
    tpu.enqueue_indirect_dma source(%dma_start3A_82 : memref<100000x128xf32, #tpu.memory_space<hbm>>) target(%arg7 : memref<80x128xf32, #tpu.memory_space<vmem>>) offsets(%dma_start3A_79 : memref<80xi32, #tpu.memory_space<vmem>>) semaphore(%arg9 : memref<!tpu.dma_semaphore, #tpu.memory_space<semaphore_mem>>)
    %dma_wait3A_83 = arith.constant 480 : i32
    %dma_wait3A_84 = tpu.memref_slice %arg5[%dma_wait3A_83] : memref<1600xi32, #tpu.memory_space<vmem>> -> memref<80xi32, #tpu.memory_space<vmem>>
    %dma_wait3A_85 = arith.constant 0 : i32
    %dma_wait3A_86 = arith.constant 0 : i32
    %dma_wait3A_87 = tpu.memref_slice %arg3[%dma_wait3A_85, %dma_wait3A_86] : memref<100000x128xf32, #tpu.memory_space<hbm>> -> memref<100000x128xf32, #tpu.memory_space<hbm>>
    tpu.wait_indirect_dma semaphore(%arg8 : memref<!tpu.dma_semaphore, #tpu.memory_space<semaphore_mem>>) src(%dma_wait3A_87 : memref<100000x128xf32, #tpu.memory_space<hbm>>) dst(%arg6 : memref<80x128xf32, #tpu.memory_space<vmem>>)
    %add3A_88 = arith.constant 480 : i32
    %add3A_89 = arith.addi %mul3A_2, %add3A_88 : i32
    "tpu.region"() ({
      %run_scoped3A = tpu.sem_alloc : memref<!tpu.dma_semaphore, #tpu.memory_space<semaphore_mem>>
      %dma_start3A_241 = arith.constant 0 : i32
      %dma_start3A_242 = tpu.memref_slice %arg4[%add3A_89, %dma_start3A_241] : memref<51200x128xf32, #tpu.memory_space<hbm>> -> memref<80x128xf32, #tpu.memory_space<hbm>>
      %dma_start3A_243 = arith.constant 0 : i32
      %dma_start3A_244 = tpu.memref_slice %arg4[%add3A_89, %dma_start3A_243] : memref<51200x128xf32, #tpu.memory_space<hbm>> -> memref<80x128xf32, #tpu.memory_space<hbm>>
      tpu.enqueue_dma source(%arg6 : memref<80x128xf32, #tpu.memory_space<vmem>>) target(%dma_start3A_244 : memref<80x128xf32, #tpu.memory_space<hbm>>) target_semaphore(%run_scoped3A : memref<!tpu.dma_semaphore, #tpu.memory_space<semaphore_mem>>)
      %dma_wait3A_245 = arith.constant 0 : i32
      %dma_wait3A_246 = tpu.memref_slice %arg4[%add3A_89, %dma_wait3A_245] : memref<51200x128xf32, #tpu.memory_space<hbm>> -> memref<80x128xf32, #tpu.memory_space<hbm>>
      %dma_wait3A_247 = arith.constant 0 : i32
      %dma_wait3A_248 = tpu.memref_slice %arg4[%add3A_89, %dma_wait3A_247] : memref<51200x128xf32, #tpu.memory_space<hbm>> -> memref<80x128xf32, #tpu.memory_space<hbm>>
      tpu.wait_dma2 semaphore(%run_scoped3A : memref<!tpu.dma_semaphore, #tpu.memory_space<semaphore_mem>>) src(%arg6 : memref<80x128xf32, #tpu.memory_space<vmem>>) dst(%dma_wait3A_248 : memref<80x128xf32, #tpu.memory_space<hbm>>)
      tpu.yield
    }) : () -> ()
    %dma_start3A_90 = arith.constant 640 : i32
    %dma_start3A_91 = tpu.memref_slice %arg5[%dma_start3A_90] : memref<1600xi32, #tpu.memory_space<vmem>> -> memref<80xi32, #tpu.memory_space<vmem>>
    %dma_start3A_92 = arith.constant 0 : i32
    %dma_start3A_93 = arith.constant 0 : i32
    %dma_start3A_94 = tpu.memref_slice %arg3[%dma_start3A_92, %dma_start3A_93] : memref<100000x128xf32, #tpu.memory_space<hbm>> -> memref<100000x128xf32, #tpu.memory_space<hbm>>
    tpu.enqueue_indirect_dma source(%dma_start3A_94 : memref<100000x128xf32, #tpu.memory_space<hbm>>) target(%arg6 : memref<80x128xf32, #tpu.memory_space<vmem>>) offsets(%dma_start3A_91 : memref<80xi32, #tpu.memory_space<vmem>>) semaphore(%arg8 : memref<!tpu.dma_semaphore, #tpu.memory_space<semaphore_mem>>)
    %dma_wait3A_95 = arith.constant 560 : i32
    %dma_wait3A_96 = tpu.memref_slice %arg5[%dma_wait3A_95] : memref<1600xi32, #tpu.memory_space<vmem>> -> memref<80xi32, #tpu.memory_space<vmem>>
    %dma_wait3A_97 = arith.constant 0 : i32
    %dma_wait3A_98 = arith.constant 0 : i32
    %dma_wait3A_99 = tpu.memref_slice %arg3[%dma_wait3A_97, %dma_wait3A_98] : memref<100000x128xf32, #tpu.memory_space<hbm>> -> memref<100000x128xf32, #tpu.memory_space<hbm>>
    tpu.wait_indirect_dma semaphore(%arg9 : memref<!tpu.dma_semaphore, #tpu.memory_space<semaphore_mem>>) src(%dma_wait3A_99 : memref<100000x128xf32, #tpu.memory_space<hbm>>) dst(%arg7 : memref<80x128xf32, #tpu.memory_space<vmem>>)
    %add3A_100 = arith.constant 560 : i32
    %add3A_101 = arith.addi %mul3A_2, %add3A_100 : i32
    "tpu.region"() ({
      %run_scoped3A = tpu.sem_alloc : memref<!tpu.dma_semaphore, #tpu.memory_space<semaphore_mem>>
      %dma_start3A_241 = arith.constant 0 : i32
      %dma_start3A_242 = tpu.memref_slice %arg4[%add3A_101, %dma_start3A_241] : memref<51200x128xf32, #tpu.memory_space<hbm>> -> memref<80x128xf32, #tpu.memory_space<hbm>>
      %dma_start3A_243 = arith.constant 0 : i32
      %dma_start3A_244 = tpu.memref_slice %arg4[%add3A_101, %dma_start3A_243] : memref<51200x128xf32, #tpu.memory_space<hbm>> -> memref<80x128xf32, #tpu.memory_space<hbm>>
      tpu.enqueue_dma source(%arg7 : memref<80x128xf32, #tpu.memory_space<vmem>>) target(%dma_start3A_244 : memref<80x128xf32, #tpu.memory_space<hbm>>) target_semaphore(%run_scoped3A : memref<!tpu.dma_semaphore, #tpu.memory_space<semaphore_mem>>)
      %dma_wait3A_245 = arith.constant 0 : i32
      %dma_wait3A_246 = tpu.memref_slice %arg4[%add3A_101, %dma_wait3A_245] : memref<51200x128xf32, #tpu.memory_space<hbm>> -> memref<80x128xf32, #tpu.memory_space<hbm>>
      %dma_wait3A_247 = arith.constant 0 : i32
      %dma_wait3A_248 = tpu.memref_slice %arg4[%add3A_101, %dma_wait3A_247] : memref<51200x128xf32, #tpu.memory_space<hbm>> -> memref<80x128xf32, #tpu.memory_space<hbm>>
      tpu.wait_dma2 semaphore(%run_scoped3A : memref<!tpu.dma_semaphore, #tpu.memory_space<semaphore_mem>>) src(%arg7 : memref<80x128xf32, #tpu.memory_space<vmem>>) dst(%dma_wait3A_248 : memref<80x128xf32, #tpu.memory_space<hbm>>)
      tpu.yield
    }) : () -> ()
    %dma_start3A_102 = arith.constant 720 : i32
    %dma_start3A_103 = tpu.memref_slice %arg5[%dma_start3A_102] : memref<1600xi32, #tpu.memory_space<vmem>> -> memref<80xi32, #tpu.memory_space<vmem>>
    %dma_start3A_104 = arith.constant 0 : i32
    %dma_start3A_105 = arith.constant 0 : i32
    %dma_start3A_106 = tpu.memref_slice %arg3[%dma_start3A_104, %dma_start3A_105] : memref<100000x128xf32, #tpu.memory_space<hbm>> -> memref<100000x128xf32, #tpu.memory_space<hbm>>
    tpu.enqueue_indirect_dma source(%dma_start3A_106 : memref<100000x128xf32, #tpu.memory_space<hbm>>) target(%arg7 : memref<80x128xf32, #tpu.memory_space<vmem>>) offsets(%dma_start3A_103 : memref<80xi32, #tpu.memory_space<vmem>>) semaphore(%arg9 : memref<!tpu.dma_semaphore, #tpu.memory_space<semaphore_mem>>)
    %dma_wait3A_107 = arith.constant 640 : i32
    %dma_wait3A_108 = tpu.memref_slice %arg5[%dma_wait3A_107] : memref<1600xi32, #tpu.memory_space<vmem>> -> memref<80xi32, #tpu.memory_space<vmem>>
    %dma_wait3A_109 = arith.constant 0 : i32
    %dma_wait3A_110 = arith.constant 0 : i32
    %dma_wait3A_111 = tpu.memref_slice %arg3[%dma_wait3A_109, %dma_wait3A_110] : memref<100000x128xf32, #tpu.memory_space<hbm>> -> memref<100000x128xf32, #tpu.memory_space<hbm>>
    tpu.wait_indirect_dma semaphore(%arg8 : memref<!tpu.dma_semaphore, #tpu.memory_space<semaphore_mem>>) src(%dma_wait3A_111 : memref<100000x128xf32, #tpu.memory_space<hbm>>) dst(%arg6 : memref<80x128xf32, #tpu.memory_space<vmem>>)
    %add3A_112 = arith.constant 640 : i32
    %add3A_113 = arith.addi %mul3A_2, %add3A_112 : i32
    "tpu.region"() ({
      %run_scoped3A = tpu.sem_alloc : memref<!tpu.dma_semaphore, #tpu.memory_space<semaphore_mem>>
      %dma_start3A_241 = arith.constant 0 : i32
      %dma_start3A_242 = tpu.memref_slice %arg4[%add3A_113, %dma_start3A_241] : memref<51200x128xf32, #tpu.memory_space<hbm>> -> memref<80x128xf32, #tpu.memory_space<hbm>>
      %dma_start3A_243 = arith.constant 0 : i32
      %dma_start3A_244 = tpu.memref_slice %arg4[%add3A_113, %dma_start3A_243] : memref<51200x128xf32, #tpu.memory_space<hbm>> -> memref<80x128xf32, #tpu.memory_space<hbm>>
      tpu.enqueue_dma source(%arg6 : memref<80x128xf32, #tpu.memory_space<vmem>>) target(%dma_start3A_244 : memref<80x128xf32, #tpu.memory_space<hbm>>) target_semaphore(%run_scoped3A : memref<!tpu.dma_semaphore, #tpu.memory_space<semaphore_mem>>)
      %dma_wait3A_245 = arith.constant 0 : i32
      %dma_wait3A_246 = tpu.memref_slice %arg4[%add3A_113, %dma_wait3A_245] : memref<51200x128xf32, #tpu.memory_space<hbm>> -> memref<80x128xf32, #tpu.memory_space<hbm>>
      %dma_wait3A_247 = arith.constant 0 : i32
      %dma_wait3A_248 = tpu.memref_slice %arg4[%add3A_113, %dma_wait3A_247] : memref<51200x128xf32, #tpu.memory_space<hbm>> -> memref<80x128xf32, #tpu.memory_space<hbm>>
      tpu.wait_dma2 semaphore(%run_scoped3A : memref<!tpu.dma_semaphore, #tpu.memory_space<semaphore_mem>>) src(%arg6 : memref<80x128xf32, #tpu.memory_space<vmem>>) dst(%dma_wait3A_248 : memref<80x128xf32, #tpu.memory_space<hbm>>)
      tpu.yield
    }) : () -> ()
    %dma_start3A_114 = arith.constant 800 : i32
    %dma_start3A_115 = tpu.memref_slice %arg5[%dma_start3A_114] : memref<1600xi32, #tpu.memory_space<vmem>> -> memref<80xi32, #tpu.memory_space<vmem>>
    %dma_start3A_116 = arith.constant 0 : i32
    %dma_start3A_117 = arith.constant 0 : i32
    %dma_start3A_118 = tpu.memref_slice %arg3[%dma_start3A_116, %dma_start3A_117] : memref<100000x128xf32, #tpu.memory_space<hbm>> -> memref<100000x128xf32, #tpu.memory_space<hbm>>
    tpu.enqueue_indirect_dma source(%dma_start3A_118 : memref<100000x128xf32, #tpu.memory_space<hbm>>) target(%arg6 : memref<80x128xf32, #tpu.memory_space<vmem>>) offsets(%dma_start3A_115 : memref<80xi32, #tpu.memory_space<vmem>>) semaphore(%arg8 : memref<!tpu.dma_semaphore, #tpu.memory_space<semaphore_mem>>)
    %dma_wait3A_119 = arith.constant 720 : i32
    %dma_wait3A_120 = tpu.memref_slice %arg5[%dma_wait3A_119] : memref<1600xi32, #tpu.memory_space<vmem>> -> memref<80xi32, #tpu.memory_space<vmem>>
    %dma_wait3A_121 = arith.constant 0 : i32
    %dma_wait3A_122 = arith.constant 0 : i32
    %dma_wait3A_123 = tpu.memref_slice %arg3[%dma_wait3A_121, %dma_wait3A_122] : memref<100000x128xf32, #tpu.memory_space<hbm>> -> memref<100000x128xf32, #tpu.memory_space<hbm>>
    tpu.wait_indirect_dma semaphore(%arg9 : memref<!tpu.dma_semaphore, #tpu.memory_space<semaphore_mem>>) src(%dma_wait3A_123 : memref<100000x128xf32, #tpu.memory_space<hbm>>) dst(%arg7 : memref<80x128xf32, #tpu.memory_space<vmem>>)
    %add3A_124 = arith.constant 720 : i32
    %add3A_125 = arith.addi %mul3A_2, %add3A_124 : i32
    "tpu.region"() ({
      %run_scoped3A = tpu.sem_alloc : memref<!tpu.dma_semaphore, #tpu.memory_space<semaphore_mem>>
      %dma_start3A_241 = arith.constant 0 : i32
      %dma_start3A_242 = tpu.memref_slice %arg4[%add3A_125, %dma_start3A_241] : memref<51200x128xf32, #tpu.memory_space<hbm>> -> memref<80x128xf32, #tpu.memory_space<hbm>>
      %dma_start3A_243 = arith.constant 0 : i32
      %dma_start3A_244 = tpu.memref_slice %arg4[%add3A_125, %dma_start3A_243] : memref<51200x128xf32, #tpu.memory_space<hbm>> -> memref<80x128xf32, #tpu.memory_space<hbm>>
      tpu.enqueue_dma source(%arg7 : memref<80x128xf32, #tpu.memory_space<vmem>>) target(%dma_start3A_244 : memref<80x128xf32, #tpu.memory_space<hbm>>) target_semaphore(%run_scoped3A : memref<!tpu.dma_semaphore, #tpu.memory_space<semaphore_mem>>)
      %dma_wait3A_245 = arith.constant 0 : i32
      %dma_wait3A_246 = tpu.memref_slice %arg4[%add3A_125, %dma_wait3A_245] : memref<51200x128xf32, #tpu.memory_space<hbm>> -> memref<80x128xf32, #tpu.memory_space<hbm>>
      %dma_wait3A_247 = arith.constant 0 : i32
      %dma_wait3A_248 = tpu.memref_slice %arg4[%add3A_125, %dma_wait3A_247] : memref<51200x128xf32, #tpu.memory_space<hbm>> -> memref<80x128xf32, #tpu.memory_space<hbm>>
      tpu.wait_dma2 semaphore(%run_scoped3A : memref<!tpu.dma_semaphore, #tpu.memory_space<semaphore_mem>>) src(%arg7 : memref<80x128xf32, #tpu.memory_space<vmem>>) dst(%dma_wait3A_248 : memref<80x128xf32, #tpu.memory_space<hbm>>)
      tpu.yield
    }) : () -> ()
    %dma_start3A_126 = arith.constant 880 : i32
    %dma_start3A_127 = tpu.memref_slice %arg5[%dma_start3A_126] : memref<1600xi32, #tpu.memory_space<vmem>> -> memref<80xi32, #tpu.memory_space<vmem>>
    %dma_start3A_128 = arith.constant 0 : i32
    %dma_start3A_129 = arith.constant 0 : i32
    %dma_start3A_130 = tpu.memref_slice %arg3[%dma_start3A_128, %dma_start3A_129] : memref<100000x128xf32, #tpu.memory_space<hbm>> -> memref<100000x128xf32, #tpu.memory_space<hbm>>
    tpu.enqueue_indirect_dma source(%dma_start3A_130 : memref<100000x128xf32, #tpu.memory_space<hbm>>) target(%arg7 : memref<80x128xf32, #tpu.memory_space<vmem>>) offsets(%dma_start3A_127 : memref<80xi32, #tpu.memory_space<vmem>>) semaphore(%arg9 : memref<!tpu.dma_semaphore, #tpu.memory_space<semaphore_mem>>)
    %dma_wait3A_131 = arith.constant 800 : i32
    %dma_wait3A_132 = tpu.memref_slice %arg5[%dma_wait3A_131] : memref<1600xi32, #tpu.memory_space<vmem>> -> memref<80xi32, #tpu.memory_space<vmem>>
    %dma_wait3A_133 = arith.constant 0 : i32
    %dma_wait3A_134 = arith.constant 0 : i32
    %dma_wait3A_135 = tpu.memref_slice %arg3[%dma_wait3A_133, %dma_wait3A_134] : memref<100000x128xf32, #tpu.memory_space<hbm>> -> memref<100000x128xf32, #tpu.memory_space<hbm>>
    tpu.wait_indirect_dma semaphore(%arg8 : memref<!tpu.dma_semaphore, #tpu.memory_space<semaphore_mem>>) src(%dma_wait3A_135 : memref<100000x128xf32, #tpu.memory_space<hbm>>) dst(%arg6 : memref<80x128xf32, #tpu.memory_space<vmem>>)
    %add3A_136 = arith.constant 800 : i32
    %add3A_137 = arith.addi %mul3A_2, %add3A_136 : i32
    "tpu.region"() ({
      %run_scoped3A = tpu.sem_alloc : memref<!tpu.dma_semaphore, #tpu.memory_space<semaphore_mem>>
      %dma_start3A_241 = arith.constant 0 : i32
      %dma_start3A_242 = tpu.memref_slice %arg4[%add3A_137, %dma_start3A_241] : memref<51200x128xf32, #tpu.memory_space<hbm>> -> memref<80x128xf32, #tpu.memory_space<hbm>>
      %dma_start3A_243 = arith.constant 0 : i32
      %dma_start3A_244 = tpu.memref_slice %arg4[%add3A_137, %dma_start3A_243] : memref<51200x128xf32, #tpu.memory_space<hbm>> -> memref<80x128xf32, #tpu.memory_space<hbm>>
      tpu.enqueue_dma source(%arg6 : memref<80x128xf32, #tpu.memory_space<vmem>>) target(%dma_start3A_244 : memref<80x128xf32, #tpu.memory_space<hbm>>) target_semaphore(%run_scoped3A : memref<!tpu.dma_semaphore, #tpu.memory_space<semaphore_mem>>)
      %dma_wait3A_245 = arith.constant 0 : i32
      %dma_wait3A_246 = tpu.memref_slice %arg4[%add3A_137, %dma_wait3A_245] : memref<51200x128xf32, #tpu.memory_space<hbm>> -> memref<80x128xf32, #tpu.memory_space<hbm>>
      %dma_wait3A_247 = arith.constant 0 : i32
      %dma_wait3A_248 = tpu.memref_slice %arg4[%add3A_137, %dma_wait3A_247] : memref<51200x128xf32, #tpu.memory_space<hbm>> -> memref<80x128xf32, #tpu.memory_space<hbm>>
      tpu.wait_dma2 semaphore(%run_scoped3A : memref<!tpu.dma_semaphore, #tpu.memory_space<semaphore_mem>>) src(%arg6 : memref<80x128xf32, #tpu.memory_space<vmem>>) dst(%dma_wait3A_248 : memref<80x128xf32, #tpu.memory_space<hbm>>)
      tpu.yield
    }) : () -> ()
    %dma_start3A_138 = arith.constant 960 : i32
    %dma_start3A_139 = tpu.memref_slice %arg5[%dma_start3A_138] : memref<1600xi32, #tpu.memory_space<vmem>> -> memref<80xi32, #tpu.memory_space<vmem>>
    %dma_start3A_140 = arith.constant 0 : i32
    %dma_start3A_141 = arith.constant 0 : i32
    %dma_start3A_142 = tpu.memref_slice %arg3[%dma_start3A_140, %dma_start3A_141] : memref<100000x128xf32, #tpu.memory_space<hbm>> -> memref<100000x128xf32, #tpu.memory_space<hbm>>
    tpu.enqueue_indirect_dma source(%dma_start3A_142 : memref<100000x128xf32, #tpu.memory_space<hbm>>) target(%arg6 : memref<80x128xf32, #tpu.memory_space<vmem>>) offsets(%dma_start3A_139 : memref<80xi32, #tpu.memory_space<vmem>>) semaphore(%arg8 : memref<!tpu.dma_semaphore, #tpu.memory_space<semaphore_mem>>)
    %dma_wait3A_143 = arith.constant 880 : i32
    %dma_wait3A_144 = tpu.memref_slice %arg5[%dma_wait3A_143] : memref<1600xi32, #tpu.memory_space<vmem>> -> memref<80xi32, #tpu.memory_space<vmem>>
    %dma_wait3A_145 = arith.constant 0 : i32
    %dma_wait3A_146 = arith.constant 0 : i32
    %dma_wait3A_147 = tpu.memref_slice %arg3[%dma_wait3A_145, %dma_wait3A_146] : memref<100000x128xf32, #tpu.memory_space<hbm>> -> memref<100000x128xf32, #tpu.memory_space<hbm>>
    tpu.wait_indirect_dma semaphore(%arg9 : memref<!tpu.dma_semaphore, #tpu.memory_space<semaphore_mem>>) src(%dma_wait3A_147 : memref<100000x128xf32, #tpu.memory_space<hbm>>) dst(%arg7 : memref<80x128xf32, #tpu.memory_space<vmem>>)
    %add3A_148 = arith.constant 880 : i32
    %add3A_149 = arith.addi %mul3A_2, %add3A_148 : i32
    "tpu.region"() ({
      %run_scoped3A = tpu.sem_alloc : memref<!tpu.dma_semaphore, #tpu.memory_space<semaphore_mem>>
      %dma_start3A_241 = arith.constant 0 : i32
      %dma_start3A_242 = tpu.memref_slice %arg4[%add3A_149, %dma_start3A_241] : memref<51200x128xf32, #tpu.memory_space<hbm>> -> memref<80x128xf32, #tpu.memory_space<hbm>>
      %dma_start3A_243 = arith.constant 0 : i32
      %dma_start3A_244 = tpu.memref_slice %arg4[%add3A_149, %dma_start3A_243] : memref<51200x128xf32, #tpu.memory_space<hbm>> -> memref<80x128xf32, #tpu.memory_space<hbm>>
      tpu.enqueue_dma source(%arg7 : memref<80x128xf32, #tpu.memory_space<vmem>>) target(%dma_start3A_244 : memref<80x128xf32, #tpu.memory_space<hbm>>) target_semaphore(%run_scoped3A : memref<!tpu.dma_semaphore, #tpu.memory_space<semaphore_mem>>)
      %dma_wait3A_245 = arith.constant 0 : i32
      %dma_wait3A_246 = tpu.memref_slice %arg4[%add3A_149, %dma_wait3A_245] : memref<51200x128xf32, #tpu.memory_space<hbm>> -> memref<80x128xf32, #tpu.memory_space<hbm>>
      %dma_wait3A_247 = arith.constant 0 : i32
      %dma_wait3A_248 = tpu.memref_slice %arg4[%add3A_149, %dma_wait3A_247] : memref<51200x128xf32, #tpu.memory_space<hbm>> -> memref<80x128xf32, #tpu.memory_space<hbm>>
      tpu.wait_dma2 semaphore(%run_scoped3A : memref<!tpu.dma_semaphore, #tpu.memory_space<semaphore_mem>>) src(%arg7 : memref<80x128xf32, #tpu.memory_space<vmem>>) dst(%dma_wait3A_248 : memref<80x128xf32, #tpu.memory_space<hbm>>)
      tpu.yield
    }) : () -> ()
    %dma_start3A_150 = arith.constant 1040 : i32
    %dma_start3A_151 = tpu.memref_slice %arg5[%dma_start3A_150] : memref<1600xi32, #tpu.memory_space<vmem>> -> memref<80xi32, #tpu.memory_space<vmem>>
    %dma_start3A_152 = arith.constant 0 : i32
    %dma_start3A_153 = arith.constant 0 : i32
    %dma_start3A_154 = tpu.memref_slice %arg3[%dma_start3A_152, %dma_start3A_153] : memref<100000x128xf32, #tpu.memory_space<hbm>> -> memref<100000x128xf32, #tpu.memory_space<hbm>>
    tpu.enqueue_indirect_dma source(%dma_start3A_154 : memref<100000x128xf32, #tpu.memory_space<hbm>>) target(%arg7 : memref<80x128xf32, #tpu.memory_space<vmem>>) offsets(%dma_start3A_151 : memref<80xi32, #tpu.memory_space<vmem>>) semaphore(%arg9 : memref<!tpu.dma_semaphore, #tpu.memory_space<semaphore_mem>>)
    %dma_wait3A_155 = arith.constant 960 : i32
    %dma_wait3A_156 = tpu.memref_slice %arg5[%dma_wait3A_155] : memref<1600xi32, #tpu.memory_space<vmem>> -> memref<80xi32, #tpu.memory_space<vmem>>
    %dma_wait3A_157 = arith.constant 0 : i32
    %dma_wait3A_158 = arith.constant 0 : i32
    %dma_wait3A_159 = tpu.memref_slice %arg3[%dma_wait3A_157, %dma_wait3A_158] : memref<100000x128xf32, #tpu.memory_space<hbm>> -> memref<100000x128xf32, #tpu.memory_space<hbm>>
    tpu.wait_indirect_dma semaphore(%arg8 : memref<!tpu.dma_semaphore, #tpu.memory_space<semaphore_mem>>) src(%dma_wait3A_159 : memref<100000x128xf32, #tpu.memory_space<hbm>>) dst(%arg6 : memref<80x128xf32, #tpu.memory_space<vmem>>)
    %add3A_160 = arith.constant 960 : i32
    %add3A_161 = arith.addi %mul3A_2, %add3A_160 : i32
    "tpu.region"() ({
      %run_scoped3A = tpu.sem_alloc : memref<!tpu.dma_semaphore, #tpu.memory_space<semaphore_mem>>
      %dma_start3A_241 = arith.constant 0 : i32
      %dma_start3A_242 = tpu.memref_slice %arg4[%add3A_161, %dma_start3A_241] : memref<51200x128xf32, #tpu.memory_space<hbm>> -> memref<80x128xf32, #tpu.memory_space<hbm>>
      %dma_start3A_243 = arith.constant 0 : i32
      %dma_start3A_244 = tpu.memref_slice %arg4[%add3A_161, %dma_start3A_243] : memref<51200x128xf32, #tpu.memory_space<hbm>> -> memref<80x128xf32, #tpu.memory_space<hbm>>
      tpu.enqueue_dma source(%arg6 : memref<80x128xf32, #tpu.memory_space<vmem>>) target(%dma_start3A_244 : memref<80x128xf32, #tpu.memory_space<hbm>>) target_semaphore(%run_scoped3A : memref<!tpu.dma_semaphore, #tpu.memory_space<semaphore_mem>>)
      %dma_wait3A_245 = arith.constant 0 : i32
      %dma_wait3A_246 = tpu.memref_slice %arg4[%add3A_161, %dma_wait3A_245] : memref<51200x128xf32, #tpu.memory_space<hbm>> -> memref<80x128xf32, #tpu.memory_space<hbm>>
      %dma_wait3A_247 = arith.constant 0 : i32
      %dma_wait3A_248 = tpu.memref_slice %arg4[%add3A_161, %dma_wait3A_247] : memref<51200x128xf32, #tpu.memory_space<hbm>> -> memref<80x128xf32, #tpu.memory_space<hbm>>
      tpu.wait_dma2 semaphore(%run_scoped3A : memref<!tpu.dma_semaphore, #tpu.memory_space<semaphore_mem>>) src(%arg6 : memref<80x128xf32, #tpu.memory_space<vmem>>) dst(%dma_wait3A_248 : memref<80x128xf32, #tpu.memory_space<hbm>>)
      tpu.yield
    }) : () -> ()
    %dma_start3A_162 = arith.constant 1120 : i32
    %dma_start3A_163 = tpu.memref_slice %arg5[%dma_start3A_162] : memref<1600xi32, #tpu.memory_space<vmem>> -> memref<80xi32, #tpu.memory_space<vmem>>
    %dma_start3A_164 = arith.constant 0 : i32
    %dma_start3A_165 = arith.constant 0 : i32
    %dma_start3A_166 = tpu.memref_slice %arg3[%dma_start3A_164, %dma_start3A_165] : memref<100000x128xf32, #tpu.memory_space<hbm>> -> memref<100000x128xf32, #tpu.memory_space<hbm>>
    tpu.enqueue_indirect_dma source(%dma_start3A_166 : memref<100000x128xf32, #tpu.memory_space<hbm>>) target(%arg6 : memref<80x128xf32, #tpu.memory_space<vmem>>) offsets(%dma_start3A_163 : memref<80xi32, #tpu.memory_space<vmem>>) semaphore(%arg8 : memref<!tpu.dma_semaphore, #tpu.memory_space<semaphore_mem>>)
    %dma_wait3A_167 = arith.constant 1040 : i32
    %dma_wait3A_168 = tpu.memref_slice %arg5[%dma_wait3A_167] : memref<1600xi32, #tpu.memory_space<vmem>> -> memref<80xi32, #tpu.memory_space<vmem>>
    %dma_wait3A_169 = arith.constant 0 : i32
    %dma_wait3A_170 = arith.constant 0 : i32
    %dma_wait3A_171 = tpu.memref_slice %arg3[%dma_wait3A_169, %dma_wait3A_170] : memref<100000x128xf32, #tpu.memory_space<hbm>> -> memref<100000x128xf32, #tpu.memory_space<hbm>>
    tpu.wait_indirect_dma semaphore(%arg9 : memref<!tpu.dma_semaphore, #tpu.memory_space<semaphore_mem>>) src(%dma_wait3A_171 : memref<100000x128xf32, #tpu.memory_space<hbm>>) dst(%arg7 : memref<80x128xf32, #tpu.memory_space<vmem>>)
    %add3A_172 = arith.constant 1040 : i32
    %add3A_173 = arith.addi %mul3A_2, %add3A_172 : i32
    "tpu.region"() ({
      %run_scoped3A = tpu.sem_alloc : memref<!tpu.dma_semaphore, #tpu.memory_space<semaphore_mem>>
      %dma_start3A_241 = arith.constant 0 : i32
      %dma_start3A_242 = tpu.memref_slice %arg4[%add3A_173, %dma_start3A_241] : memref<51200x128xf32, #tpu.memory_space<hbm>> -> memref<80x128xf32, #tpu.memory_space<hbm>>
      %dma_start3A_243 = arith.constant 0 : i32
      %dma_start3A_244 = tpu.memref_slice %arg4[%add3A_173, %dma_start3A_243] : memref<51200x128xf32, #tpu.memory_space<hbm>> -> memref<80x128xf32, #tpu.memory_space<hbm>>
      tpu.enqueue_dma source(%arg7 : memref<80x128xf32, #tpu.memory_space<vmem>>) target(%dma_start3A_244 : memref<80x128xf32, #tpu.memory_space<hbm>>) target_semaphore(%run_scoped3A : memref<!tpu.dma_semaphore, #tpu.memory_space<semaphore_mem>>)
      %dma_wait3A_245 = arith.constant 0 : i32
      %dma_wait3A_246 = tpu.memref_slice %arg4[%add3A_173, %dma_wait3A_245] : memref<51200x128xf32, #tpu.memory_space<hbm>> -> memref<80x128xf32, #tpu.memory_space<hbm>>
      %dma_wait3A_247 = arith.constant 0 : i32
      %dma_wait3A_248 = tpu.memref_slice %arg4[%add3A_173, %dma_wait3A_247] : memref<51200x128xf32, #tpu.memory_space<hbm>> -> memref<80x128xf32, #tpu.memory_space<hbm>>
      tpu.wait_dma2 semaphore(%run_scoped3A : memref<!tpu.dma_semaphore, #tpu.memory_space<semaphore_mem>>) src(%arg7 : memref<80x128xf32, #tpu.memory_space<vmem>>) dst(%dma_wait3A_248 : memref<80x128xf32, #tpu.memory_space<hbm>>)
      tpu.yield
    }) : () -> ()
    %dma_start3A_174 = arith.constant 1200 : i32
    %dma_start3A_175 = tpu.memref_slice %arg5[%dma_start3A_174] : memref<1600xi32, #tpu.memory_space<vmem>> -> memref<80xi32, #tpu.memory_space<vmem>>
    %dma_start3A_176 = arith.constant 0 : i32
    %dma_start3A_177 = arith.constant 0 : i32
    %dma_start3A_178 = tpu.memref_slice %arg3[%dma_start3A_176, %dma_start3A_177] : memref<100000x128xf32, #tpu.memory_space<hbm>> -> memref<100000x128xf32, #tpu.memory_space<hbm>>
    tpu.enqueue_indirect_dma source(%dma_start3A_178 : memref<100000x128xf32, #tpu.memory_space<hbm>>) target(%arg7 : memref<80x128xf32, #tpu.memory_space<vmem>>) offsets(%dma_start3A_175 : memref<80xi32, #tpu.memory_space<vmem>>) semaphore(%arg9 : memref<!tpu.dma_semaphore, #tpu.memory_space<semaphore_mem>>)
    %dma_wait3A_179 = arith.constant 1120 : i32
    %dma_wait3A_180 = tpu.memref_slice %arg5[%dma_wait3A_179] : memref<1600xi32, #tpu.memory_space<vmem>> -> memref<80xi32, #tpu.memory_space<vmem>>
    %dma_wait3A_181 = arith.constant 0 : i32
    %dma_wait3A_182 = arith.constant 0 : i32
    %dma_wait3A_183 = tpu.memref_slice %arg3[%dma_wait3A_181, %dma_wait3A_182] : memref<100000x128xf32, #tpu.memory_space<hbm>> -> memref<100000x128xf32, #tpu.memory_space<hbm>>
    tpu.wait_indirect_dma semaphore(%arg8 : memref<!tpu.dma_semaphore, #tpu.memory_space<semaphore_mem>>) src(%dma_wait3A_183 : memref<100000x128xf32, #tpu.memory_space<hbm>>) dst(%arg6 : memref<80x128xf32, #tpu.memory_space<vmem>>)
    %add3A_184 = arith.constant 1120 : i32
    %add3A_185 = arith.addi %mul3A_2, %add3A_184 : i32
    "tpu.region"() ({
      %run_scoped3A = tpu.sem_alloc : memref<!tpu.dma_semaphore, #tpu.memory_space<semaphore_mem>>
      %dma_start3A_241 = arith.constant 0 : i32
      %dma_start3A_242 = tpu.memref_slice %arg4[%add3A_185, %dma_start3A_241] : memref<51200x128xf32, #tpu.memory_space<hbm>> -> memref<80x128xf32, #tpu.memory_space<hbm>>
      %dma_start3A_243 = arith.constant 0 : i32
      %dma_start3A_244 = tpu.memref_slice %arg4[%add3A_185, %dma_start3A_243] : memref<51200x128xf32, #tpu.memory_space<hbm>> -> memref<80x128xf32, #tpu.memory_space<hbm>>
      tpu.enqueue_dma source(%arg6 : memref<80x128xf32, #tpu.memory_space<vmem>>) target(%dma_start3A_244 : memref<80x128xf32, #tpu.memory_space<hbm>>) target_semaphore(%run_scoped3A : memref<!tpu.dma_semaphore, #tpu.memory_space<semaphore_mem>>)
      %dma_wait3A_245 = arith.constant 0 : i32
      %dma_wait3A_246 = tpu.memref_slice %arg4[%add3A_185, %dma_wait3A_245] : memref<51200x128xf32, #tpu.memory_space<hbm>> -> memref<80x128xf32, #tpu.memory_space<hbm>>
      %dma_wait3A_247 = arith.constant 0 : i32
      %dma_wait3A_248 = tpu.memref_slice %arg4[%add3A_185, %dma_wait3A_247] : memref<51200x128xf32, #tpu.memory_space<hbm>> -> memref<80x128xf32, #tpu.memory_space<hbm>>
      tpu.wait_dma2 semaphore(%run_scoped3A : memref<!tpu.dma_semaphore, #tpu.memory_space<semaphore_mem>>) src(%arg6 : memref<80x128xf32, #tpu.memory_space<vmem>>) dst(%dma_wait3A_248 : memref<80x128xf32, #tpu.memory_space<hbm>>)
      tpu.yield
    }) : () -> ()
    %dma_start3A_186 = arith.constant 1280 : i32
    %dma_start3A_187 = tpu.memref_slice %arg5[%dma_start3A_186] : memref<1600xi32, #tpu.memory_space<vmem>> -> memref<80xi32, #tpu.memory_space<vmem>>
    %dma_start3A_188 = arith.constant 0 : i32
    %dma_start3A_189 = arith.constant 0 : i32
    %dma_start3A_190 = tpu.memref_slice %arg3[%dma_start3A_188, %dma_start3A_189] : memref<100000x128xf32, #tpu.memory_space<hbm>> -> memref<100000x128xf32, #tpu.memory_space<hbm>>
    tpu.enqueue_indirect_dma source(%dma_start3A_190 : memref<100000x128xf32, #tpu.memory_space<hbm>>) target(%arg6 : memref<80x128xf32, #tpu.memory_space<vmem>>) offsets(%dma_start3A_187 : memref<80xi32, #tpu.memory_space<vmem>>) semaphore(%arg8 : memref<!tpu.dma_semaphore, #tpu.memory_space<semaphore_mem>>)
    %dma_wait3A_191 = arith.constant 1200 : i32
    %dma_wait3A_192 = tpu.memref_slice %arg5[%dma_wait3A_191] : memref<1600xi32, #tpu.memory_space<vmem>> -> memref<80xi32, #tpu.memory_space<vmem>>
    %dma_wait3A_193 = arith.constant 0 : i32
    %dma_wait3A_194 = arith.constant 0 : i32
    %dma_wait3A_195 = tpu.memref_slice %arg3[%dma_wait3A_193, %dma_wait3A_194] : memref<100000x128xf32, #tpu.memory_space<hbm>> -> memref<100000x128xf32, #tpu.memory_space<hbm>>
    tpu.wait_indirect_dma semaphore(%arg9 : memref<!tpu.dma_semaphore, #tpu.memory_space<semaphore_mem>>) src(%dma_wait3A_195 : memref<100000x128xf32, #tpu.memory_space<hbm>>) dst(%arg7 : memref<80x128xf32, #tpu.memory_space<vmem>>)
    %add3A_196 = arith.constant 1200 : i32
    %add3A_197 = arith.addi %mul3A_2, %add3A_196 : i32
    "tpu.region"() ({
      %run_scoped3A = tpu.sem_alloc : memref<!tpu.dma_semaphore, #tpu.memory_space<semaphore_mem>>
      %dma_start3A_241 = arith.constant 0 : i32
      %dma_start3A_242 = tpu.memref_slice %arg4[%add3A_197, %dma_start3A_241] : memref<51200x128xf32, #tpu.memory_space<hbm>> -> memref<80x128xf32, #tpu.memory_space<hbm>>
      %dma_start3A_243 = arith.constant 0 : i32
      %dma_start3A_244 = tpu.memref_slice %arg4[%add3A_197, %dma_start3A_243] : memref<51200x128xf32, #tpu.memory_space<hbm>> -> memref<80x128xf32, #tpu.memory_space<hbm>>
      tpu.enqueue_dma source(%arg7 : memref<80x128xf32, #tpu.memory_space<vmem>>) target(%dma_start3A_244 : memref<80x128xf32, #tpu.memory_space<hbm>>) target_semaphore(%run_scoped3A : memref<!tpu.dma_semaphore, #tpu.memory_space<semaphore_mem>>)
      %dma_wait3A_245 = arith.constant 0 : i32
      %dma_wait3A_246 = tpu.memref_slice %arg4[%add3A_197, %dma_wait3A_245] : memref<51200x128xf32, #tpu.memory_space<hbm>> -> memref<80x128xf32, #tpu.memory_space<hbm>>
      %dma_wait3A_247 = arith.constant 0 : i32
      %dma_wait3A_248 = tpu.memref_slice %arg4[%add3A_197, %dma_wait3A_247] : memref<51200x128xf32, #tpu.memory_space<hbm>> -> memref<80x128xf32, #tpu.memory_space<hbm>>
      tpu.wait_dma2 semaphore(%run_scoped3A : memref<!tpu.dma_semaphore, #tpu.memory_space<semaphore_mem>>) src(%arg7 : memref<80x128xf32, #tpu.memory_space<vmem>>) dst(%dma_wait3A_248 : memref<80x128xf32, #tpu.memory_space<hbm>>)
      tpu.yield
    }) : () -> ()
    %dma_start3A_198 = arith.constant 1360 : i32
    %dma_start3A_199 = tpu.memref_slice %arg5[%dma_start3A_198] : memref<1600xi32, #tpu.memory_space<vmem>> -> memref<80xi32, #tpu.memory_space<vmem>>
    %dma_start3A_200 = arith.constant 0 : i32
    %dma_start3A_201 = arith.constant 0 : i32
    %dma_start3A_202 = tpu.memref_slice %arg3[%dma_start3A_200, %dma_start3A_201] : memref<100000x128xf32, #tpu.memory_space<hbm>> -> memref<100000x128xf32, #tpu.memory_space<hbm>>
    tpu.enqueue_indirect_dma source(%dma_start3A_202 : memref<100000x128xf32, #tpu.memory_space<hbm>>) target(%arg7 : memref<80x128xf32, #tpu.memory_space<vmem>>) offsets(%dma_start3A_199 : memref<80xi32, #tpu.memory_space<vmem>>) semaphore(%arg9 : memref<!tpu.dma_semaphore, #tpu.memory_space<semaphore_mem>>)
    %dma_wait3A_203 = arith.constant 1280 : i32
    %dma_wait3A_204 = tpu.memref_slice %arg5[%dma_wait3A_203] : memref<1600xi32, #tpu.memory_space<vmem>> -> memref<80xi32, #tpu.memory_space<vmem>>
    %dma_wait3A_205 = arith.constant 0 : i32
    %dma_wait3A_206 = arith.constant 0 : i32
    %dma_wait3A_207 = tpu.memref_slice %arg3[%dma_wait3A_205, %dma_wait3A_206] : memref<100000x128xf32, #tpu.memory_space<hbm>> -> memref<100000x128xf32, #tpu.memory_space<hbm>>
    tpu.wait_indirect_dma semaphore(%arg8 : memref<!tpu.dma_semaphore, #tpu.memory_space<semaphore_mem>>) src(%dma_wait3A_207 : memref<100000x128xf32, #tpu.memory_space<hbm>>) dst(%arg6 : memref<80x128xf32, #tpu.memory_space<vmem>>)
    %add3A_208 = arith.constant 1280 : i32
    %add3A_209 = arith.addi %mul3A_2, %add3A_208 : i32
    "tpu.region"() ({
      %run_scoped3A = tpu.sem_alloc : memref<!tpu.dma_semaphore, #tpu.memory_space<semaphore_mem>>
      %dma_start3A_241 = arith.constant 0 : i32
      %dma_start3A_242 = tpu.memref_slice %arg4[%add3A_209, %dma_start3A_241] : memref<51200x128xf32, #tpu.memory_space<hbm>> -> memref<80x128xf32, #tpu.memory_space<hbm>>
      %dma_start3A_243 = arith.constant 0 : i32
      %dma_start3A_244 = tpu.memref_slice %arg4[%add3A_209, %dma_start3A_243] : memref<51200x128xf32, #tpu.memory_space<hbm>> -> memref<80x128xf32, #tpu.memory_space<hbm>>
      tpu.enqueue_dma source(%arg6 : memref<80x128xf32, #tpu.memory_space<vmem>>) target(%dma_start3A_244 : memref<80x128xf32, #tpu.memory_space<hbm>>) target_semaphore(%run_scoped3A : memref<!tpu.dma_semaphore, #tpu.memory_space<semaphore_mem>>)
      %dma_wait3A_245 = arith.constant 0 : i32
      %dma_wait3A_246 = tpu.memref_slice %arg4[%add3A_209, %dma_wait3A_245] : memref<51200x128xf32, #tpu.memory_space<hbm>> -> memref<80x128xf32, #tpu.memory_space<hbm>>
      %dma_wait3A_247 = arith.constant 0 : i32
      %dma_wait3A_248 = tpu.memref_slice %arg4[%add3A_209, %dma_wait3A_247] : memref<51200x128xf32, #tpu.memory_space<hbm>> -> memref<80x128xf32, #tpu.memory_space<hbm>>
      tpu.wait_dma2 semaphore(%run_scoped3A : memref<!tpu.dma_semaphore, #tpu.memory_space<semaphore_mem>>) src(%arg6 : memref<80x128xf32, #tpu.memory_space<vmem>>) dst(%dma_wait3A_248 : memref<80x128xf32, #tpu.memory_space<hbm>>)
      tpu.yield
    }) : () -> ()
    %dma_start3A_210 = arith.constant 1440 : i32
    %dma_start3A_211 = tpu.memref_slice %arg5[%dma_start3A_210] : memref<1600xi32, #tpu.memory_space<vmem>> -> memref<80xi32, #tpu.memory_space<vmem>>
    %dma_start3A_212 = arith.constant 0 : i32
    %dma_start3A_213 = arith.constant 0 : i32
    %dma_start3A_214 = tpu.memref_slice %arg3[%dma_start3A_212, %dma_start3A_213] : memref<100000x128xf32, #tpu.memory_space<hbm>> -> memref<100000x128xf32, #tpu.memory_space<hbm>>
    tpu.enqueue_indirect_dma source(%dma_start3A_214 : memref<100000x128xf32, #tpu.memory_space<hbm>>) target(%arg6 : memref<80x128xf32, #tpu.memory_space<vmem>>) offsets(%dma_start3A_211 : memref<80xi32, #tpu.memory_space<vmem>>) semaphore(%arg8 : memref<!tpu.dma_semaphore, #tpu.memory_space<semaphore_mem>>)
    %dma_wait3A_215 = arith.constant 1360 : i32
    %dma_wait3A_216 = tpu.memref_slice %arg5[%dma_wait3A_215] : memref<1600xi32, #tpu.memory_space<vmem>> -> memref<80xi32, #tpu.memory_space<vmem>>
    %dma_wait3A_217 = arith.constant 0 : i32
    %dma_wait3A_218 = arith.constant 0 : i32
    %dma_wait3A_219 = tpu.memref_slice %arg3[%dma_wait3A_217, %dma_wait3A_218] : memref<100000x128xf32, #tpu.memory_space<hbm>> -> memref<100000x128xf32, #tpu.memory_space<hbm>>
    tpu.wait_indirect_dma semaphore(%arg9 : memref<!tpu.dma_semaphore, #tpu.memory_space<semaphore_mem>>) src(%dma_wait3A_219 : memref<100000x128xf32, #tpu.memory_space<hbm>>) dst(%arg7 : memref<80x128xf32, #tpu.memory_space<vmem>>)
    %add3A_220 = arith.constant 1360 : i32
    %add3A_221 = arith.addi %mul3A_2, %add3A_220 : i32
    "tpu.region"() ({
      %run_scoped3A = tpu.sem_alloc : memref<!tpu.dma_semaphore, #tpu.memory_space<semaphore_mem>>
      %dma_start3A_241 = arith.constant 0 : i32
      %dma_start3A_242 = tpu.memref_slice %arg4[%add3A_221, %dma_start3A_241] : memref<51200x128xf32, #tpu.memory_space<hbm>> -> memref<80x128xf32, #tpu.memory_space<hbm>>
      %dma_start3A_243 = arith.constant 0 : i32
      %dma_start3A_244 = tpu.memref_slice %arg4[%add3A_221, %dma_start3A_243] : memref<51200x128xf32, #tpu.memory_space<hbm>> -> memref<80x128xf32, #tpu.memory_space<hbm>>
      tpu.enqueue_dma source(%arg7 : memref<80x128xf32, #tpu.memory_space<vmem>>) target(%dma_start3A_244 : memref<80x128xf32, #tpu.memory_space<hbm>>) target_semaphore(%run_scoped3A : memref<!tpu.dma_semaphore, #tpu.memory_space<semaphore_mem>>)
      %dma_wait3A_245 = arith.constant 0 : i32
      %dma_wait3A_246 = tpu.memref_slice %arg4[%add3A_221, %dma_wait3A_245] : memref<51200x128xf32, #tpu.memory_space<hbm>> -> memref<80x128xf32, #tpu.memory_space<hbm>>
      %dma_wait3A_247 = arith.constant 0 : i32
      %dma_wait3A_248 = tpu.memref_slice %arg4[%add3A_221, %dma_wait3A_247] : memref<51200x128xf32, #tpu.memory_space<hbm>> -> memref<80x128xf32, #tpu.memory_space<hbm>>
      tpu.wait_dma2 semaphore(%run_scoped3A : memref<!tpu.dma_semaphore, #tpu.memory_space<semaphore_mem>>) src(%arg7 : memref<80x128xf32, #tpu.memory_space<vmem>>) dst(%dma_wait3A_248 : memref<80x128xf32, #tpu.memory_space<hbm>>)
      tpu.yield
    }) : () -> ()
    %dma_start3A_222 = arith.constant 1520 : i32
    %dma_start3A_223 = tpu.memref_slice %arg5[%dma_start3A_222] : memref<1600xi32, #tpu.memory_space<vmem>> -> memref<80xi32, #tpu.memory_space<vmem>>
    %dma_start3A_224 = arith.constant 0 : i32
    %dma_start3A_225 = arith.constant 0 : i32
    %dma_start3A_226 = tpu.memref_slice %arg3[%dma_start3A_224, %dma_start3A_225] : memref<100000x128xf32, #tpu.memory_space<hbm>> -> memref<100000x128xf32, #tpu.memory_space<hbm>>
    tpu.enqueue_indirect_dma source(%dma_start3A_226 : memref<100000x128xf32, #tpu.memory_space<hbm>>) target(%arg7 : memref<80x128xf32, #tpu.memory_space<vmem>>) offsets(%dma_start3A_223 : memref<80xi32, #tpu.memory_space<vmem>>) semaphore(%arg9 : memref<!tpu.dma_semaphore, #tpu.memory_space<semaphore_mem>>)
    %dma_wait3A_227 = arith.constant 1440 : i32
    %dma_wait3A_228 = tpu.memref_slice %arg5[%dma_wait3A_227] : memref<1600xi32, #tpu.memory_space<vmem>> -> memref<80xi32, #tpu.memory_space<vmem>>
    %dma_wait3A_229 = arith.constant 0 : i32
    %dma_wait3A_230 = arith.constant 0 : i32
    %dma_wait3A_231 = tpu.memref_slice %arg3[%dma_wait3A_229, %dma_wait3A_230] : memref<100000x128xf32, #tpu.memory_space<hbm>> -> memref<100000x128xf32, #tpu.memory_space<hbm>>
    tpu.wait_indirect_dma semaphore(%arg8 : memref<!tpu.dma_semaphore, #tpu.memory_space<semaphore_mem>>) src(%dma_wait3A_231 : memref<100000x128xf32, #tpu.memory_space<hbm>>) dst(%arg6 : memref<80x128xf32, #tpu.memory_space<vmem>>)
    %add3A_232 = arith.constant 1440 : i32
    %add3A_233 = arith.addi %mul3A_2, %add3A_232 : i32
    "tpu.region"() ({
      %run_scoped3A = tpu.sem_alloc : memref<!tpu.dma_semaphore, #tpu.memory_space<semaphore_mem>>
      %dma_start3A_241 = arith.constant 0 : i32
      %dma_start3A_242 = tpu.memref_slice %arg4[%add3A_233, %dma_start3A_241] : memref<51200x128xf32, #tpu.memory_space<hbm>> -> memref<80x128xf32, #tpu.memory_space<hbm>>
      %dma_start3A_243 = arith.constant 0 : i32
      %dma_start3A_244 = tpu.memref_slice %arg4[%add3A_233, %dma_start3A_243] : memref<51200x128xf32, #tpu.memory_space<hbm>> -> memref<80x128xf32, #tpu.memory_space<hbm>>
      tpu.enqueue_dma source(%arg6 : memref<80x128xf32, #tpu.memory_space<vmem>>) target(%dma_start3A_244 : memref<80x128xf32, #tpu.memory_space<hbm>>) target_semaphore(%run_scoped3A : memref<!tpu.dma_semaphore, #tpu.memory_space<semaphore_mem>>)
      %dma_wait3A_245 = arith.constant 0 : i32
      %dma_wait3A_246 = tpu.memref_slice %arg4[%add3A_233, %dma_wait3A_245] : memref<51200x128xf32, #tpu.memory_space<hbm>> -> memref<80x128xf32, #tpu.memory_space<hbm>>
      %dma_wait3A_247 = arith.constant 0 : i32
      %dma_wait3A_248 = tpu.memref_slice %arg4[%add3A_233, %dma_wait3A_247] : memref<51200x128xf32, #tpu.memory_space<hbm>> -> memref<80x128xf32, #tpu.memory_space<hbm>>
      tpu.wait_dma2 semaphore(%run_scoped3A : memref<!tpu.dma_semaphore, #tpu.memory_space<semaphore_mem>>) src(%arg6 : memref<80x128xf32, #tpu.memory_space<vmem>>) dst(%dma_wait3A_248 : memref<80x128xf32, #tpu.memory_space<hbm>>)
      tpu.yield
    }) : () -> ()
    %dma_wait3A_234 = arith.constant 1520 : i32
    %dma_wait3A_235 = tpu.memref_slice %arg5[%dma_wait3A_234] : memref<1600xi32, #tpu.memory_space<vmem>> -> memref<80xi32, #tpu.memory_space<vmem>>
    %dma_wait3A_236 = arith.constant 0 : i32
    %dma_wait3A_237 = arith.constant 0 : i32
    %dma_wait3A_238 = tpu.memref_slice %arg3[%dma_wait3A_236, %dma_wait3A_237] : memref<100000x128xf32, #tpu.memory_space<hbm>> -> memref<100000x128xf32, #tpu.memory_space<hbm>>
    tpu.wait_indirect_dma semaphore(%arg9 : memref<!tpu.dma_semaphore, #tpu.memory_space<semaphore_mem>>) src(%dma_wait3A_238 : memref<100000x128xf32, #tpu.memory_space<hbm>>) dst(%arg7 : memref<80x128xf32, #tpu.memory_space<vmem>>)
    %add3A_239 = arith.constant 1520 : i32
    %add3A_240 = arith.addi %mul3A_2, %add3A_239 : i32
    "tpu.region"() ({
      %run_scoped3A = tpu.sem_alloc : memref<!tpu.dma_semaphore, #tpu.memory_space<semaphore_mem>>
      %dma_start3A_241 = arith.constant 0 : i32
      %dma_start3A_242 = tpu.memref_slice %arg4[%add3A_240, %dma_start3A_241] : memref<51200x128xf32, #tpu.memory_space<hbm>> -> memref<80x128xf32, #tpu.memory_space<hbm>>
      %dma_start3A_243 = arith.constant 0 : i32
      %dma_start3A_244 = tpu.memref_slice %arg4[%add3A_240, %dma_start3A_243] : memref<51200x128xf32, #tpu.memory_space<hbm>> -> memref<80x128xf32, #tpu.memory_space<hbm>>
      tpu.enqueue_dma source(%arg7 : memref<80x128xf32, #tpu.memory_space<vmem>>) target(%dma_start3A_244 : memref<80x128xf32, #tpu.memory_space<hbm>>) target_semaphore(%run_scoped3A : memref<!tpu.dma_semaphore, #tpu.memory_space<semaphore_mem>>)
      %dma_wait3A_245 = arith.constant 0 : i32
      %dma_wait3A_246 = tpu.memref_slice %arg4[%add3A_240, %dma_wait3A_245] : memref<51200x128xf32, #tpu.memory_space<hbm>> -> memref<80x128xf32, #tpu.memory_space<hbm>>
      %dma_wait3A_247 = arith.constant 0 : i32
      %dma_wait3A_248 = tpu.memref_slice %arg4[%add3A_240, %dma_wait3A_247] : memref<51200x128xf32, #tpu.memory_space<hbm>> -> memref<80x128xf32, #tpu.memory_space<hbm>>
      tpu.wait_dma2 semaphore(%run_scoped3A : memref<!tpu.dma_semaphore, #tpu.memory_space<semaphore_mem>>) src(%arg7 : memref<80x128xf32, #tpu.memory_space<vmem>>) dst(%dma_wait3A_248 : memref<80x128xf32, #tpu.memory_space<hbm>>)
      tpu.yield
    }) : () -> ()
    return
  }
}

module attributes {stable_mosaic.version = 14 : i64} {
  func.func @body(%arg0: i32, %arg1: memref<1x1024x128xf32, #tpu.memory_space<vmem>>, %arg2: memref<512x128xf32, #tpu.memory_space<vmem>>, %arg3: memref<512x128xf32, #tpu.memory_space<vmem>>, %arg4: memref<1x512xf32, #tpu.memory_space<vmem>>, %arg5: memref<1024x128xf32, #tpu.memory_space<vmem>>, %arg6: memref<1024x128xf32, #tpu.memory_space<vmem>>, %arg7: memref<1024x128xf32, #tpu.memory_space<vmem>>) attributes {dimension_semantics = [#tpu.dimension_semantics<arbitrary>], iteration_bounds = array<i64: 50>, scalar_prefetch = 0 : i64, scratch_operands = 2 : i64, tpu.core_type = #tpu.core_type<tc>, window_params = [{transform_indices = @transform_0, window_bounds = array<i64: 1, 1024, 128>}, {pipeline_mode = #tpu.pipeline_mode<synchronous>, transform_indices = @transform_1, window_bounds = array<i64: 512, 128>}, {pipeline_mode = #tpu.pipeline_mode<synchronous>, transform_indices = @transform_2, window_bounds = array<i64: 512, 128>}, {pipeline_mode = #tpu.pipeline_mode<synchronous>, transform_indices = @transform_3, window_bounds = array<i64: 1, 512>}, {pipeline_mode = #tpu.pipeline_mode<synchronous>, transform_indices = @transform_4, window_bounds = array<i64: 1024, 128>}]} {
    %eq3A = arith.constant 0 : i32
    %eq3A_0 = arith.cmpi eq, %arg0, %eq3A : i32
    %convert_element_type3A = arith.extui %eq3A_0 : i1 to i32
    %cond3A = arith.constant 0 : i32
    %cond3A_1 = arith.cmpi ne, %convert_element_type3A, %cond3A : i32
    scf.if %cond3A_1 {
      %broadcast_in_dim3A_61 = arith.constant 0.000000e+00 : f32
      %broadcast_in_dim3A_62 = vector.broadcast %broadcast_in_dim3A_61 : f32 to vector<1024x128xf32>
      %swap3A_63 = arith.constant 0 : index
      %swap3A_64 = arith.constant 0 : index
      %swap3A_65 = vector.load %arg6[%swap3A_63, %swap3A_64] : memref<1024x128xf32, #tpu.memory_space<vmem>>, vector<1024x128xf32>
      tpu.vector_store %arg6[%swap3A_63, %swap3A_64], %broadcast_in_dim3A_62 {strides = array<i32>} : memref<1024x128xf32, #tpu.memory_space<vmem>>, vector<1024x128xf32>,
      %broadcast_in_dim3A_66 = arith.constant 0.000000e+00 : f32
      %broadcast_in_dim3A_67 = vector.broadcast %broadcast_in_dim3A_66 : f32 to vector<1024x128xf32>
      %swap3A_68 = arith.constant 0 : index
      %swap3A_69 = arith.constant 0 : index
      %swap3A_70 = vector.load %arg7[%swap3A_68, %swap3A_69] : memref<1024x128xf32, #tpu.memory_space<vmem>>, vector<1024x128xf32>
      tpu.vector_store %arg7[%swap3A_68, %swap3A_69], %broadcast_in_dim3A_67 {strides = array<i32>} : memref<1024x128xf32, #tpu.memory_space<vmem>>, vector<1024x128xf32>,
    } else {
    }
    %get3A = arith.constant 0 : index
    %get3A_2 = arith.constant 0 : index
    %get3A_3 = arith.constant 0 : index
    %get3A_4 = vector.load %arg1[%get3A, %get3A_2, %get3A_3] : memref<1x1024x128xf32, #tpu.memory_space<vmem>>, vector<1x1024x128xf32>
    %get3A_5 = vector.shape_cast %get3A_4 : vector<1x1024x128xf32> to vector<1024x128xf32>
    %get3A_6 = arith.constant 0 : index
    %get3A_7 = arith.constant 0 : index
    %get3A_8 = vector.load %arg6[%get3A_6, %get3A_7] : memref<1024x128xf32, #tpu.memory_space<vmem>>, vector<1024x128xf32>
    %get3A_9 = arith.constant 0 : index
    %get3A_10 = arith.constant 0 : index
    %get3A_11 = vector.load %arg7[%get3A_9, %get3A_10] : memref<1024x128xf32, #tpu.memory_space<vmem>>, vector<1024x128xf32>
    %get3A_12 = arith.constant 0 : index
    %get3A_13 = arith.constant 0 : index
    %get3A_14 = vector.load %arg2[%get3A_12, %get3A_13] : memref<512x128xf32, #tpu.memory_space<vmem>>, vector<512x128xf32>
    %dot_general3A = arith.constant dense<0.000000e+00> : vector<1024x512xf32>
    %dot_general3A_15 = tpu.matmul %get3A_5, %get3A_14, %dot_general3A {dimension_numbers = #tpu.dot_dimension_numbers<[1], [1], [0], [0], [0, 0, 1, 0], [], []>, transpose_lhs_hint = false} : vector<1024x128xf32>, vector<512x128xf32>, vector<1024x512xf32> -> vector<1024x512xf32>
    %get3A_16 = arith.constant 0 : index
    %get3A_17 = arith.constant 0 : index
    %get3A_18 = vector.load %arg3[%get3A_16, %get3A_17] : memref<512x128xf32, #tpu.memory_space<vmem>>, vector<512x128xf32>
    %dot_general3A_19 = arith.constant dense<0.000000e+00> : vector<1024x512xf32>
    %dot_general3A_20 = tpu.matmul %get3A_8, %get3A_18, %dot_general3A_19 {dimension_numbers = #tpu.dot_dimension_numbers<[1], [1], [0], [0], [0, 0, 1, 0], [], []>, transpose_lhs_hint = false} : vector<1024x128xf32>, vector<512x128xf32>, vector<1024x512xf32> -> vector<1024x512xf32>
    %add3A = arith.addf %dot_general3A_15, %dot_general3A_20 : vector<1024x512xf32>
    %get3A_21 = arith.constant 0 : index
    %get3A_22 = arith.constant 0 : index
    %get3A_23 = vector.load %arg4[%get3A_21, %get3A_22] : memref<1x512xf32, #tpu.memory_space<vmem>>, vector<1x512xf32>
    %get3A_24 = vector.shape_cast %get3A_23 : vector<1x512xf32> to vector<512xf32>
    %broadcast_in_dim3A = vector.shape_cast %get3A_24 : vector<512xf32> to vector<1x512xf32>
    %add3A_25 = vector.broadcast %broadcast_in_dim3A : vector<1x512xf32> to vector<1024x512xf32>
    %add3A_26 = arith.addf %add3A, %add3A_25 : vector<1024x512xf32>
    %slice3A = vector.extract_strided_slice %add3A_26 {offsets = [0, 0], sizes = [1024, 128], strides = [1, 1]} : vector<1024x512xf32> to vector<1024x128xf32>
    %slice3A_27 = vector.extract_strided_slice %add3A_26 {offsets = [0, 128], sizes = [1024, 128], strides = [1, 1]} : vector<1024x512xf32> to vector<1024x128xf32>
    %slice3A_28 = vector.extract_strided_slice %add3A_26 {offsets = [0, 256], sizes = [1024, 128], strides = [1, 1]} : vector<1024x512xf32> to vector<1024x128xf32>
    %slice3A_29 = vector.extract_strided_slice %add3A_26 {offsets = [0, 384], sizes = [1024, 128], strides = [1, 1]} : vector<1024x512xf32> to vector<1024x128xf32>
    %logistic3A = arith.negf %slice3A_27 : vector<1024x128xf32>
    %logistic3A_30 = math.exp %logistic3A : vector<1024x128xf32>
    %logistic3A_31 = arith.constant 1.000000e+00 : f32
    %logistic3A_32 = vector.broadcast %logistic3A_31 : f32 to vector<1024x128xf32>
    %logistic3A_33 = arith.addf %logistic3A_32, %logistic3A_30 : vector<1024x128xf32>
    %logistic3A_34 = arith.divf %logistic3A_32, %logistic3A_33 : vector<1024x128xf32>
    %mul3A = arith.mulf %logistic3A_34, %get3A_11 : vector<1024x128xf32>
    %logistic3A_35 = arith.negf %slice3A : vector<1024x128xf32>
    %logistic3A_36 = math.exp %logistic3A_35 : vector<1024x128xf32>
    %logistic3A_37 = arith.constant 1.000000e+00 : f32
    %logistic3A_38 = vector.broadcast %logistic3A_37 : f32 to vector<1024x128xf32>
    %logistic3A_39 = arith.addf %logistic3A_38, %logistic3A_36 : vector<1024x128xf32>
    %logistic3A_40 = arith.divf %logistic3A_38, %logistic3A_39 : vector<1024x128xf32>
    %tanh3A = math.tanh %slice3A_28 : vector<1024x128xf32>
    %mul3A_41 = arith.mulf %logistic3A_40, %tanh3A : vector<1024x128xf32>
    %add3A_42 = arith.addf %mul3A, %mul3A_41 : vector<1024x128xf32>
    %logistic3A_43 = arith.negf %slice3A_29 : vector<1024x128xf32>
    %logistic3A_44 = math.exp %logistic3A_43 : vector<1024x128xf32>
    %logistic3A_45 = arith.constant 1.000000e+00 : f32
    %logistic3A_46 = vector.broadcast %logistic3A_45 : f32 to vector<1024x128xf32>
    %logistic3A_47 = arith.addf %logistic3A_46, %logistic3A_44 : vector<1024x128xf32>
    %logistic3A_48 = arith.divf %logistic3A_46, %logistic3A_47 : vector<1024x128xf32>
    %tanh3A_49 = math.tanh %add3A_42 : vector<1024x128xf32>
    %mul3A_50 = arith.mulf %logistic3A_48, %tanh3A_49 : vector<1024x128xf32>
    %swap3A = arith.constant 0 : index
    %swap3A_51 = arith.constant 0 : index
    %swap3A_52 = vector.load %arg6[%swap3A, %swap3A_51] : memref<1024x128xf32, #tpu.memory_space<vmem>>, vector<1024x128xf32>
    tpu.vector_store %arg6[%swap3A, %swap3A_51], %mul3A_50 {strides = array<i32>} : memref<1024x128xf32, #tpu.memory_space<vmem>>, vector<1024x128xf32>,
    %swap3A_53 = arith.constant 0 : index
    %swap3A_54 = arith.constant 0 : index
    %swap3A_55 = vector.load %arg7[%swap3A_53, %swap3A_54] : memref<1024x128xf32, #tpu.memory_space<vmem>>, vector<1024x128xf32>
    tpu.vector_store %arg7[%swap3A_53, %swap3A_54], %add3A_42 {strides = array<i32>} : memref<1024x128xf32, #tpu.memory_space<vmem>>, vector<1024x128xf32>,
    %eq3A_56 = arith.constant 49 : i32
    %eq3A_57 = arith.cmpi eq, %arg0, %eq3A_56 : i32
    %convert_element_type3A_58 = arith.extui %eq3A_57 : i1 to i32
    %cond3A_59 = arith.constant 0 : i32
    %cond3A_60 = arith.cmpi ne, %convert_element_type3A_58, %cond3A_59 : i32
    scf.if %cond3A_60 {
      %swap3A_61 = arith.constant 0 : index
      %swap3A_62 = arith.constant 0 : index
      %swap3A_63 = vector.load %arg5[%swap3A_61, %swap3A_62] : memref<1024x128xf32, #tpu.memory_space<vmem>>, vector<1024x128xf32>
      tpu.vector_store %arg5[%swap3A_61, %swap3A_62], %mul3A_50 {strides = array<i32>} : memref<1024x128xf32, #tpu.memory_space<vmem>>, vector<1024x128xf32>,
    } else {
    }
    return
  }
  func.func @transform_0(%arg0: i32) -> (i32, i32, i32) {
    %c0_i32 = arith.constant 0 : i32
    %c0_i32_0 = arith.constant 0 : i32
    %c0_i32_1 = arith.constant 0 : i32
    return %arg0, %c0_i32, %c0_i32_0 : i32, i32, i32
  }
  func.func @transform_1(%arg0: i32) -> (i32, i32) {
    %c0_i32 = arith.constant 0 : i32
    %c0_i32_0 = arith.constant 0 : i32
    %c0_i32_1 = arith.constant 0 : i32
    return %c0_i32, %c0_i32_0 : i32, i32
  }
  func.func @transform_2(%arg0: i32) -> (i32, i32) {
    %c0_i32 = arith.constant 0 : i32
    %c0_i32_0 = arith.constant 0 : i32
    %c0_i32_1 = arith.constant 0 : i32
    return %c0_i32, %c0_i32_0 : i32, i32
  }
  func.func @transform_3(%arg0: i32) -> (i32, i32) {
    %c0_i32 = arith.constant 0 : i32
    %c0_i32_0 = arith.constant 0 : i32
    %c0_i32_1 = arith.constant 0 : i32
    return %c0_i32, %c0_i32_0 : i32, i32
  }
  func.func @transform_4(%arg0: i32) -> (i32, i32) {
    %c0_i32 = arith.constant 0 : i32
    %c0_i32_0 = arith.constant 0 : i32
    %c0_i32_1 = arith.constant 0 : i32
    return %c0_i32, %c0_i32_0 : i32, i32
  }
}

module attributes {stable_mosaic.version = 14 : i64} {
  func.func @body(%arg0: i32, %arg1: memref<1024x128xf32, #tpu.memory_space<vmem>>, %arg2: memref<2048x128xf32, #tpu.memory_space<vmem>>, %arg3: memref<1024x2048xf32, #tpu.memory_space<vmem>>) attributes {dimension_semantics = [#tpu.dimension_semantics<arbitrary>], iteration_bounds = array<i64: 32>, scalar_prefetch = 0 : i64, scratch_operands = 0 : i64, tpu.core_type = #tpu.core_type<tc>, window_params = [{pipeline_mode = #tpu.pipeline_mode<synchronous>, transform_indices = @transform_0, window_bounds = array<i64: 1024, 128>}, {transform_indices = @transform_1, window_bounds = array<i64: 2048, 128>}, {transform_indices = @transform_2, window_bounds = array<i64: 1024, 2048>}]} {
    %get3A = arith.constant 0 : index
    %get3A_0 = arith.constant 0 : index
    %get3A_1 = vector.load %arg1[%get3A, %get3A_0] : memref<1024x128xf32, #tpu.memory_space<vmem>>, vector<1024x128xf32>
    %get3A_2 = arith.constant 0 : index
    %get3A_3 = arith.constant 0 : index
    %get3A_4 = vector.load %arg2[%get3A_2, %get3A_3] : memref<2048x128xf32, #tpu.memory_space<vmem>>, vector<2048x128xf32>
    %dot_general3A = arith.constant dense<0.000000e+00> : vector<1024x2048xf32>
    %dot_general3A_5 = tpu.matmul %get3A_1, %get3A_4, %dot_general3A {dimension_numbers = #tpu.dot_dimension_numbers<[1], [1], [0], [0], [0, 0, 1, 0], [], []>, transpose_lhs_hint = false} : vector<1024x128xf32>, vector<2048x128xf32>, vector<1024x2048xf32> -> vector<1024x2048xf32>
    %swap3A = arith.constant 0 : index
    %swap3A_6 = arith.constant 0 : index
    %swap3A_7 = vector.load %arg3[%swap3A, %swap3A_6] : memref<1024x2048xf32, #tpu.memory_space<vmem>>, vector<1024x2048xf32>
    tpu.vector_store %arg3[%swap3A, %swap3A_6], %dot_general3A_5 {strides = array<i32>} : memref<1024x2048xf32, #tpu.memory_space<vmem>>, vector<1024x2048xf32>,
    return
  }
  func.func @transform_0(%arg0: i32) -> (i32, i32) {
    %c0_i32 = arith.constant 0 : i32
    %c0_i32_0 = arith.constant 0 : i32
    %c0_i32_1 = arith.constant 0 : i32
    return %c0_i32, %c0_i32_0 : i32, i32
  }
  func.func @transform_1(%arg0: i32) -> (i32, i32) {
    %c0_i32 = arith.constant 0 : i32
    %c0_i32_0 = arith.constant 0 : i32
    return %arg0, %c0_i32 : i32, i32
  }
  func.func @transform_2(%arg0: i32) -> (i32, i32) {
    %c0_i32 = arith.constant 0 : i32
    %c0_i32_0 = arith.constant 0 : i32
    return %c0_i32, %arg0 : i32, i32
  }
}

module {
  func.func @main(%arg0: i32, %arg1: i32, %arg2: memref<1024x1024xf32, #tpu.memory_space<vmem>>, %arg3: memref<1024x128xf32, #tpu.memory_space<vmem>>, %arg4: memref<1024x128xf32, #tpu.memory_space<vmem>>, %arg5: memref<1024x1xf32, #tpu.memory_space<vmem>>, %arg6: memref<1024x1xf32, #tpu.memory_space<vmem>>) attributes {dimension_semantics = [#tpu.dimension_semantics<parallel>, #tpu.dimension_semantics<arbitrary>], iteration_bounds = array<i64: 1, 64>, scratch_operands = 2 : i64, window_params = [{transform_indices = @qk_fn, window_bounds = array<i64: 1024, 1024>}, {transform_indices = @v_fn, window_bounds = array<i64: 1024, 128>}, {transform_indices = @oi_fn, window_bounds = array<i64: 1024, 128>}]} {
    %c0 = arith.constant 0 : index
    %c0_i32 = arith.constant 0 : i32
    %0 = arith.cmpi eq, %c0_i32, %arg1 : i32
    scf.if %0 {
      %cst_3 = arith.constant dense<0.000000e+00> : vector<1024x128xf32>
      vector.store %cst_3, %arg4[%c0, %c0] : memref<1024x128xf32, #tpu.memory_space<vmem>>, vector<1024x128xf32>
      %cst_4 = arith.constant dense<0xFF800000> : vector<1024x1xf32>
      vector.store %cst_4, %arg5[%c0, %c0] : memref<1024x1xf32, #tpu.memory_space<vmem>>, vector<1024x1xf32>
      %cst_5 = arith.constant dense<0.000000e+00> : vector<1024x1xf32>
      vector.store %cst_5, %arg6[%c0, %c0] : memref<1024x1xf32, #tpu.memory_space<vmem>>, vector<1024x1xf32>
    }
    %1 = vector.load %arg2[%c0, %c0] : memref<1024x1024xf32, #tpu.memory_space<vmem>>, vector<1024x1024xf32>
    %cst = arith.constant dense<0xFF800000> : vector<1024xf32>
    %2 = vector.multi_reduction <maximumf>, %1, %cst [1] : vector<1024x1024xf32> to vector<1024xf32>
    %3 = vector.shape_cast %2 : vector<1024xf32> to vector<1024x1xf32>
    %4 = vector.load %arg5[%c0, %c0] : memref<1024x1xf32, #tpu.memory_space<vmem>>, vector<1024x1xf32>
    %5 = arith.maximumf %4, %3 : vector<1024x1xf32>
    %cst_0 = arith.constant dense<0.000000e+00> : vector<1024x1xf32>
    %6 = arith.cmpf oeq, %4, %5 : vector<1024x1xf32>
    %7 = arith.subf %4, %5 : vector<1024x1xf32>
    %8 = arith.select %6, %cst_0, %7 : vector<1024x1xi1>, vector<1024x1xf32>
    %9 = vector.broadcast %5 : vector<1024x1xf32> to vector<1024x1024xf32>
    %10 = arith.subf %1, %9 : vector<1024x1024xf32>
    %11 = math.exp %10 : vector<1024x1024xf32>
    %cst_1 = arith.constant dense<0.000000e+00> : vector<1024xf32>
    %12 = vector.multi_reduction <add>, %11, %cst_1 [1] : vector<1024x1024xf32> to vector<1024xf32>
    %13 = vector.shape_cast %12 : vector<1024xf32> to vector<1024x1xf32>
    %14 = vector.load %arg6[%c0, %c0] : memref<1024x1xf32, #tpu.memory_space<vmem>>, vector<1024x1xf32>
    %15 = math.exp %8 : vector<1024x1xf32>
    %16 = arith.mulf %15, %14 : vector<1024x1xf32>
    %17 = arith.addf %16, %13 : vector<1024x1xf32>
    %18 = vector.load %arg4[%c0, %c0] : memref<1024x128xf32, #tpu.memory_space<vmem>>, vector<1024x128xf32>
    %19 = math.exp %8 : vector<1024x1xf32>
    %20 = arith.mulf %19, %14 : vector<1024x1xf32>
    %21 = vector.broadcast %20 : vector<1024x1xf32> to vector<1024x128xf32>
    %22 = arith.mulf %21, %18 : vector<1024x128xf32>
    %23 = vector.load %arg3[%c0, %c0] : memref<1024x128xf32, #tpu.memory_space<vmem>>, vector<1024x128xf32>
    %24 = vector.shape_cast %23 : vector<1024x128xf32> to vector<1024x128xf32>
    %25 = vector.shape_cast %11 : vector<1024x1024xf32> to vector<1024x1024xf32>
    %26 = vector.shape_cast %22 : vector<1024x128xf32> to vector<1024x128xf32>
    %27 = tpu.matmul %25, %24, %26 {dimension_numbers = #tpu.dot_dimension_numbers<[1], [0], [0], [1], [0, 0, 1, 1], [], []>, precision = #tpu.contract_precision<bf16>, transpose_lhs_hint = false} : vector<1024x1024xf32>, vector<1024x128xf32>, vector<1024x128xf32> -> vector<1024x128xf32>
    %28 = vector.shape_cast %27 : vector<1024x128xf32> to vector<1024x128xf32>
    %cst_2 = arith.constant dense<1.000000e+00> : vector<1024x1xf32>
    %29 = arith.divf %cst_2, %17 : vector<1024x1xf32>
    %30 = vector.broadcast %29 : vector<1024x1xf32> to vector<1024x128xf32>
    %31 = arith.mulf %28, %30 : vector<1024x128xf32>
    %32 = vector.shape_cast %31 : vector<1024x128xf32> to vector<1024x128xf32>
    vector.store %32, %arg4[%c0, %c0] : memref<1024x128xf32, #tpu.memory_space<vmem>>, vector<1024x128xf32>
    vector.store %5, %arg5[%c0, %c0] : memref<1024x1xf32, #tpu.memory_space<vmem>>, vector<1024x1xf32>
    vector.store %17, %arg6[%c0, %c0] : memref<1024x1xf32, #tpu.memory_space<vmem>>, vector<1024x1xf32>
    return
  }
  func.func @qk_fn(%arg0: i32, %arg1: i32) -> (i32, i32) {
    return %arg0, %arg1 : i32, i32
  }
  func.func @v_fn(%arg0: i32, %arg1: i32) -> (i32, i32) {
    %c0_i32 = arith.constant 0 : i32
    return %arg1, %c0_i32 : i32, i32
  }
  func.func @oi_fn(%arg0: i32, %arg1: i32) -> (i32, i32) {
    %c0_i32 = arith.constant 0 : i32
    return %arg0, %c0_i32 : i32, i32
  }
}

module attributes {stable_mosaic.version = 14 : i64} {
  func.func @body(%arg0: memref<1024x128xf32, #tpu.memory_space<vmem>>, %arg1: memref<128x128xf32, #tpu.memory_space<vmem>>, %arg2: memref<1x128xf32, #tpu.memory_space<vmem>>, %arg3: memref<384x128xf32, #tpu.memory_space<vmem>>, %arg4: memref<384x128xf32, #tpu.memory_space<vmem>>, %arg5: memref<1x384xf32, #tpu.memory_space<vmem>>, %arg6: memref<1x384xf32, #tpu.memory_space<vmem>>, %arg7: memref<20x1024x128xf32, #tpu.memory_space<vmem>>) attributes {dimension_semantics = [], scalar_prefetch = 0 : i64, scratch_operands = 0 : i64, tpu.core_type = #tpu.core_type<tc>} {
    %get3A = arith.constant 0 : index
    %get3A_0 = arith.constant 0 : index
    %get3A_1 = vector.load %arg0[%get3A, %get3A_0] : memref<1024x128xf32, #tpu.memory_space<vmem>>, vector<1024x128xf32>
    %get3A_2 = arith.constant 0 : index
    %get3A_3 = arith.constant 0 : index
    %get3A_4 = vector.load %arg1[%get3A_2, %get3A_3] : memref<128x128xf32, #tpu.memory_space<vmem>>, vector<128x128xf32>
    %dot_general3A = arith.constant dense<0.000000e+00> : vector<1024x128xf32>
    %dot_general3A_5 = tpu.matmul %get3A_1, %get3A_4, %dot_general3A {dimension_numbers = #tpu.dot_dimension_numbers<[1], [1], [0], [0], [0, 0, 1, 0], [], []>, transpose_lhs_hint = false} : vector<1024x128xf32>, vector<128x128xf32>, vector<1024x128xf32> -> vector<1024x128xf32>
    %get3A_6 = arith.constant 0 : index
    %get3A_7 = arith.constant 0 : index
    %get3A_8 = vector.load %arg2[%get3A_6, %get3A_7] : memref<1x128xf32, #tpu.memory_space<vmem>>, vector<1x128xf32>
    %get3A_9 = vector.shape_cast %get3A_8 : vector<1x128xf32> to vector<128xf32>
    %broadcast_in_dim3A = vector.shape_cast %get3A_9 : vector<128xf32> to vector<1x128xf32>
    %add3A = vector.broadcast %broadcast_in_dim3A : vector<1x128xf32> to vector<1024x128xf32>
    %add3A_10 = arith.addf %dot_general3A_5, %add3A : vector<1024x128xf32>
    %broadcast_in_dim3A_11 = arith.constant 0.000000e+00 : f32
    %broadcast_in_dim3A_12 = vector.broadcast %broadcast_in_dim3A_11 : f32 to vector<1024x128xf32>
    %get3A_13 = arith.constant 0 : index
    %get3A_14 = arith.constant 0 : index
    %get3A_15 = vector.load %arg3[%get3A_13, %get3A_14] : memref<384x128xf32, #tpu.memory_space<vmem>>, vector<384x128xf32>
    %dot_general3A_16 = arith.constant dense<0.000000e+00> : vector<1024x384xf32>
    %dot_general3A_17 = tpu.matmul %broadcast_in_dim3A_12, %get3A_15, %dot_general3A_16 {dimension_numbers = #tpu.dot_dimension_numbers<[1], [1], [0], [0], [0, 0, 1, 0], [], []>, transpose_lhs_hint = false} : vector<1024x128xf32>, vector<384x128xf32>, vector<1024x384xf32> -> vector<1024x384xf32>
    %get3A_18 = arith.constant 0 : index
    %get3A_19 = arith.constant 0 : index
    %get3A_20 = vector.load %arg5[%get3A_18, %get3A_19] : memref<1x384xf32, #tpu.memory_space<vmem>>, vector<1x384xf32>
    %get3A_21 = vector.shape_cast %get3A_20 : vector<1x384xf32> to vector<384xf32>
    %broadcast_in_dim3A_22 = vector.shape_cast %get3A_21 : vector<384xf32> to vector<1x384xf32>
    %add3A_23 = vector.broadcast %broadcast_in_dim3A_22 : vector<1x384xf32> to vector<1024x384xf32>
    %add3A_24 = arith.addf %dot_general3A_17, %add3A_23 : vector<1024x384xf32>
    %get3A_25 = arith.constant 0 : index
    %get3A_26 = arith.constant 0 : index
    %get3A_27 = vector.load %arg4[%get3A_25, %get3A_26] : memref<384x128xf32, #tpu.memory_space<vmem>>, vector<384x128xf32>
    %dot_general3A_28 = arith.constant dense<0.000000e+00> : vector<1024x384xf32>
    %dot_general3A_29 = tpu.matmul %add3A_10, %get3A_27, %dot_general3A_28 {dimension_numbers = #tpu.dot_dimension_numbers<[1], [1], [0], [0], [0, 0, 1, 0], [], []>, transpose_lhs_hint = false} : vector<1024x128xf32>, vector<384x128xf32>, vector<1024x384xf32> -> vector<1024x384xf32>
    %get3A_30 = arith.constant 0 : index
    %get3A_31 = arith.constant 0 : index
    %get3A_32 = vector.load %arg6[%get3A_30, %get3A_31] : memref<1x384xf32, #tpu.memory_space<vmem>>, vector<1x384xf32>
    %get3A_33 = vector.shape_cast %get3A_32 : vector<1x384xf32> to vector<384xf32>
    %broadcast_in_dim3A_34 = vector.shape_cast %get3A_33 : vector<384xf32> to vector<1x384xf32>
    %add3A_35 = vector.broadcast %broadcast_in_dim3A_34 : vector<1x384xf32> to vector<1024x384xf32>
    %add3A_36 = arith.addf %dot_general3A_29, %add3A_35 : vector<1024x384xf32>
    %slice3A = vector.extract_strided_slice %add3A_24 {offsets = [0, 0], sizes = [1024, 128], strides = [1, 1]} : vector<1024x384xf32> to vector<1024x128xf32>
    %slice3A_37 = vector.extract_strided_slice %add3A_36 {offsets = [0, 0], sizes = [1024, 128], strides = [1, 1]} : vector<1024x384xf32> to vector<1024x128xf32>
    %add3A_38 = arith.addf %slice3A, %slice3A_37 : vector<1024x128xf32>
    %logistic3A = arith.negf %add3A_38 : vector<1024x128xf32>
    %logistic3A_39 = math.exp %logistic3A : vector<1024x128xf32>
    %logistic3A_40 = arith.constant 1.000000e+00 : f32
    %logistic3A_41 = vector.broadcast %logistic3A_40 : f32 to vector<1024x128xf32>
    %logistic3A_42 = arith.addf %logistic3A_41, %logistic3A_39 : vector<1024x128xf32>
    %logistic3A_43 = arith.divf %logistic3A_41, %logistic3A_42 : vector<1024x128xf32>
    %slice3A_44 = vector.extract_strided_slice %add3A_24 {offsets = [0, 128], sizes = [1024, 128], strides = [1, 1]} : vector<1024x384xf32> to vector<1024x128xf32>
    %slice3A_45 = vector.extract_strided_slice %add3A_36 {offsets = [0, 128], sizes = [1024, 128], strides = [1, 1]} : vector<1024x384xf32> to vector<1024x128xf32>
    %add3A_46 = arith.addf %slice3A_44, %slice3A_45 : vector<1024x128xf32>
    %logistic3A_47 = arith.negf %add3A_46 : vector<1024x128xf32>
    %logistic3A_48 = math.exp %logistic3A_47 : vector<1024x128xf32>
    %logistic3A_49 = arith.constant 1.000000e+00 : f32
    %logistic3A_50 = vector.broadcast %logistic3A_49 : f32 to vector<1024x128xf32>
    %logistic3A_51 = arith.addf %logistic3A_50, %logistic3A_48 : vector<1024x128xf32>
    %logistic3A_52 = arith.divf %logistic3A_50, %logistic3A_51 : vector<1024x128xf32>
    %slice3A_53 = vector.extract_strided_slice %add3A_24 {offsets = [0, 256], sizes = [1024, 128], strides = [1, 1]} : vector<1024x384xf32> to vector<1024x128xf32>
    %slice3A_54 = vector.extract_strided_slice %add3A_36 {offsets = [0, 256], sizes = [1024, 128], strides = [1, 1]} : vector<1024x384xf32> to vector<1024x128xf32>
    %mul3A = arith.mulf %logistic3A_43, %slice3A_54 : vector<1024x128xf32>
    %add3A_55 = arith.addf %slice3A_53, %mul3A : vector<1024x128xf32>
    %tanh3A = math.tanh %add3A_55 : vector<1024x128xf32>
    %sub3A = arith.constant 1.000000e+00 : f32
    %sub3A_56 = vector.broadcast %sub3A : f32 to vector<1024x128xf32>
    %sub3A_57 = arith.subf %sub3A_56, %logistic3A_52 : vector<1024x128xf32>
    %mul3A_58 = arith.mulf %sub3A_57, %tanh3A : vector<1024x128xf32>
    %mul3A_59 = arith.mulf %logistic3A_52, %add3A_10 : vector<1024x128xf32>
    %add3A_60 = arith.addf %mul3A_58, %mul3A_59 : vector<1024x128xf32>
    %swap3A = arith.constant 0 : index
    %swap3A_61 = arith.constant 0 : index
    %swap3A_62 = arith.constant 0 : index
    %swap3A_63 = vector.load %arg7[%swap3A, %swap3A_61, %swap3A_62] : memref<20x1024x128xf32, #tpu.memory_space<vmem>>, vector<1x1024x128xf32>
    %swap3A_64 = vector.shape_cast %swap3A_63 : vector<1x1024x128xf32> to vector<1024x128xf32>
    %swap3A_65 = vector.shape_cast %add3A_60 : vector<1024x128xf32> to vector<1x1024x128xf32>
    tpu.vector_store %arg7[%swap3A, %swap3A_61, %swap3A_62], %swap3A_65 {strides = array<i32>} : memref<20x1024x128xf32, #tpu.memory_space<vmem>>, vector<1x1024x128xf32>,
    %get3A_66 = arith.constant 0 : index
    %get3A_67 = arith.constant 0 : index
    %get3A_68 = vector.load %arg3[%get3A_66, %get3A_67] : memref<384x128xf32, #tpu.memory_space<vmem>>, vector<384x128xf32>
    %dot_general3A_69 = arith.constant dense<0.000000e+00> : vector<1024x384xf32>
    %dot_general3A_70 = tpu.matmul %add3A_60, %get3A_68, %dot_general3A_69 {dimension_numbers = #tpu.dot_dimension_numbers<[1], [1], [0], [0], [0, 0, 1, 0], [], []>, transpose_lhs_hint = false} : vector<1024x128xf32>, vector<384x128xf32>, vector<1024x384xf32> -> vector<1024x384xf32>
    %get3A_71 = arith.constant 0 : index
    %get3A_72 = arith.constant 0 : index
    %get3A_73 = vector.load %arg5[%get3A_71, %get3A_72] : memref<1x384xf32, #tpu.memory_space<vmem>>, vector<1x384xf32>
    %get3A_74 = vector.shape_cast %get3A_73 : vector<1x384xf32> to vector<384xf32>
    %broadcast_in_dim3A_75 = vector.shape_cast %get3A_74 : vector<384xf32> to vector<1x384xf32>
    %add3A_76 = vector.broadcast %broadcast_in_dim3A_75 : vector<1x384xf32> to vector<1024x384xf32>
    %add3A_77 = arith.addf %dot_general3A_70, %add3A_76 : vector<1024x384xf32>
    %get3A_78 = arith.constant 0 : index
    %get3A_79 = arith.constant 0 : index
    %get3A_80 = vector.load %arg4[%get3A_78, %get3A_79] : memref<384x128xf32, #tpu.memory_space<vmem>>, vector<384x128xf32>
    %dot_general3A_81 = arith.constant dense<0.000000e+00> : vector<1024x384xf32>
    %dot_general3A_82 = tpu.matmul %add3A_60, %get3A_80, %dot_general3A_81 {dimension_numbers = #tpu.dot_dimension_numbers<[1], [1], [0], [0], [0, 0, 1, 0], [], []>, transpose_lhs_hint = false} : vector<1024x128xf32>, vector<384x128xf32>, vector<1024x384xf32> -> vector<1024x384xf32>
    %get3A_83 = arith.constant 0 : index
    %get3A_84 = arith.constant 0 : index
    %get3A_85 = vector.load %arg6[%get3A_83, %get3A_84] : memref<1x384xf32, #tpu.memory_space<vmem>>, vector<1x384xf32>
    %get3A_86 = vector.shape_cast %get3A_85 : vector<1x384xf32> to vector<384xf32>
    %broadcast_in_dim3A_87 = vector.shape_cast %get3A_86 : vector<384xf32> to vector<1x384xf32>
    %add3A_88 = vector.broadcast %broadcast_in_dim3A_87 : vector<1x384xf32> to vector<1024x384xf32>
    %add3A_89 = arith.addf %dot_general3A_82, %add3A_88 : vector<1024x384xf32>
    %slice3A_90 = vector.extract_strided_slice %add3A_77 {offsets = [0, 0], sizes = [1024, 128], strides = [1, 1]} : vector<1024x384xf32> to vector<1024x128xf32>
    %slice3A_91 = vector.extract_strided_slice %add3A_89 {offsets = [0, 0], sizes = [1024, 128], strides = [1, 1]} : vector<1024x384xf32> to vector<1024x128xf32>
    %add3A_92 = arith.addf %slice3A_90, %slice3A_91 : vector<1024x128xf32>
    %logistic3A_93 = arith.negf %add3A_92 : vector<1024x128xf32>
    %logistic3A_94 = math.exp %logistic3A_93 : vector<1024x128xf32>
    %logistic3A_95 = arith.constant 1.000000e+00 : f32
    %logistic3A_96 = vector.broadcast %logistic3A_95 : f32 to vector<1024x128xf32>
    %logistic3A_97 = arith.addf %logistic3A_96, %logistic3A_94 : vector<1024x128xf32>
    %logistic3A_98 = arith.divf %logistic3A_96, %logistic3A_97 : vector<1024x128xf32>
    %slice3A_99 = vector.extract_strided_slice %add3A_77 {offsets = [0, 128], sizes = [1024, 128], strides = [1, 1]} : vector<1024x384xf32> to vector<1024x128xf32>
    %slice3A_100 = vector.extract_strided_slice %add3A_89 {offsets = [0, 128], sizes = [1024, 128], strides = [1, 1]} : vector<1024x384xf32> to vector<1024x128xf32>
    %add3A_101 = arith.addf %slice3A_99, %slice3A_100 : vector<1024x128xf32>
    %logistic3A_102 = arith.negf %add3A_101 : vector<1024x128xf32>
    %logistic3A_103 = math.exp %logistic3A_102 : vector<1024x128xf32>
    %logistic3A_104 = arith.constant 1.000000e+00 : f32
    %logistic3A_105 = vector.broadcast %logistic3A_104 : f32 to vector<1024x128xf32>
    %logistic3A_106 = arith.addf %logistic3A_105, %logistic3A_103 : vector<1024x128xf32>
    %logistic3A_107 = arith.divf %logistic3A_105, %logistic3A_106 : vector<1024x128xf32>
    %slice3A_108 = vector.extract_strided_slice %add3A_77 {offsets = [0, 256], sizes = [1024, 128], strides = [1, 1]} : vector<1024x384xf32> to vector<1024x128xf32>
    %slice3A_109 = vector.extract_strided_slice %add3A_89 {offsets = [0, 256], sizes = [1024, 128], strides = [1, 1]} : vector<1024x384xf32> to vector<1024x128xf32>
    %mul3A_110 = arith.mulf %logistic3A_98, %slice3A_109 : vector<1024x128xf32>
    %add3A_111 = arith.addf %slice3A_108, %mul3A_110 : vector<1024x128xf32>
    %tanh3A_112 = math.tanh %add3A_111 : vector<1024x128xf32>
    %sub3A_113 = arith.constant 1.000000e+00 : f32
    %sub3A_114 = vector.broadcast %sub3A_113 : f32 to vector<1024x128xf32>
    %sub3A_115 = arith.subf %sub3A_114, %logistic3A_107 : vector<1024x128xf32>
    %mul3A_116 = arith.mulf %sub3A_115, %tanh3A_112 : vector<1024x128xf32>
    %mul3A_117 = arith.mulf %logistic3A_107, %add3A_60 : vector<1024x128xf32>
    %add3A_118 = arith.addf %mul3A_116, %mul3A_117 : vector<1024x128xf32>
    %swap3A_119 = arith.constant 1 : index
    %swap3A_120 = arith.constant 0 : index
    %swap3A_121 = arith.constant 0 : index
    %swap3A_122 = vector.load %arg7[%swap3A_119, %swap3A_120, %swap3A_121] : memref<20x1024x128xf32, #tpu.memory_space<vmem>>, vector<1x1024x128xf32>
    %swap3A_123 = vector.shape_cast %swap3A_122 : vector<1x1024x128xf32> to vector<1024x128xf32>
    %swap3A_124 = vector.shape_cast %add3A_118 : vector<1024x128xf32> to vector<1x1024x128xf32>
    tpu.vector_store %arg7[%swap3A_119, %swap3A_120, %swap3A_121], %swap3A_124 {strides = array<i32>} : memref<20x1024x128xf32, #tpu.memory_space<vmem>>, vector<1x1024x128xf32>,
    %get3A_125 = arith.constant 0 : index
    %get3A_126 = arith.constant 0 : index
    %get3A_127 = vector.load %arg3[%get3A_125, %get3A_126] : memref<384x128xf32, #tpu.memory_space<vmem>>, vector<384x128xf32>
    %dot_general3A_128 = arith.constant dense<0.000000e+00> : vector<1024x384xf32>
    %dot_general3A_129 = tpu.matmul %add3A_118, %get3A_127, %dot_general3A_128 {dimension_numbers = #tpu.dot_dimension_numbers<[1], [1], [0], [0], [0, 0, 1, 0], [], []>, transpose_lhs_hint = false} : vector<1024x128xf32>, vector<384x128xf32>, vector<1024x384xf32> -> vector<1024x384xf32>
    %get3A_130 = arith.constant 0 : index
    %get3A_131 = arith.constant 0 : index
    %get3A_132 = vector.load %arg5[%get3A_130, %get3A_131] : memref<1x384xf32, #tpu.memory_space<vmem>>, vector<1x384xf32>
    %get3A_133 = vector.shape_cast %get3A_132 : vector<1x384xf32> to vector<384xf32>
    %broadcast_in_dim3A_134 = vector.shape_cast %get3A_133 : vector<384xf32> to vector<1x384xf32>
    %add3A_135 = vector.broadcast %broadcast_in_dim3A_134 : vector<1x384xf32> to vector<1024x384xf32>
    %add3A_136 = arith.addf %dot_general3A_129, %add3A_135 : vector<1024x384xf32>
    %get3A_137 = arith.constant 0 : index
    %get3A_138 = arith.constant 0 : index
    %get3A_139 = vector.load %arg4[%get3A_137, %get3A_138] : memref<384x128xf32, #tpu.memory_space<vmem>>, vector<384x128xf32>
    %dot_general3A_140 = arith.constant dense<0.000000e+00> : vector<1024x384xf32>
    %dot_general3A_141 = tpu.matmul %add3A_118, %get3A_139, %dot_general3A_140 {dimension_numbers = #tpu.dot_dimension_numbers<[1], [1], [0], [0], [0, 0, 1, 0], [], []>, transpose_lhs_hint = false} : vector<1024x128xf32>, vector<384x128xf32>, vector<1024x384xf32> -> vector<1024x384xf32>
    %get3A_142 = arith.constant 0 : index
    %get3A_143 = arith.constant 0 : index
    %get3A_144 = vector.load %arg6[%get3A_142, %get3A_143] : memref<1x384xf32, #tpu.memory_space<vmem>>, vector<1x384xf32>
    %get3A_145 = vector.shape_cast %get3A_144 : vector<1x384xf32> to vector<384xf32>
    %broadcast_in_dim3A_146 = vector.shape_cast %get3A_145 : vector<384xf32> to vector<1x384xf32>
    %add3A_147 = vector.broadcast %broadcast_in_dim3A_146 : vector<1x384xf32> to vector<1024x384xf32>
    %add3A_148 = arith.addf %dot_general3A_141, %add3A_147 : vector<1024x384xf32>
    %slice3A_149 = vector.extract_strided_slice %add3A_136 {offsets = [0, 0], sizes = [1024, 128], strides = [1, 1]} : vector<1024x384xf32> to vector<1024x128xf32>
    %slice3A_150 = vector.extract_strided_slice %add3A_148 {offsets = [0, 0], sizes = [1024, 128], strides = [1, 1]} : vector<1024x384xf32> to vector<1024x128xf32>
    %add3A_151 = arith.addf %slice3A_149, %slice3A_150 : vector<1024x128xf32>
    %logistic3A_152 = arith.negf %add3A_151 : vector<1024x128xf32>
    %logistic3A_153 = math.exp %logistic3A_152 : vector<1024x128xf32>
    %logistic3A_154 = arith.constant 1.000000e+00 : f32
    %logistic3A_155 = vector.broadcast %logistic3A_154 : f32 to vector<1024x128xf32>
    %logistic3A_156 = arith.addf %logistic3A_155, %logistic3A_153 : vector<1024x128xf32>
    %logistic3A_157 = arith.divf %logistic3A_155, %logistic3A_156 : vector<1024x128xf32>
    %slice3A_158 = vector.extract_strided_slice %add3A_136 {offsets = [0, 128], sizes = [1024, 128], strides = [1, 1]} : vector<1024x384xf32> to vector<1024x128xf32>
    %slice3A_159 = vector.extract_strided_slice %add3A_148 {offsets = [0, 128], sizes = [1024, 128], strides = [1, 1]} : vector<1024x384xf32> to vector<1024x128xf32>
    %add3A_160 = arith.addf %slice3A_158, %slice3A_159 : vector<1024x128xf32>
    %logistic3A_161 = arith.negf %add3A_160 : vector<1024x128xf32>
    %logistic3A_162 = math.exp %logistic3A_161 : vector<1024x128xf32>
    %logistic3A_163 = arith.constant 1.000000e+00 : f32
    %logistic3A_164 = vector.broadcast %logistic3A_163 : f32 to vector<1024x128xf32>
    %logistic3A_165 = arith.addf %logistic3A_164, %logistic3A_162 : vector<1024x128xf32>
    %logistic3A_166 = arith.divf %logistic3A_164, %logistic3A_165 : vector<1024x128xf32>
    %slice3A_167 = vector.extract_strided_slice %add3A_136 {offsets = [0, 256], sizes = [1024, 128], strides = [1, 1]} : vector<1024x384xf32> to vector<1024x128xf32>
    %slice3A_168 = vector.extract_strided_slice %add3A_148 {offsets = [0, 256], sizes = [1024, 128], strides = [1, 1]} : vector<1024x384xf32> to vector<1024x128xf32>
    %mul3A_169 = arith.mulf %logistic3A_157, %slice3A_168 : vector<1024x128xf32>
    %add3A_170 = arith.addf %slice3A_167, %mul3A_169 : vector<1024x128xf32>
    %tanh3A_171 = math.tanh %add3A_170 : vector<1024x128xf32>
    %sub3A_172 = arith.constant 1.000000e+00 : f32
    %sub3A_173 = vector.broadcast %sub3A_172 : f32 to vector<1024x128xf32>
    %sub3A_174 = arith.subf %sub3A_173, %logistic3A_166 : vector<1024x128xf32>
    %mul3A_175 = arith.mulf %sub3A_174, %tanh3A_171 : vector<1024x128xf32>
    %mul3A_176 = arith.mulf %logistic3A_166, %add3A_118 : vector<1024x128xf32>
    %add3A_177 = arith.addf %mul3A_175, %mul3A_176 : vector<1024x128xf32>
    %swap3A_178 = arith.constant 2 : index
    %swap3A_179 = arith.constant 0 : index
    %swap3A_180 = arith.constant 0 : index
    %swap3A_181 = vector.load %arg7[%swap3A_178, %swap3A_179, %swap3A_180] : memref<20x1024x128xf32, #tpu.memory_space<vmem>>, vector<1x1024x128xf32>
    %swap3A_182 = vector.shape_cast %swap3A_181 : vector<1x1024x128xf32> to vector<1024x128xf32>
    %swap3A_183 = vector.shape_cast %add3A_177 : vector<1024x128xf32> to vector<1x1024x128xf32>
    tpu.vector_store %arg7[%swap3A_178, %swap3A_179, %swap3A_180], %swap3A_183 {strides = array<i32>} : memref<20x1024x128xf32, #tpu.memory_space<vmem>>, vector<1x1024x128xf32>,
    %get3A_184 = arith.constant 0 : index
    %get3A_185 = arith.constant 0 : index
    %get3A_186 = vector.load %arg3[%get3A_184, %get3A_185] : memref<384x128xf32, #tpu.memory_space<vmem>>, vector<384x128xf32>
    %dot_general3A_187 = arith.constant dense<0.000000e+00> : vector<1024x384xf32>
    %dot_general3A_188 = tpu.matmul %add3A_177, %get3A_186, %dot_general3A_187 {dimension_numbers = #tpu.dot_dimension_numbers<[1], [1], [0], [0], [0, 0, 1, 0], [], []>, transpose_lhs_hint = false} : vector<1024x128xf32>, vector<384x128xf32>, vector<1024x384xf32> -> vector<1024x384xf32>
    %get3A_189 = arith.constant 0 : index
    %get3A_190 = arith.constant 0 : index
    %get3A_191 = vector.load %arg5[%get3A_189, %get3A_190] : memref<1x384xf32, #tpu.memory_space<vmem>>, vector<1x384xf32>
    %get3A_192 = vector.shape_cast %get3A_191 : vector<1x384xf32> to vector<384xf32>
    %broadcast_in_dim3A_193 = vector.shape_cast %get3A_192 : vector<384xf32> to vector<1x384xf32>
    %add3A_194 = vector.broadcast %broadcast_in_dim3A_193 : vector<1x384xf32> to vector<1024x384xf32>
    %add3A_195 = arith.addf %dot_general3A_188, %add3A_194 : vector<1024x384xf32>
    %get3A_196 = arith.constant 0 : index
    %get3A_197 = arith.constant 0 : index
    %get3A_198 = vector.load %arg4[%get3A_196, %get3A_197] : memref<384x128xf32, #tpu.memory_space<vmem>>, vector<384x128xf32>
    %dot_general3A_199 = arith.constant dense<0.000000e+00> : vector<1024x384xf32>
    %dot_general3A_200 = tpu.matmul %add3A_177, %get3A_198, %dot_general3A_199 {dimension_numbers = #tpu.dot_dimension_numbers<[1], [1], [0], [0], [0, 0, 1, 0], [], []>, transpose_lhs_hint = false} : vector<1024x128xf32>, vector<384x128xf32>, vector<1024x384xf32> -> vector<1024x384xf32>
    %get3A_201 = arith.constant 0 : index
    %get3A_202 = arith.constant 0 : index
    %get3A_203 = vector.load %arg6[%get3A_201, %get3A_202] : memref<1x384xf32, #tpu.memory_space<vmem>>, vector<1x384xf32>
    %get3A_204 = vector.shape_cast %get3A_203 : vector<1x384xf32> to vector<384xf32>
    %broadcast_in_dim3A_205 = vector.shape_cast %get3A_204 : vector<384xf32> to vector<1x384xf32>
    %add3A_206 = vector.broadcast %broadcast_in_dim3A_205 : vector<1x384xf32> to vector<1024x384xf32>
    %add3A_207 = arith.addf %dot_general3A_200, %add3A_206 : vector<1024x384xf32>
    %slice3A_208 = vector.extract_strided_slice %add3A_195 {offsets = [0, 0], sizes = [1024, 128], strides = [1, 1]} : vector<1024x384xf32> to vector<1024x128xf32>
    %slice3A_209 = vector.extract_strided_slice %add3A_207 {offsets = [0, 0], sizes = [1024, 128], strides = [1, 1]} : vector<1024x384xf32> to vector<1024x128xf32>
    %add3A_210 = arith.addf %slice3A_208, %slice3A_209 : vector<1024x128xf32>
    %logistic3A_211 = arith.negf %add3A_210 : vector<1024x128xf32>
    %logistic3A_212 = math.exp %logistic3A_211 : vector<1024x128xf32>
    %logistic3A_213 = arith.constant 1.000000e+00 : f32
    %logistic3A_214 = vector.broadcast %logistic3A_213 : f32 to vector<1024x128xf32>
    %logistic3A_215 = arith.addf %logistic3A_214, %logistic3A_212 : vector<1024x128xf32>
    %logistic3A_216 = arith.divf %logistic3A_214, %logistic3A_215 : vector<1024x128xf32>
    %slice3A_217 = vector.extract_strided_slice %add3A_195 {offsets = [0, 128], sizes = [1024, 128], strides = [1, 1]} : vector<1024x384xf32> to vector<1024x128xf32>
    %slice3A_218 = vector.extract_strided_slice %add3A_207 {offsets = [0, 128], sizes = [1024, 128], strides = [1, 1]} : vector<1024x384xf32> to vector<1024x128xf32>
    %add3A_219 = arith.addf %slice3A_217, %slice3A_218 : vector<1024x128xf32>
    %logistic3A_220 = arith.negf %add3A_219 : vector<1024x128xf32>
    %logistic3A_221 = math.exp %logistic3A_220 : vector<1024x128xf32>
    %logistic3A_222 = arith.constant 1.000000e+00 : f32
    %logistic3A_223 = vector.broadcast %logistic3A_222 : f32 to vector<1024x128xf32>
    %logistic3A_224 = arith.addf %logistic3A_223, %logistic3A_221 : vector<1024x128xf32>
    %logistic3A_225 = arith.divf %logistic3A_223, %logistic3A_224 : vector<1024x128xf32>
    %slice3A_226 = vector.extract_strided_slice %add3A_195 {offsets = [0, 256], sizes = [1024, 128], strides = [1, 1]} : vector<1024x384xf32> to vector<1024x128xf32>
    %slice3A_227 = vector.extract_strided_slice %add3A_207 {offsets = [0, 256], sizes = [1024, 128], strides = [1, 1]} : vector<1024x384xf32> to vector<1024x128xf32>
    %mul3A_228 = arith.mulf %logistic3A_216, %slice3A_227 : vector<1024x128xf32>
    %add3A_229 = arith.addf %slice3A_226, %mul3A_228 : vector<1024x128xf32>
    %tanh3A_230 = math.tanh %add3A_229 : vector<1024x128xf32>
    %sub3A_231 = arith.constant 1.000000e+00 : f32
    %sub3A_232 = vector.broadcast %sub3A_231 : f32 to vector<1024x128xf32>
    %sub3A_233 = arith.subf %sub3A_232, %logistic3A_225 : vector<1024x128xf32>
    %mul3A_234 = arith.mulf %sub3A_233, %tanh3A_230 : vector<1024x128xf32>
    %mul3A_235 = arith.mulf %logistic3A_225, %add3A_177 : vector<1024x128xf32>
    %add3A_236 = arith.addf %mul3A_234, %mul3A_235 : vector<1024x128xf32>
    %swap3A_237 = arith.constant 3 : index
    %swap3A_238 = arith.constant 0 : index
    %swap3A_239 = arith.constant 0 : index
    %swap3A_240 = vector.load %arg7[%swap3A_237, %swap3A_238, %swap3A_239] : memref<20x1024x128xf32, #tpu.memory_space<vmem>>, vector<1x1024x128xf32>
    %swap3A_241 = vector.shape_cast %swap3A_240 : vector<1x1024x128xf32> to vector<1024x128xf32>
    %swap3A_242 = vector.shape_cast %add3A_236 : vector<1024x128xf32> to vector<1x1024x128xf32>
    tpu.vector_store %arg7[%swap3A_237, %swap3A_238, %swap3A_239], %swap3A_242 {strides = array<i32>} : memref<20x1024x128xf32, #tpu.memory_space<vmem>>, vector<1x1024x128xf32>,
    %get3A_243 = arith.constant 0 : index
    %get3A_244 = arith.constant 0 : index
    %get3A_245 = vector.load %arg3[%get3A_243, %get3A_244] : memref<384x128xf32, #tpu.memory_space<vmem>>, vector<384x128xf32>
    %dot_general3A_246 = arith.constant dense<0.000000e+00> : vector<1024x384xf32>
    %dot_general3A_247 = tpu.matmul %add3A_236, %get3A_245, %dot_general3A_246 {dimension_numbers = #tpu.dot_dimension_numbers<[1], [1], [0], [0], [0, 0, 1, 0], [], []>, transpose_lhs_hint = false} : vector<1024x128xf32>, vector<384x128xf32>, vector<1024x384xf32> -> vector<1024x384xf32>
    %get3A_248 = arith.constant 0 : index
    %get3A_249 = arith.constant 0 : index
    %get3A_250 = vector.load %arg5[%get3A_248, %get3A_249] : memref<1x384xf32, #tpu.memory_space<vmem>>, vector<1x384xf32>
    %get3A_251 = vector.shape_cast %get3A_250 : vector<1x384xf32> to vector<384xf32>
    %broadcast_in_dim3A_252 = vector.shape_cast %get3A_251 : vector<384xf32> to vector<1x384xf32>
    %add3A_253 = vector.broadcast %broadcast_in_dim3A_252 : vector<1x384xf32> to vector<1024x384xf32>
    %add3A_254 = arith.addf %dot_general3A_247, %add3A_253 : vector<1024x384xf32>
    %get3A_255 = arith.constant 0 : index
    %get3A_256 = arith.constant 0 : index
    %get3A_257 = vector.load %arg4[%get3A_255, %get3A_256] : memref<384x128xf32, #tpu.memory_space<vmem>>, vector<384x128xf32>
    %dot_general3A_258 = arith.constant dense<0.000000e+00> : vector<1024x384xf32>
    %dot_general3A_259 = tpu.matmul %add3A_236, %get3A_257, %dot_general3A_258 {dimension_numbers = #tpu.dot_dimension_numbers<[1], [1], [0], [0], [0, 0, 1, 0], [], []>, transpose_lhs_hint = false} : vector<1024x128xf32>, vector<384x128xf32>, vector<1024x384xf32> -> vector<1024x384xf32>
    %get3A_260 = arith.constant 0 : index
    %get3A_261 = arith.constant 0 : index
    %get3A_262 = vector.load %arg6[%get3A_260, %get3A_261] : memref<1x384xf32, #tpu.memory_space<vmem>>, vector<1x384xf32>
    %get3A_263 = vector.shape_cast %get3A_262 : vector<1x384xf32> to vector<384xf32>
    %broadcast_in_dim3A_264 = vector.shape_cast %get3A_263 : vector<384xf32> to vector<1x384xf32>
    %add3A_265 = vector.broadcast %broadcast_in_dim3A_264 : vector<1x384xf32> to vector<1024x384xf32>
    %add3A_266 = arith.addf %dot_general3A_259, %add3A_265 : vector<1024x384xf32>
    %slice3A_267 = vector.extract_strided_slice %add3A_254 {offsets = [0, 0], sizes = [1024, 128], strides = [1, 1]} : vector<1024x384xf32> to vector<1024x128xf32>
    %slice3A_268 = vector.extract_strided_slice %add3A_266 {offsets = [0, 0], sizes = [1024, 128], strides = [1, 1]} : vector<1024x384xf32> to vector<1024x128xf32>
    %add3A_269 = arith.addf %slice3A_267, %slice3A_268 : vector<1024x128xf32>
    %logistic3A_270 = arith.negf %add3A_269 : vector<1024x128xf32>
    %logistic3A_271 = math.exp %logistic3A_270 : vector<1024x128xf32>
    %logistic3A_272 = arith.constant 1.000000e+00 : f32
    %logistic3A_273 = vector.broadcast %logistic3A_272 : f32 to vector<1024x128xf32>
    %logistic3A_274 = arith.addf %logistic3A_273, %logistic3A_271 : vector<1024x128xf32>
    %logistic3A_275 = arith.divf %logistic3A_273, %logistic3A_274 : vector<1024x128xf32>
    %slice3A_276 = vector.extract_strided_slice %add3A_254 {offsets = [0, 128], sizes = [1024, 128], strides = [1, 1]} : vector<1024x384xf32> to vector<1024x128xf32>
    %slice3A_277 = vector.extract_strided_slice %add3A_266 {offsets = [0, 128], sizes = [1024, 128], strides = [1, 1]} : vector<1024x384xf32> to vector<1024x128xf32>
    %add3A_278 = arith.addf %slice3A_276, %slice3A_277 : vector<1024x128xf32>
    %logistic3A_279 = arith.negf %add3A_278 : vector<1024x128xf32>
    %logistic3A_280 = math.exp %logistic3A_279 : vector<1024x128xf32>
    %logistic3A_281 = arith.constant 1.000000e+00 : f32
    %logistic3A_282 = vector.broadcast %logistic3A_281 : f32 to vector<1024x128xf32>
    %logistic3A_283 = arith.addf %logistic3A_282, %logistic3A_280 : vector<1024x128xf32>
    %logistic3A_284 = arith.divf %logistic3A_282, %logistic3A_283 : vector<1024x128xf32>
    %slice3A_285 = vector.extract_strided_slice %add3A_254 {offsets = [0, 256], sizes = [1024, 128], strides = [1, 1]} : vector<1024x384xf32> to vector<1024x128xf32>
    %slice3A_286 = vector.extract_strided_slice %add3A_266 {offsets = [0, 256], sizes = [1024, 128], strides = [1, 1]} : vector<1024x384xf32> to vector<1024x128xf32>
    %mul3A_287 = arith.mulf %logistic3A_275, %slice3A_286 : vector<1024x128xf32>
    %add3A_288 = arith.addf %slice3A_285, %mul3A_287 : vector<1024x128xf32>
    %tanh3A_289 = math.tanh %add3A_288 : vector<1024x128xf32>
    %sub3A_290 = arith.constant 1.000000e+00 : f32
    %sub3A_291 = vector.broadcast %sub3A_290 : f32 to vector<1024x128xf32>
    %sub3A_292 = arith.subf %sub3A_291, %logistic3A_284 : vector<1024x128xf32>
    %mul3A_293 = arith.mulf %sub3A_292, %tanh3A_289 : vector<1024x128xf32>
    %mul3A_294 = arith.mulf %logistic3A_284, %add3A_236 : vector<1024x128xf32>
    %add3A_295 = arith.addf %mul3A_293, %mul3A_294 : vector<1024x128xf32>
    %swap3A_296 = arith.constant 4 : index
    %swap3A_297 = arith.constant 0 : index
    %swap3A_298 = arith.constant 0 : index
    %swap3A_299 = vector.load %arg7[%swap3A_296, %swap3A_297, %swap3A_298] : memref<20x1024x128xf32, #tpu.memory_space<vmem>>, vector<1x1024x128xf32>
    %swap3A_300 = vector.shape_cast %swap3A_299 : vector<1x1024x128xf32> to vector<1024x128xf32>
    %swap3A_301 = vector.shape_cast %add3A_295 : vector<1024x128xf32> to vector<1x1024x128xf32>
    tpu.vector_store %arg7[%swap3A_296, %swap3A_297, %swap3A_298], %swap3A_301 {strides = array<i32>} : memref<20x1024x128xf32, #tpu.memory_space<vmem>>, vector<1x1024x128xf32>,
    %get3A_302 = arith.constant 0 : index
    %get3A_303 = arith.constant 0 : index
    %get3A_304 = vector.load %arg3[%get3A_302, %get3A_303] : memref<384x128xf32, #tpu.memory_space<vmem>>, vector<384x128xf32>
    %dot_general3A_305 = arith.constant dense<0.000000e+00> : vector<1024x384xf32>
    %dot_general3A_306 = tpu.matmul %add3A_295, %get3A_304, %dot_general3A_305 {dimension_numbers = #tpu.dot_dimension_numbers<[1], [1], [0], [0], [0, 0, 1, 0], [], []>, transpose_lhs_hint = false} : vector<1024x128xf32>, vector<384x128xf32>, vector<1024x384xf32> -> vector<1024x384xf32>
    %get3A_307 = arith.constant 0 : index
    %get3A_308 = arith.constant 0 : index
    %get3A_309 = vector.load %arg5[%get3A_307, %get3A_308] : memref<1x384xf32, #tpu.memory_space<vmem>>, vector<1x384xf32>
    %get3A_310 = vector.shape_cast %get3A_309 : vector<1x384xf32> to vector<384xf32>
    %broadcast_in_dim3A_311 = vector.shape_cast %get3A_310 : vector<384xf32> to vector<1x384xf32>
    %add3A_312 = vector.broadcast %broadcast_in_dim3A_311 : vector<1x384xf32> to vector<1024x384xf32>
    %add3A_313 = arith.addf %dot_general3A_306, %add3A_312 : vector<1024x384xf32>
    %get3A_314 = arith.constant 0 : index
    %get3A_315 = arith.constant 0 : index
    %get3A_316 = vector.load %arg4[%get3A_314, %get3A_315] : memref<384x128xf32, #tpu.memory_space<vmem>>, vector<384x128xf32>
    %dot_general3A_317 = arith.constant dense<0.000000e+00> : vector<1024x384xf32>
    %dot_general3A_318 = tpu.matmul %add3A_295, %get3A_316, %dot_general3A_317 {dimension_numbers = #tpu.dot_dimension_numbers<[1], [1], [0], [0], [0, 0, 1, 0], [], []>, transpose_lhs_hint = false} : vector<1024x128xf32>, vector<384x128xf32>, vector<1024x384xf32> -> vector<1024x384xf32>
    %get3A_319 = arith.constant 0 : index
    %get3A_320 = arith.constant 0 : index
    %get3A_321 = vector.load %arg6[%get3A_319, %get3A_320] : memref<1x384xf32, #tpu.memory_space<vmem>>, vector<1x384xf32>
    %get3A_322 = vector.shape_cast %get3A_321 : vector<1x384xf32> to vector<384xf32>
    %broadcast_in_dim3A_323 = vector.shape_cast %get3A_322 : vector<384xf32> to vector<1x384xf32>
    %add3A_324 = vector.broadcast %broadcast_in_dim3A_323 : vector<1x384xf32> to vector<1024x384xf32>
    %add3A_325 = arith.addf %dot_general3A_318, %add3A_324 : vector<1024x384xf32>
    %slice3A_326 = vector.extract_strided_slice %add3A_313 {offsets = [0, 0], sizes = [1024, 128], strides = [1, 1]} : vector<1024x384xf32> to vector<1024x128xf32>
    %slice3A_327 = vector.extract_strided_slice %add3A_325 {offsets = [0, 0], sizes = [1024, 128], strides = [1, 1]} : vector<1024x384xf32> to vector<1024x128xf32>
    %add3A_328 = arith.addf %slice3A_326, %slice3A_327 : vector<1024x128xf32>
    %logistic3A_329 = arith.negf %add3A_328 : vector<1024x128xf32>
    %logistic3A_330 = math.exp %logistic3A_329 : vector<1024x128xf32>
    %logistic3A_331 = arith.constant 1.000000e+00 : f32
    %logistic3A_332 = vector.broadcast %logistic3A_331 : f32 to vector<1024x128xf32>
    %logistic3A_333 = arith.addf %logistic3A_332, %logistic3A_330 : vector<1024x128xf32>
    %logistic3A_334 = arith.divf %logistic3A_332, %logistic3A_333 : vector<1024x128xf32>
    %slice3A_335 = vector.extract_strided_slice %add3A_313 {offsets = [0, 128], sizes = [1024, 128], strides = [1, 1]} : vector<1024x384xf32> to vector<1024x128xf32>
    %slice3A_336 = vector.extract_strided_slice %add3A_325 {offsets = [0, 128], sizes = [1024, 128], strides = [1, 1]} : vector<1024x384xf32> to vector<1024x128xf32>
    %add3A_337 = arith.addf %slice3A_335, %slice3A_336 : vector<1024x128xf32>
    %logistic3A_338 = arith.negf %add3A_337 : vector<1024x128xf32>
    %logistic3A_339 = math.exp %logistic3A_338 : vector<1024x128xf32>
    %logistic3A_340 = arith.constant 1.000000e+00 : f32
    %logistic3A_341 = vector.broadcast %logistic3A_340 : f32 to vector<1024x128xf32>
    %logistic3A_342 = arith.addf %logistic3A_341, %logistic3A_339 : vector<1024x128xf32>
    %logistic3A_343 = arith.divf %logistic3A_341, %logistic3A_342 : vector<1024x128xf32>
    %slice3A_344 = vector.extract_strided_slice %add3A_313 {offsets = [0, 256], sizes = [1024, 128], strides = [1, 1]} : vector<1024x384xf32> to vector<1024x128xf32>
    %slice3A_345 = vector.extract_strided_slice %add3A_325 {offsets = [0, 256], sizes = [1024, 128], strides = [1, 1]} : vector<1024x384xf32> to vector<1024x128xf32>
    %mul3A_346 = arith.mulf %logistic3A_334, %slice3A_345 : vector<1024x128xf32>
    %add3A_347 = arith.addf %slice3A_344, %mul3A_346 : vector<1024x128xf32>
    %tanh3A_348 = math.tanh %add3A_347 : vector<1024x128xf32>
    %sub3A_349 = arith.constant 1.000000e+00 : f32
    %sub3A_350 = vector.broadcast %sub3A_349 : f32 to vector<1024x128xf32>
    %sub3A_351 = arith.subf %sub3A_350, %logistic3A_343 : vector<1024x128xf32>
    %mul3A_352 = arith.mulf %sub3A_351, %tanh3A_348 : vector<1024x128xf32>
    %mul3A_353 = arith.mulf %logistic3A_343, %add3A_295 : vector<1024x128xf32>
    %add3A_354 = arith.addf %mul3A_352, %mul3A_353 : vector<1024x128xf32>
    %swap3A_355 = arith.constant 5 : index
    %swap3A_356 = arith.constant 0 : index
    %swap3A_357 = arith.constant 0 : index
    %swap3A_358 = vector.load %arg7[%swap3A_355, %swap3A_356, %swap3A_357] : memref<20x1024x128xf32, #tpu.memory_space<vmem>>, vector<1x1024x128xf32>
    %swap3A_359 = vector.shape_cast %swap3A_358 : vector<1x1024x128xf32> to vector<1024x128xf32>
    %swap3A_360 = vector.shape_cast %add3A_354 : vector<1024x128xf32> to vector<1x1024x128xf32>
    tpu.vector_store %arg7[%swap3A_355, %swap3A_356, %swap3A_357], %swap3A_360 {strides = array<i32>} : memref<20x1024x128xf32, #tpu.memory_space<vmem>>, vector<1x1024x128xf32>,
    %get3A_361 = arith.constant 0 : index
    %get3A_362 = arith.constant 0 : index
    %get3A_363 = vector.load %arg3[%get3A_361, %get3A_362] : memref<384x128xf32, #tpu.memory_space<vmem>>, vector<384x128xf32>
    %dot_general3A_364 = arith.constant dense<0.000000e+00> : vector<1024x384xf32>
    %dot_general3A_365 = tpu.matmul %add3A_354, %get3A_363, %dot_general3A_364 {dimension_numbers = #tpu.dot_dimension_numbers<[1], [1], [0], [0], [0, 0, 1, 0], [], []>, transpose_lhs_hint = false} : vector<1024x128xf32>, vector<384x128xf32>, vector<1024x384xf32> -> vector<1024x384xf32>
    %get3A_366 = arith.constant 0 : index
    %get3A_367 = arith.constant 0 : index
    %get3A_368 = vector.load %arg5[%get3A_366, %get3A_367] : memref<1x384xf32, #tpu.memory_space<vmem>>, vector<1x384xf32>
    %get3A_369 = vector.shape_cast %get3A_368 : vector<1x384xf32> to vector<384xf32>
    %broadcast_in_dim3A_370 = vector.shape_cast %get3A_369 : vector<384xf32> to vector<1x384xf32>
    %add3A_371 = vector.broadcast %broadcast_in_dim3A_370 : vector<1x384xf32> to vector<1024x384xf32>
    %add3A_372 = arith.addf %dot_general3A_365, %add3A_371 : vector<1024x384xf32>
    %get3A_373 = arith.constant 0 : index
    %get3A_374 = arith.constant 0 : index
    %get3A_375 = vector.load %arg4[%get3A_373, %get3A_374] : memref<384x128xf32, #tpu.memory_space<vmem>>, vector<384x128xf32>
    %dot_general3A_376 = arith.constant dense<0.000000e+00> : vector<1024x384xf32>
    %dot_general3A_377 = tpu.matmul %add3A_354, %get3A_375, %dot_general3A_376 {dimension_numbers = #tpu.dot_dimension_numbers<[1], [1], [0], [0], [0, 0, 1, 0], [], []>, transpose_lhs_hint = false} : vector<1024x128xf32>, vector<384x128xf32>, vector<1024x384xf32> -> vector<1024x384xf32>
    %get3A_378 = arith.constant 0 : index
    %get3A_379 = arith.constant 0 : index
    %get3A_380 = vector.load %arg6[%get3A_378, %get3A_379] : memref<1x384xf32, #tpu.memory_space<vmem>>, vector<1x384xf32>
    %get3A_381 = vector.shape_cast %get3A_380 : vector<1x384xf32> to vector<384xf32>
    %broadcast_in_dim3A_382 = vector.shape_cast %get3A_381 : vector<384xf32> to vector<1x384xf32>
    %add3A_383 = vector.broadcast %broadcast_in_dim3A_382 : vector<1x384xf32> to vector<1024x384xf32>
    %add3A_384 = arith.addf %dot_general3A_377, %add3A_383 : vector<1024x384xf32>
    %slice3A_385 = vector.extract_strided_slice %add3A_372 {offsets = [0, 0], sizes = [1024, 128], strides = [1, 1]} : vector<1024x384xf32> to vector<1024x128xf32>
    %slice3A_386 = vector.extract_strided_slice %add3A_384 {offsets = [0, 0], sizes = [1024, 128], strides = [1, 1]} : vector<1024x384xf32> to vector<1024x128xf32>
    %add3A_387 = arith.addf %slice3A_385, %slice3A_386 : vector<1024x128xf32>
    %logistic3A_388 = arith.negf %add3A_387 : vector<1024x128xf32>
    %logistic3A_389 = math.exp %logistic3A_388 : vector<1024x128xf32>
    %logistic3A_390 = arith.constant 1.000000e+00 : f32
    %logistic3A_391 = vector.broadcast %logistic3A_390 : f32 to vector<1024x128xf32>
    %logistic3A_392 = arith.addf %logistic3A_391, %logistic3A_389 : vector<1024x128xf32>
    %logistic3A_393 = arith.divf %logistic3A_391, %logistic3A_392 : vector<1024x128xf32>
    %slice3A_394 = vector.extract_strided_slice %add3A_372 {offsets = [0, 128], sizes = [1024, 128], strides = [1, 1]} : vector<1024x384xf32> to vector<1024x128xf32>
    %slice3A_395 = vector.extract_strided_slice %add3A_384 {offsets = [0, 128], sizes = [1024, 128], strides = [1, 1]} : vector<1024x384xf32> to vector<1024x128xf32>
    %add3A_396 = arith.addf %slice3A_394, %slice3A_395 : vector<1024x128xf32>
    %logistic3A_397 = arith.negf %add3A_396 : vector<1024x128xf32>
    %logistic3A_398 = math.exp %logistic3A_397 : vector<1024x128xf32>
    %logistic3A_399 = arith.constant 1.000000e+00 : f32
    %logistic3A_400 = vector.broadcast %logistic3A_399 : f32 to vector<1024x128xf32>
    %logistic3A_401 = arith.addf %logistic3A_400, %logistic3A_398 : vector<1024x128xf32>
    %logistic3A_402 = arith.divf %logistic3A_400, %logistic3A_401 : vector<1024x128xf32>
    %slice3A_403 = vector.extract_strided_slice %add3A_372 {offsets = [0, 256], sizes = [1024, 128], strides = [1, 1]} : vector<1024x384xf32> to vector<1024x128xf32>
    %slice3A_404 = vector.extract_strided_slice %add3A_384 {offsets = [0, 256], sizes = [1024, 128], strides = [1, 1]} : vector<1024x384xf32> to vector<1024x128xf32>
    %mul3A_405 = arith.mulf %logistic3A_393, %slice3A_404 : vector<1024x128xf32>
    %add3A_406 = arith.addf %slice3A_403, %mul3A_405 : vector<1024x128xf32>
    %tanh3A_407 = math.tanh %add3A_406 : vector<1024x128xf32>
    %sub3A_408 = arith.constant 1.000000e+00 : f32
    %sub3A_409 = vector.broadcast %sub3A_408 : f32 to vector<1024x128xf32>
    %sub3A_410 = arith.subf %sub3A_409, %logistic3A_402 : vector<1024x128xf32>
    %mul3A_411 = arith.mulf %sub3A_410, %tanh3A_407 : vector<1024x128xf32>
    %mul3A_412 = arith.mulf %logistic3A_402, %add3A_354 : vector<1024x128xf32>
    %add3A_413 = arith.addf %mul3A_411, %mul3A_412 : vector<1024x128xf32>
    %swap3A_414 = arith.constant 6 : index
    %swap3A_415 = arith.constant 0 : index
    %swap3A_416 = arith.constant 0 : index
    %swap3A_417 = vector.load %arg7[%swap3A_414, %swap3A_415, %swap3A_416] : memref<20x1024x128xf32, #tpu.memory_space<vmem>>, vector<1x1024x128xf32>
    %swap3A_418 = vector.shape_cast %swap3A_417 : vector<1x1024x128xf32> to vector<1024x128xf32>
    %swap3A_419 = vector.shape_cast %add3A_413 : vector<1024x128xf32> to vector<1x1024x128xf32>
    tpu.vector_store %arg7[%swap3A_414, %swap3A_415, %swap3A_416], %swap3A_419 {strides = array<i32>} : memref<20x1024x128xf32, #tpu.memory_space<vmem>>, vector<1x1024x128xf32>,
    %get3A_420 = arith.constant 0 : index
    %get3A_421 = arith.constant 0 : index
    %get3A_422 = vector.load %arg3[%get3A_420, %get3A_421] : memref<384x128xf32, #tpu.memory_space<vmem>>, vector<384x128xf32>
    %dot_general3A_423 = arith.constant dense<0.000000e+00> : vector<1024x384xf32>
    %dot_general3A_424 = tpu.matmul %add3A_413, %get3A_422, %dot_general3A_423 {dimension_numbers = #tpu.dot_dimension_numbers<[1], [1], [0], [0], [0, 0, 1, 0], [], []>, transpose_lhs_hint = false} : vector<1024x128xf32>, vector<384x128xf32>, vector<1024x384xf32> -> vector<1024x384xf32>
    %get3A_425 = arith.constant 0 : index
    %get3A_426 = arith.constant 0 : index
    %get3A_427 = vector.load %arg5[%get3A_425, %get3A_426] : memref<1x384xf32, #tpu.memory_space<vmem>>, vector<1x384xf32>
    %get3A_428 = vector.shape_cast %get3A_427 : vector<1x384xf32> to vector<384xf32>
    %broadcast_in_dim3A_429 = vector.shape_cast %get3A_428 : vector<384xf32> to vector<1x384xf32>
    %add3A_430 = vector.broadcast %broadcast_in_dim3A_429 : vector<1x384xf32> to vector<1024x384xf32>
    %add3A_431 = arith.addf %dot_general3A_424, %add3A_430 : vector<1024x384xf32>
    %get3A_432 = arith.constant 0 : index
    %get3A_433 = arith.constant 0 : index
    %get3A_434 = vector.load %arg4[%get3A_432, %get3A_433] : memref<384x128xf32, #tpu.memory_space<vmem>>, vector<384x128xf32>
    %dot_general3A_435 = arith.constant dense<0.000000e+00> : vector<1024x384xf32>
    %dot_general3A_436 = tpu.matmul %add3A_413, %get3A_434, %dot_general3A_435 {dimension_numbers = #tpu.dot_dimension_numbers<[1], [1], [0], [0], [0, 0, 1, 0], [], []>, transpose_lhs_hint = false} : vector<1024x128xf32>, vector<384x128xf32>, vector<1024x384xf32> -> vector<1024x384xf32>
    %get3A_437 = arith.constant 0 : index
    %get3A_438 = arith.constant 0 : index
    %get3A_439 = vector.load %arg6[%get3A_437, %get3A_438] : memref<1x384xf32, #tpu.memory_space<vmem>>, vector<1x384xf32>
    %get3A_440 = vector.shape_cast %get3A_439 : vector<1x384xf32> to vector<384xf32>
    %broadcast_in_dim3A_441 = vector.shape_cast %get3A_440 : vector<384xf32> to vector<1x384xf32>
    %add3A_442 = vector.broadcast %broadcast_in_dim3A_441 : vector<1x384xf32> to vector<1024x384xf32>
    %add3A_443 = arith.addf %dot_general3A_436, %add3A_442 : vector<1024x384xf32>
    %slice3A_444 = vector.extract_strided_slice %add3A_431 {offsets = [0, 0], sizes = [1024, 128], strides = [1, 1]} : vector<1024x384xf32> to vector<1024x128xf32>
    %slice3A_445 = vector.extract_strided_slice %add3A_443 {offsets = [0, 0], sizes = [1024, 128], strides = [1, 1]} : vector<1024x384xf32> to vector<1024x128xf32>
    %add3A_446 = arith.addf %slice3A_444, %slice3A_445 : vector<1024x128xf32>
    %logistic3A_447 = arith.negf %add3A_446 : vector<1024x128xf32>
    %logistic3A_448 = math.exp %logistic3A_447 : vector<1024x128xf32>
    %logistic3A_449 = arith.constant 1.000000e+00 : f32
    %logistic3A_450 = vector.broadcast %logistic3A_449 : f32 to vector<1024x128xf32>
    %logistic3A_451 = arith.addf %logistic3A_450, %logistic3A_448 : vector<1024x128xf32>
    %logistic3A_452 = arith.divf %logistic3A_450, %logistic3A_451 : vector<1024x128xf32>
    %slice3A_453 = vector.extract_strided_slice %add3A_431 {offsets = [0, 128], sizes = [1024, 128], strides = [1, 1]} : vector<1024x384xf32> to vector<1024x128xf32>
    %slice3A_454 = vector.extract_strided_slice %add3A_443 {offsets = [0, 128], sizes = [1024, 128], strides = [1, 1]} : vector<1024x384xf32> to vector<1024x128xf32>
    %add3A_455 = arith.addf %slice3A_453, %slice3A_454 : vector<1024x128xf32>
    %logistic3A_456 = arith.negf %add3A_455 : vector<1024x128xf32>
    %logistic3A_457 = math.exp %logistic3A_456 : vector<1024x128xf32>
    %logistic3A_458 = arith.constant 1.000000e+00 : f32
    %logistic3A_459 = vector.broadcast %logistic3A_458 : f32 to vector<1024x128xf32>
    %logistic3A_460 = arith.addf %logistic3A_459, %logistic3A_457 : vector<1024x128xf32>
    %logistic3A_461 = arith.divf %logistic3A_459, %logistic3A_460 : vector<1024x128xf32>
    %slice3A_462 = vector.extract_strided_slice %add3A_431 {offsets = [0, 256], sizes = [1024, 128], strides = [1, 1]} : vector<1024x384xf32> to vector<1024x128xf32>
    %slice3A_463 = vector.extract_strided_slice %add3A_443 {offsets = [0, 256], sizes = [1024, 128], strides = [1, 1]} : vector<1024x384xf32> to vector<1024x128xf32>
    %mul3A_464 = arith.mulf %logistic3A_452, %slice3A_463 : vector<1024x128xf32>
    %add3A_465 = arith.addf %slice3A_462, %mul3A_464 : vector<1024x128xf32>
    %tanh3A_466 = math.tanh %add3A_465 : vector<1024x128xf32>
    %sub3A_467 = arith.constant 1.000000e+00 : f32
    %sub3A_468 = vector.broadcast %sub3A_467 : f32 to vector<1024x128xf32>
    %sub3A_469 = arith.subf %sub3A_468, %logistic3A_461 : vector<1024x128xf32>
    %mul3A_470 = arith.mulf %sub3A_469, %tanh3A_466 : vector<1024x128xf32>
    %mul3A_471 = arith.mulf %logistic3A_461, %add3A_413 : vector<1024x128xf32>
    %add3A_472 = arith.addf %mul3A_470, %mul3A_471 : vector<1024x128xf32>
    %swap3A_473 = arith.constant 7 : index
    %swap3A_474 = arith.constant 0 : index
    %swap3A_475 = arith.constant 0 : index
    %swap3A_476 = vector.load %arg7[%swap3A_473, %swap3A_474, %swap3A_475] : memref<20x1024x128xf32, #tpu.memory_space<vmem>>, vector<1x1024x128xf32>
    %swap3A_477 = vector.shape_cast %swap3A_476 : vector<1x1024x128xf32> to vector<1024x128xf32>
    %swap3A_478 = vector.shape_cast %add3A_472 : vector<1024x128xf32> to vector<1x1024x128xf32>
    tpu.vector_store %arg7[%swap3A_473, %swap3A_474, %swap3A_475], %swap3A_478 {strides = array<i32>} : memref<20x1024x128xf32, #tpu.memory_space<vmem>>, vector<1x1024x128xf32>,
    %get3A_479 = arith.constant 0 : index
    %get3A_480 = arith.constant 0 : index
    %get3A_481 = vector.load %arg3[%get3A_479, %get3A_480] : memref<384x128xf32, #tpu.memory_space<vmem>>, vector<384x128xf32>
    %dot_general3A_482 = arith.constant dense<0.000000e+00> : vector<1024x384xf32>
    %dot_general3A_483 = tpu.matmul %add3A_472, %get3A_481, %dot_general3A_482 {dimension_numbers = #tpu.dot_dimension_numbers<[1], [1], [0], [0], [0, 0, 1, 0], [], []>, transpose_lhs_hint = false} : vector<1024x128xf32>, vector<384x128xf32>, vector<1024x384xf32> -> vector<1024x384xf32>
    %get3A_484 = arith.constant 0 : index
    %get3A_485 = arith.constant 0 : index
    %get3A_486 = vector.load %arg5[%get3A_484, %get3A_485] : memref<1x384xf32, #tpu.memory_space<vmem>>, vector<1x384xf32>
    %get3A_487 = vector.shape_cast %get3A_486 : vector<1x384xf32> to vector<384xf32>
    %broadcast_in_dim3A_488 = vector.shape_cast %get3A_487 : vector<384xf32> to vector<1x384xf32>
    %add3A_489 = vector.broadcast %broadcast_in_dim3A_488 : vector<1x384xf32> to vector<1024x384xf32>
    %add3A_490 = arith.addf %dot_general3A_483, %add3A_489 : vector<1024x384xf32>
    %get3A_491 = arith.constant 0 : index
    %get3A_492 = arith.constant 0 : index
    %get3A_493 = vector.load %arg4[%get3A_491, %get3A_492] : memref<384x128xf32, #tpu.memory_space<vmem>>, vector<384x128xf32>
    %dot_general3A_494 = arith.constant dense<0.000000e+00> : vector<1024x384xf32>
    %dot_general3A_495 = tpu.matmul %add3A_472, %get3A_493, %dot_general3A_494 {dimension_numbers = #tpu.dot_dimension_numbers<[1], [1], [0], [0], [0, 0, 1, 0], [], []>, transpose_lhs_hint = false} : vector<1024x128xf32>, vector<384x128xf32>, vector<1024x384xf32> -> vector<1024x384xf32>
    %get3A_496 = arith.constant 0 : index
    %get3A_497 = arith.constant 0 : index
    %get3A_498 = vector.load %arg6[%get3A_496, %get3A_497] : memref<1x384xf32, #tpu.memory_space<vmem>>, vector<1x384xf32>
    %get3A_499 = vector.shape_cast %get3A_498 : vector<1x384xf32> to vector<384xf32>
    %broadcast_in_dim3A_500 = vector.shape_cast %get3A_499 : vector<384xf32> to vector<1x384xf32>
    %add3A_501 = vector.broadcast %broadcast_in_dim3A_500 : vector<1x384xf32> to vector<1024x384xf32>
    %add3A_502 = arith.addf %dot_general3A_495, %add3A_501 : vector<1024x384xf32>
    %slice3A_503 = vector.extract_strided_slice %add3A_490 {offsets = [0, 0], sizes = [1024, 128], strides = [1, 1]} : vector<1024x384xf32> to vector<1024x128xf32>
    %slice3A_504 = vector.extract_strided_slice %add3A_502 {offsets = [0, 0], sizes = [1024, 128], strides = [1, 1]} : vector<1024x384xf32> to vector<1024x128xf32>
    %add3A_505 = arith.addf %slice3A_503, %slice3A_504 : vector<1024x128xf32>
    %logistic3A_506 = arith.negf %add3A_505 : vector<1024x128xf32>
    %logistic3A_507 = math.exp %logistic3A_506 : vector<1024x128xf32>
    %logistic3A_508 = arith.constant 1.000000e+00 : f32
    %logistic3A_509 = vector.broadcast %logistic3A_508 : f32 to vector<1024x128xf32>
    %logistic3A_510 = arith.addf %logistic3A_509, %logistic3A_507 : vector<1024x128xf32>
    %logistic3A_511 = arith.divf %logistic3A_509, %logistic3A_510 : vector<1024x128xf32>
    %slice3A_512 = vector.extract_strided_slice %add3A_490 {offsets = [0, 128], sizes = [1024, 128], strides = [1, 1]} : vector<1024x384xf32> to vector<1024x128xf32>
    %slice3A_513 = vector.extract_strided_slice %add3A_502 {offsets = [0, 128], sizes = [1024, 128], strides = [1, 1]} : vector<1024x384xf32> to vector<1024x128xf32>
    %add3A_514 = arith.addf %slice3A_512, %slice3A_513 : vector<1024x128xf32>
    %logistic3A_515 = arith.negf %add3A_514 : vector<1024x128xf32>
    %logistic3A_516 = math.exp %logistic3A_515 : vector<1024x128xf32>
    %logistic3A_517 = arith.constant 1.000000e+00 : f32
    %logistic3A_518 = vector.broadcast %logistic3A_517 : f32 to vector<1024x128xf32>
    %logistic3A_519 = arith.addf %logistic3A_518, %logistic3A_516 : vector<1024x128xf32>
    %logistic3A_520 = arith.divf %logistic3A_518, %logistic3A_519 : vector<1024x128xf32>
    %slice3A_521 = vector.extract_strided_slice %add3A_490 {offsets = [0, 256], sizes = [1024, 128], strides = [1, 1]} : vector<1024x384xf32> to vector<1024x128xf32>
    %slice3A_522 = vector.extract_strided_slice %add3A_502 {offsets = [0, 256], sizes = [1024, 128], strides = [1, 1]} : vector<1024x384xf32> to vector<1024x128xf32>
    %mul3A_523 = arith.mulf %logistic3A_511, %slice3A_522 : vector<1024x128xf32>
    %add3A_524 = arith.addf %slice3A_521, %mul3A_523 : vector<1024x128xf32>
    %tanh3A_525 = math.tanh %add3A_524 : vector<1024x128xf32>
    %sub3A_526 = arith.constant 1.000000e+00 : f32
    %sub3A_527 = vector.broadcast %sub3A_526 : f32 to vector<1024x128xf32>
    %sub3A_528 = arith.subf %sub3A_527, %logistic3A_520 : vector<1024x128xf32>
    %mul3A_529 = arith.mulf %sub3A_528, %tanh3A_525 : vector<1024x128xf32>
    %mul3A_530 = arith.mulf %logistic3A_520, %add3A_472 : vector<1024x128xf32>
    %add3A_531 = arith.addf %mul3A_529, %mul3A_530 : vector<1024x128xf32>
    %swap3A_532 = arith.constant 8 : index
    %swap3A_533 = arith.constant 0 : index
    %swap3A_534 = arith.constant 0 : index
    %swap3A_535 = vector.load %arg7[%swap3A_532, %swap3A_533, %swap3A_534] : memref<20x1024x128xf32, #tpu.memory_space<vmem>>, vector<1x1024x128xf32>
    %swap3A_536 = vector.shape_cast %swap3A_535 : vector<1x1024x128xf32> to vector<1024x128xf32>
    %swap3A_537 = vector.shape_cast %add3A_531 : vector<1024x128xf32> to vector<1x1024x128xf32>
    tpu.vector_store %arg7[%swap3A_532, %swap3A_533, %swap3A_534], %swap3A_537 {strides = array<i32>} : memref<20x1024x128xf32, #tpu.memory_space<vmem>>, vector<1x1024x128xf32>,
    %get3A_538 = arith.constant 0 : index
    %get3A_539 = arith.constant 0 : index
    %get3A_540 = vector.load %arg3[%get3A_538, %get3A_539] : memref<384x128xf32, #tpu.memory_space<vmem>>, vector<384x128xf32>
    %dot_general3A_541 = arith.constant dense<0.000000e+00> : vector<1024x384xf32>
    %dot_general3A_542 = tpu.matmul %add3A_531, %get3A_540, %dot_general3A_541 {dimension_numbers = #tpu.dot_dimension_numbers<[1], [1], [0], [0], [0, 0, 1, 0], [], []>, transpose_lhs_hint = false} : vector<1024x128xf32>, vector<384x128xf32>, vector<1024x384xf32> -> vector<1024x384xf32>
    %get3A_543 = arith.constant 0 : index
    %get3A_544 = arith.constant 0 : index
    %get3A_545 = vector.load %arg5[%get3A_543, %get3A_544] : memref<1x384xf32, #tpu.memory_space<vmem>>, vector<1x384xf32>
    %get3A_546 = vector.shape_cast %get3A_545 : vector<1x384xf32> to vector<384xf32>
    %broadcast_in_dim3A_547 = vector.shape_cast %get3A_546 : vector<384xf32> to vector<1x384xf32>
    %add3A_548 = vector.broadcast %broadcast_in_dim3A_547 : vector<1x384xf32> to vector<1024x384xf32>
    %add3A_549 = arith.addf %dot_general3A_542, %add3A_548 : vector<1024x384xf32>
    %get3A_550 = arith.constant 0 : index
    %get3A_551 = arith.constant 0 : index
    %get3A_552 = vector.load %arg4[%get3A_550, %get3A_551] : memref<384x128xf32, #tpu.memory_space<vmem>>, vector<384x128xf32>
    %dot_general3A_553 = arith.constant dense<0.000000e+00> : vector<1024x384xf32>
    %dot_general3A_554 = tpu.matmul %add3A_531, %get3A_552, %dot_general3A_553 {dimension_numbers = #tpu.dot_dimension_numbers<[1], [1], [0], [0], [0, 0, 1, 0], [], []>, transpose_lhs_hint = false} : vector<1024x128xf32>, vector<384x128xf32>, vector<1024x384xf32> -> vector<1024x384xf32>
    %get3A_555 = arith.constant 0 : index
    %get3A_556 = arith.constant 0 : index
    %get3A_557 = vector.load %arg6[%get3A_555, %get3A_556] : memref<1x384xf32, #tpu.memory_space<vmem>>, vector<1x384xf32>
    %get3A_558 = vector.shape_cast %get3A_557 : vector<1x384xf32> to vector<384xf32>
    %broadcast_in_dim3A_559 = vector.shape_cast %get3A_558 : vector<384xf32> to vector<1x384xf32>
    %add3A_560 = vector.broadcast %broadcast_in_dim3A_559 : vector<1x384xf32> to vector<1024x384xf32>
    %add3A_561 = arith.addf %dot_general3A_554, %add3A_560 : vector<1024x384xf32>
    %slice3A_562 = vector.extract_strided_slice %add3A_549 {offsets = [0, 0], sizes = [1024, 128], strides = [1, 1]} : vector<1024x384xf32> to vector<1024x128xf32>
    %slice3A_563 = vector.extract_strided_slice %add3A_561 {offsets = [0, 0], sizes = [1024, 128], strides = [1, 1]} : vector<1024x384xf32> to vector<1024x128xf32>
    %add3A_564 = arith.addf %slice3A_562, %slice3A_563 : vector<1024x128xf32>
    %logistic3A_565 = arith.negf %add3A_564 : vector<1024x128xf32>
    %logistic3A_566 = math.exp %logistic3A_565 : vector<1024x128xf32>
    %logistic3A_567 = arith.constant 1.000000e+00 : f32
    %logistic3A_568 = vector.broadcast %logistic3A_567 : f32 to vector<1024x128xf32>
    %logistic3A_569 = arith.addf %logistic3A_568, %logistic3A_566 : vector<1024x128xf32>
    %logistic3A_570 = arith.divf %logistic3A_568, %logistic3A_569 : vector<1024x128xf32>
    %slice3A_571 = vector.extract_strided_slice %add3A_549 {offsets = [0, 128], sizes = [1024, 128], strides = [1, 1]} : vector<1024x384xf32> to vector<1024x128xf32>
    %slice3A_572 = vector.extract_strided_slice %add3A_561 {offsets = [0, 128], sizes = [1024, 128], strides = [1, 1]} : vector<1024x384xf32> to vector<1024x128xf32>
    %add3A_573 = arith.addf %slice3A_571, %slice3A_572 : vector<1024x128xf32>
    %logistic3A_574 = arith.negf %add3A_573 : vector<1024x128xf32>
    %logistic3A_575 = math.exp %logistic3A_574 : vector<1024x128xf32>
    %logistic3A_576 = arith.constant 1.000000e+00 : f32
    %logistic3A_577 = vector.broadcast %logistic3A_576 : f32 to vector<1024x128xf32>
    %logistic3A_578 = arith.addf %logistic3A_577, %logistic3A_575 : vector<1024x128xf32>
    %logistic3A_579 = arith.divf %logistic3A_577, %logistic3A_578 : vector<1024x128xf32>
    %slice3A_580 = vector.extract_strided_slice %add3A_549 {offsets = [0, 256], sizes = [1024, 128], strides = [1, 1]} : vector<1024x384xf32> to vector<1024x128xf32>
    %slice3A_581 = vector.extract_strided_slice %add3A_561 {offsets = [0, 256], sizes = [1024, 128], strides = [1, 1]} : vector<1024x384xf32> to vector<1024x128xf32>
    %mul3A_582 = arith.mulf %logistic3A_570, %slice3A_581 : vector<1024x128xf32>
    %add3A_583 = arith.addf %slice3A_580, %mul3A_582 : vector<1024x128xf32>
    %tanh3A_584 = math.tanh %add3A_583 : vector<1024x128xf32>
    %sub3A_585 = arith.constant 1.000000e+00 : f32
    %sub3A_586 = vector.broadcast %sub3A_585 : f32 to vector<1024x128xf32>
    %sub3A_587 = arith.subf %sub3A_586, %logistic3A_579 : vector<1024x128xf32>
    %mul3A_588 = arith.mulf %sub3A_587, %tanh3A_584 : vector<1024x128xf32>
    %mul3A_589 = arith.mulf %logistic3A_579, %add3A_531 : vector<1024x128xf32>
    %add3A_590 = arith.addf %mul3A_588, %mul3A_589 : vector<1024x128xf32>
    %swap3A_591 = arith.constant 9 : index
    %swap3A_592 = arith.constant 0 : index
    %swap3A_593 = arith.constant 0 : index
    %swap3A_594 = vector.load %arg7[%swap3A_591, %swap3A_592, %swap3A_593] : memref<20x1024x128xf32, #tpu.memory_space<vmem>>, vector<1x1024x128xf32>
    %swap3A_595 = vector.shape_cast %swap3A_594 : vector<1x1024x128xf32> to vector<1024x128xf32>
    %swap3A_596 = vector.shape_cast %add3A_590 : vector<1024x128xf32> to vector<1x1024x128xf32>
    tpu.vector_store %arg7[%swap3A_591, %swap3A_592, %swap3A_593], %swap3A_596 {strides = array<i32>} : memref<20x1024x128xf32, #tpu.memory_space<vmem>>, vector<1x1024x128xf32>,
    %get3A_597 = arith.constant 0 : index
    %get3A_598 = arith.constant 0 : index
    %get3A_599 = vector.load %arg3[%get3A_597, %get3A_598] : memref<384x128xf32, #tpu.memory_space<vmem>>, vector<384x128xf32>
    %dot_general3A_600 = arith.constant dense<0.000000e+00> : vector<1024x384xf32>
    %dot_general3A_601 = tpu.matmul %add3A_590, %get3A_599, %dot_general3A_600 {dimension_numbers = #tpu.dot_dimension_numbers<[1], [1], [0], [0], [0, 0, 1, 0], [], []>, transpose_lhs_hint = false} : vector<1024x128xf32>, vector<384x128xf32>, vector<1024x384xf32> -> vector<1024x384xf32>
    %get3A_602 = arith.constant 0 : index
    %get3A_603 = arith.constant 0 : index
    %get3A_604 = vector.load %arg5[%get3A_602, %get3A_603] : memref<1x384xf32, #tpu.memory_space<vmem>>, vector<1x384xf32>
    %get3A_605 = vector.shape_cast %get3A_604 : vector<1x384xf32> to vector<384xf32>
    %broadcast_in_dim3A_606 = vector.shape_cast %get3A_605 : vector<384xf32> to vector<1x384xf32>
    %add3A_607 = vector.broadcast %broadcast_in_dim3A_606 : vector<1x384xf32> to vector<1024x384xf32>
    %add3A_608 = arith.addf %dot_general3A_601, %add3A_607 : vector<1024x384xf32>
    %get3A_609 = arith.constant 0 : index
    %get3A_610 = arith.constant 0 : index
    %get3A_611 = vector.load %arg4[%get3A_609, %get3A_610] : memref<384x128xf32, #tpu.memory_space<vmem>>, vector<384x128xf32>
    %dot_general3A_612 = arith.constant dense<0.000000e+00> : vector<1024x384xf32>
    %dot_general3A_613 = tpu.matmul %add3A_590, %get3A_611, %dot_general3A_612 {dimension_numbers = #tpu.dot_dimension_numbers<[1], [1], [0], [0], [0, 0, 1, 0], [], []>, transpose_lhs_hint = false} : vector<1024x128xf32>, vector<384x128xf32>, vector<1024x384xf32> -> vector<1024x384xf32>
    %get3A_614 = arith.constant 0 : index
    %get3A_615 = arith.constant 0 : index
    %get3A_616 = vector.load %arg6[%get3A_614, %get3A_615] : memref<1x384xf32, #tpu.memory_space<vmem>>, vector<1x384xf32>
    %get3A_617 = vector.shape_cast %get3A_616 : vector<1x384xf32> to vector<384xf32>
    %broadcast_in_dim3A_618 = vector.shape_cast %get3A_617 : vector<384xf32> to vector<1x384xf32>
    %add3A_619 = vector.broadcast %broadcast_in_dim3A_618 : vector<1x384xf32> to vector<1024x384xf32>
    %add3A_620 = arith.addf %dot_general3A_613, %add3A_619 : vector<1024x384xf32>
    %slice3A_621 = vector.extract_strided_slice %add3A_608 {offsets = [0, 0], sizes = [1024, 128], strides = [1, 1]} : vector<1024x384xf32> to vector<1024x128xf32>
    %slice3A_622 = vector.extract_strided_slice %add3A_620 {offsets = [0, 0], sizes = [1024, 128], strides = [1, 1]} : vector<1024x384xf32> to vector<1024x128xf32>
    %add3A_623 = arith.addf %slice3A_621, %slice3A_622 : vector<1024x128xf32>
    %logistic3A_624 = arith.negf %add3A_623 : vector<1024x128xf32>
    %logistic3A_625 = math.exp %logistic3A_624 : vector<1024x128xf32>
    %logistic3A_626 = arith.constant 1.000000e+00 : f32
    %logistic3A_627 = vector.broadcast %logistic3A_626 : f32 to vector<1024x128xf32>
    %logistic3A_628 = arith.addf %logistic3A_627, %logistic3A_625 : vector<1024x128xf32>
    %logistic3A_629 = arith.divf %logistic3A_627, %logistic3A_628 : vector<1024x128xf32>
    %slice3A_630 = vector.extract_strided_slice %add3A_608 {offsets = [0, 128], sizes = [1024, 128], strides = [1, 1]} : vector<1024x384xf32> to vector<1024x128xf32>
    %slice3A_631 = vector.extract_strided_slice %add3A_620 {offsets = [0, 128], sizes = [1024, 128], strides = [1, 1]} : vector<1024x384xf32> to vector<1024x128xf32>
    %add3A_632 = arith.addf %slice3A_630, %slice3A_631 : vector<1024x128xf32>
    %logistic3A_633 = arith.negf %add3A_632 : vector<1024x128xf32>
    %logistic3A_634 = math.exp %logistic3A_633 : vector<1024x128xf32>
    %logistic3A_635 = arith.constant 1.000000e+00 : f32
    %logistic3A_636 = vector.broadcast %logistic3A_635 : f32 to vector<1024x128xf32>
    %logistic3A_637 = arith.addf %logistic3A_636, %logistic3A_634 : vector<1024x128xf32>
    %logistic3A_638 = arith.divf %logistic3A_636, %logistic3A_637 : vector<1024x128xf32>
    %slice3A_639 = vector.extract_strided_slice %add3A_608 {offsets = [0, 256], sizes = [1024, 128], strides = [1, 1]} : vector<1024x384xf32> to vector<1024x128xf32>
    %slice3A_640 = vector.extract_strided_slice %add3A_620 {offsets = [0, 256], sizes = [1024, 128], strides = [1, 1]} : vector<1024x384xf32> to vector<1024x128xf32>
    %mul3A_641 = arith.mulf %logistic3A_629, %slice3A_640 : vector<1024x128xf32>
    %add3A_642 = arith.addf %slice3A_639, %mul3A_641 : vector<1024x128xf32>
    %tanh3A_643 = math.tanh %add3A_642 : vector<1024x128xf32>
    %sub3A_644 = arith.constant 1.000000e+00 : f32
    %sub3A_645 = vector.broadcast %sub3A_644 : f32 to vector<1024x128xf32>
    %sub3A_646 = arith.subf %sub3A_645, %logistic3A_638 : vector<1024x128xf32>
    %mul3A_647 = arith.mulf %sub3A_646, %tanh3A_643 : vector<1024x128xf32>
    %mul3A_648 = arith.mulf %logistic3A_638, %add3A_590 : vector<1024x128xf32>
    %add3A_649 = arith.addf %mul3A_647, %mul3A_648 : vector<1024x128xf32>
    %swap3A_650 = arith.constant 10 : index
    %swap3A_651 = arith.constant 0 : index
    %swap3A_652 = arith.constant 0 : index
    %swap3A_653 = vector.load %arg7[%swap3A_650, %swap3A_651, %swap3A_652] : memref<20x1024x128xf32, #tpu.memory_space<vmem>>, vector<1x1024x128xf32>
    %swap3A_654 = vector.shape_cast %swap3A_653 : vector<1x1024x128xf32> to vector<1024x128xf32>
    %swap3A_655 = vector.shape_cast %add3A_649 : vector<1024x128xf32> to vector<1x1024x128xf32>
    tpu.vector_store %arg7[%swap3A_650, %swap3A_651, %swap3A_652], %swap3A_655 {strides = array<i32>} : memref<20x1024x128xf32, #tpu.memory_space<vmem>>, vector<1x1024x128xf32>,
    %get3A_656 = arith.constant 0 : index
    %get3A_657 = arith.constant 0 : index
    %get3A_658 = vector.load %arg3[%get3A_656, %get3A_657] : memref<384x128xf32, #tpu.memory_space<vmem>>, vector<384x128xf32>
    %dot_general3A_659 = arith.constant dense<0.000000e+00> : vector<1024x384xf32>
    %dot_general3A_660 = tpu.matmul %add3A_649, %get3A_658, %dot_general3A_659 {dimension_numbers = #tpu.dot_dimension_numbers<[1], [1], [0], [0], [0, 0, 1, 0], [], []>, transpose_lhs_hint = false} : vector<1024x128xf32>, vector<384x128xf32>, vector<1024x384xf32> -> vector<1024x384xf32>
    %get3A_661 = arith.constant 0 : index
    %get3A_662 = arith.constant 0 : index
    %get3A_663 = vector.load %arg5[%get3A_661, %get3A_662] : memref<1x384xf32, #tpu.memory_space<vmem>>, vector<1x384xf32>
    %get3A_664 = vector.shape_cast %get3A_663 : vector<1x384xf32> to vector<384xf32>
    %broadcast_in_dim3A_665 = vector.shape_cast %get3A_664 : vector<384xf32> to vector<1x384xf32>
    %add3A_666 = vector.broadcast %broadcast_in_dim3A_665 : vector<1x384xf32> to vector<1024x384xf32>
    %add3A_667 = arith.addf %dot_general3A_660, %add3A_666 : vector<1024x384xf32>
    %get3A_668 = arith.constant 0 : index
    %get3A_669 = arith.constant 0 : index
    %get3A_670 = vector.load %arg4[%get3A_668, %get3A_669] : memref<384x128xf32, #tpu.memory_space<vmem>>, vector<384x128xf32>
    %dot_general3A_671 = arith.constant dense<0.000000e+00> : vector<1024x384xf32>
    %dot_general3A_672 = tpu.matmul %add3A_649, %get3A_670, %dot_general3A_671 {dimension_numbers = #tpu.dot_dimension_numbers<[1], [1], [0], [0], [0, 0, 1, 0], [], []>, transpose_lhs_hint = false} : vector<1024x128xf32>, vector<384x128xf32>, vector<1024x384xf32> -> vector<1024x384xf32>
    %get3A_673 = arith.constant 0 : index
    %get3A_674 = arith.constant 0 : index
    %get3A_675 = vector.load %arg6[%get3A_673, %get3A_674] : memref<1x384xf32, #tpu.memory_space<vmem>>, vector<1x384xf32>
    %get3A_676 = vector.shape_cast %get3A_675 : vector<1x384xf32> to vector<384xf32>
    %broadcast_in_dim3A_677 = vector.shape_cast %get3A_676 : vector<384xf32> to vector<1x384xf32>
    %add3A_678 = vector.broadcast %broadcast_in_dim3A_677 : vector<1x384xf32> to vector<1024x384xf32>
    %add3A_679 = arith.addf %dot_general3A_672, %add3A_678 : vector<1024x384xf32>
    %slice3A_680 = vector.extract_strided_slice %add3A_667 {offsets = [0, 0], sizes = [1024, 128], strides = [1, 1]} : vector<1024x384xf32> to vector<1024x128xf32>
    %slice3A_681 = vector.extract_strided_slice %add3A_679 {offsets = [0, 0], sizes = [1024, 128], strides = [1, 1]} : vector<1024x384xf32> to vector<1024x128xf32>
    %add3A_682 = arith.addf %slice3A_680, %slice3A_681 : vector<1024x128xf32>
    %logistic3A_683 = arith.negf %add3A_682 : vector<1024x128xf32>
    %logistic3A_684 = math.exp %logistic3A_683 : vector<1024x128xf32>
    %logistic3A_685 = arith.constant 1.000000e+00 : f32
    %logistic3A_686 = vector.broadcast %logistic3A_685 : f32 to vector<1024x128xf32>
    %logistic3A_687 = arith.addf %logistic3A_686, %logistic3A_684 : vector<1024x128xf32>
    %logistic3A_688 = arith.divf %logistic3A_686, %logistic3A_687 : vector<1024x128xf32>
    %slice3A_689 = vector.extract_strided_slice %add3A_667 {offsets = [0, 128], sizes = [1024, 128], strides = [1, 1]} : vector<1024x384xf32> to vector<1024x128xf32>
    %slice3A_690 = vector.extract_strided_slice %add3A_679 {offsets = [0, 128], sizes = [1024, 128], strides = [1, 1]} : vector<1024x384xf32> to vector<1024x128xf32>
    %add3A_691 = arith.addf %slice3A_689, %slice3A_690 : vector<1024x128xf32>
    %logistic3A_692 = arith.negf %add3A_691 : vector<1024x128xf32>
    %logistic3A_693 = math.exp %logistic3A_692 : vector<1024x128xf32>
    %logistic3A_694 = arith.constant 1.000000e+00 : f32
    %logistic3A_695 = vector.broadcast %logistic3A_694 : f32 to vector<1024x128xf32>
    %logistic3A_696 = arith.addf %logistic3A_695, %logistic3A_693 : vector<1024x128xf32>
    %logistic3A_697 = arith.divf %logistic3A_695, %logistic3A_696 : vector<1024x128xf32>
    %slice3A_698 = vector.extract_strided_slice %add3A_667 {offsets = [0, 256], sizes = [1024, 128], strides = [1, 1]} : vector<1024x384xf32> to vector<1024x128xf32>
    %slice3A_699 = vector.extract_strided_slice %add3A_679 {offsets = [0, 256], sizes = [1024, 128], strides = [1, 1]} : vector<1024x384xf32> to vector<1024x128xf32>
    %mul3A_700 = arith.mulf %logistic3A_688, %slice3A_699 : vector<1024x128xf32>
    %add3A_701 = arith.addf %slice3A_698, %mul3A_700 : vector<1024x128xf32>
    %tanh3A_702 = math.tanh %add3A_701 : vector<1024x128xf32>
    %sub3A_703 = arith.constant 1.000000e+00 : f32
    %sub3A_704 = vector.broadcast %sub3A_703 : f32 to vector<1024x128xf32>
    %sub3A_705 = arith.subf %sub3A_704, %logistic3A_697 : vector<1024x128xf32>
    %mul3A_706 = arith.mulf %sub3A_705, %tanh3A_702 : vector<1024x128xf32>
    %mul3A_707 = arith.mulf %logistic3A_697, %add3A_649 : vector<1024x128xf32>
    %add3A_708 = arith.addf %mul3A_706, %mul3A_707 : vector<1024x128xf32>
    %swap3A_709 = arith.constant 11 : index
    %swap3A_710 = arith.constant 0 : index
    %swap3A_711 = arith.constant 0 : index
    %swap3A_712 = vector.load %arg7[%swap3A_709, %swap3A_710, %swap3A_711] : memref<20x1024x128xf32, #tpu.memory_space<vmem>>, vector<1x1024x128xf32>
    %swap3A_713 = vector.shape_cast %swap3A_712 : vector<1x1024x128xf32> to vector<1024x128xf32>
    %swap3A_714 = vector.shape_cast %add3A_708 : vector<1024x128xf32> to vector<1x1024x128xf32>
    tpu.vector_store %arg7[%swap3A_709, %swap3A_710, %swap3A_711], %swap3A_714 {strides = array<i32>} : memref<20x1024x128xf32, #tpu.memory_space<vmem>>, vector<1x1024x128xf32>,
    %get3A_715 = arith.constant 0 : index
    %get3A_716 = arith.constant 0 : index
    %get3A_717 = vector.load %arg3[%get3A_715, %get3A_716] : memref<384x128xf32, #tpu.memory_space<vmem>>, vector<384x128xf32>
    %dot_general3A_718 = arith.constant dense<0.000000e+00> : vector<1024x384xf32>
    %dot_general3A_719 = tpu.matmul %add3A_708, %get3A_717, %dot_general3A_718 {dimension_numbers = #tpu.dot_dimension_numbers<[1], [1], [0], [0], [0, 0, 1, 0], [], []>, transpose_lhs_hint = false} : vector<1024x128xf32>, vector<384x128xf32>, vector<1024x384xf32> -> vector<1024x384xf32>
    %get3A_720 = arith.constant 0 : index
    %get3A_721 = arith.constant 0 : index
    %get3A_722 = vector.load %arg5[%get3A_720, %get3A_721] : memref<1x384xf32, #tpu.memory_space<vmem>>, vector<1x384xf32>
    %get3A_723 = vector.shape_cast %get3A_722 : vector<1x384xf32> to vector<384xf32>
    %broadcast_in_dim3A_724 = vector.shape_cast %get3A_723 : vector<384xf32> to vector<1x384xf32>
    %add3A_725 = vector.broadcast %broadcast_in_dim3A_724 : vector<1x384xf32> to vector<1024x384xf32>
    %add3A_726 = arith.addf %dot_general3A_719, %add3A_725 : vector<1024x384xf32>
    %get3A_727 = arith.constant 0 : index
    %get3A_728 = arith.constant 0 : index
    %get3A_729 = vector.load %arg4[%get3A_727, %get3A_728] : memref<384x128xf32, #tpu.memory_space<vmem>>, vector<384x128xf32>
    %dot_general3A_730 = arith.constant dense<0.000000e+00> : vector<1024x384xf32>
    %dot_general3A_731 = tpu.matmul %add3A_708, %get3A_729, %dot_general3A_730 {dimension_numbers = #tpu.dot_dimension_numbers<[1], [1], [0], [0], [0, 0, 1, 0], [], []>, transpose_lhs_hint = false} : vector<1024x128xf32>, vector<384x128xf32>, vector<1024x384xf32> -> vector<1024x384xf32>
    %get3A_732 = arith.constant 0 : index
    %get3A_733 = arith.constant 0 : index
    %get3A_734 = vector.load %arg6[%get3A_732, %get3A_733] : memref<1x384xf32, #tpu.memory_space<vmem>>, vector<1x384xf32>
    %get3A_735 = vector.shape_cast %get3A_734 : vector<1x384xf32> to vector<384xf32>
    %broadcast_in_dim3A_736 = vector.shape_cast %get3A_735 : vector<384xf32> to vector<1x384xf32>
    %add3A_737 = vector.broadcast %broadcast_in_dim3A_736 : vector<1x384xf32> to vector<1024x384xf32>
    %add3A_738 = arith.addf %dot_general3A_731, %add3A_737 : vector<1024x384xf32>
    %slice3A_739 = vector.extract_strided_slice %add3A_726 {offsets = [0, 0], sizes = [1024, 128], strides = [1, 1]} : vector<1024x384xf32> to vector<1024x128xf32>
    %slice3A_740 = vector.extract_strided_slice %add3A_738 {offsets = [0, 0], sizes = [1024, 128], strides = [1, 1]} : vector<1024x384xf32> to vector<1024x128xf32>
    %add3A_741 = arith.addf %slice3A_739, %slice3A_740 : vector<1024x128xf32>
    %logistic3A_742 = arith.negf %add3A_741 : vector<1024x128xf32>
    %logistic3A_743 = math.exp %logistic3A_742 : vector<1024x128xf32>
    %logistic3A_744 = arith.constant 1.000000e+00 : f32
    %logistic3A_745 = vector.broadcast %logistic3A_744 : f32 to vector<1024x128xf32>
    %logistic3A_746 = arith.addf %logistic3A_745, %logistic3A_743 : vector<1024x128xf32>
    %logistic3A_747 = arith.divf %logistic3A_745, %logistic3A_746 : vector<1024x128xf32>
    %slice3A_748 = vector.extract_strided_slice %add3A_726 {offsets = [0, 128], sizes = [1024, 128], strides = [1, 1]} : vector<1024x384xf32> to vector<1024x128xf32>
    %slice3A_749 = vector.extract_strided_slice %add3A_738 {offsets = [0, 128], sizes = [1024, 128], strides = [1, 1]} : vector<1024x384xf32> to vector<1024x128xf32>
    %add3A_750 = arith.addf %slice3A_748, %slice3A_749 : vector<1024x128xf32>
    %logistic3A_751 = arith.negf %add3A_750 : vector<1024x128xf32>
    %logistic3A_752 = math.exp %logistic3A_751 : vector<1024x128xf32>
    %logistic3A_753 = arith.constant 1.000000e+00 : f32
    %logistic3A_754 = vector.broadcast %logistic3A_753 : f32 to vector<1024x128xf32>
    %logistic3A_755 = arith.addf %logistic3A_754, %logistic3A_752 : vector<1024x128xf32>
    %logistic3A_756 = arith.divf %logistic3A_754, %logistic3A_755 : vector<1024x128xf32>
    %slice3A_757 = vector.extract_strided_slice %add3A_726 {offsets = [0, 256], sizes = [1024, 128], strides = [1, 1]} : vector<1024x384xf32> to vector<1024x128xf32>
    %slice3A_758 = vector.extract_strided_slice %add3A_738 {offsets = [0, 256], sizes = [1024, 128], strides = [1, 1]} : vector<1024x384xf32> to vector<1024x128xf32>
    %mul3A_759 = arith.mulf %logistic3A_747, %slice3A_758 : vector<1024x128xf32>
    %add3A_760 = arith.addf %slice3A_757, %mul3A_759 : vector<1024x128xf32>
    %tanh3A_761 = math.tanh %add3A_760 : vector<1024x128xf32>
    %sub3A_762 = arith.constant 1.000000e+00 : f32
    %sub3A_763 = vector.broadcast %sub3A_762 : f32 to vector<1024x128xf32>
    %sub3A_764 = arith.subf %sub3A_763, %logistic3A_756 : vector<1024x128xf32>
    %mul3A_765 = arith.mulf %sub3A_764, %tanh3A_761 : vector<1024x128xf32>
    %mul3A_766 = arith.mulf %logistic3A_756, %add3A_708 : vector<1024x128xf32>
    %add3A_767 = arith.addf %mul3A_765, %mul3A_766 : vector<1024x128xf32>
    %swap3A_768 = arith.constant 12 : index
    %swap3A_769 = arith.constant 0 : index
    %swap3A_770 = arith.constant 0 : index
    %swap3A_771 = vector.load %arg7[%swap3A_768, %swap3A_769, %swap3A_770] : memref<20x1024x128xf32, #tpu.memory_space<vmem>>, vector<1x1024x128xf32>
    %swap3A_772 = vector.shape_cast %swap3A_771 : vector<1x1024x128xf32> to vector<1024x128xf32>
    %swap3A_773 = vector.shape_cast %add3A_767 : vector<1024x128xf32> to vector<1x1024x128xf32>
    tpu.vector_store %arg7[%swap3A_768, %swap3A_769, %swap3A_770], %swap3A_773 {strides = array<i32>} : memref<20x1024x128xf32, #tpu.memory_space<vmem>>, vector<1x1024x128xf32>,
    %get3A_774 = arith.constant 0 : index
    %get3A_775 = arith.constant 0 : index
    %get3A_776 = vector.load %arg3[%get3A_774, %get3A_775] : memref<384x128xf32, #tpu.memory_space<vmem>>, vector<384x128xf32>
    %dot_general3A_777 = arith.constant dense<0.000000e+00> : vector<1024x384xf32>
    %dot_general3A_778 = tpu.matmul %add3A_767, %get3A_776, %dot_general3A_777 {dimension_numbers = #tpu.dot_dimension_numbers<[1], [1], [0], [0], [0, 0, 1, 0], [], []>, transpose_lhs_hint = false} : vector<1024x128xf32>, vector<384x128xf32>, vector<1024x384xf32> -> vector<1024x384xf32>
    %get3A_779 = arith.constant 0 : index
    %get3A_780 = arith.constant 0 : index
    %get3A_781 = vector.load %arg5[%get3A_779, %get3A_780] : memref<1x384xf32, #tpu.memory_space<vmem>>, vector<1x384xf32>
    %get3A_782 = vector.shape_cast %get3A_781 : vector<1x384xf32> to vector<384xf32>
    %broadcast_in_dim3A_783 = vector.shape_cast %get3A_782 : vector<384xf32> to vector<1x384xf32>
    %add3A_784 = vector.broadcast %broadcast_in_dim3A_783 : vector<1x384xf32> to vector<1024x384xf32>
    %add3A_785 = arith.addf %dot_general3A_778, %add3A_784 : vector<1024x384xf32>
    %get3A_786 = arith.constant 0 : index
    %get3A_787 = arith.constant 0 : index
    %get3A_788 = vector.load %arg4[%get3A_786, %get3A_787] : memref<384x128xf32, #tpu.memory_space<vmem>>, vector<384x128xf32>
    %dot_general3A_789 = arith.constant dense<0.000000e+00> : vector<1024x384xf32>
    %dot_general3A_790 = tpu.matmul %add3A_767, %get3A_788, %dot_general3A_789 {dimension_numbers = #tpu.dot_dimension_numbers<[1], [1], [0], [0], [0, 0, 1, 0], [], []>, transpose_lhs_hint = false} : vector<1024x128xf32>, vector<384x128xf32>, vector<1024x384xf32> -> vector<1024x384xf32>
    %get3A_791 = arith.constant 0 : index
    %get3A_792 = arith.constant 0 : index
    %get3A_793 = vector.load %arg6[%get3A_791, %get3A_792] : memref<1x384xf32, #tpu.memory_space<vmem>>, vector<1x384xf32>
    %get3A_794 = vector.shape_cast %get3A_793 : vector<1x384xf32> to vector<384xf32>
    %broadcast_in_dim3A_795 = vector.shape_cast %get3A_794 : vector<384xf32> to vector<1x384xf32>
    %add3A_796 = vector.broadcast %broadcast_in_dim3A_795 : vector<1x384xf32> to vector<1024x384xf32>
    %add3A_797 = arith.addf %dot_general3A_790, %add3A_796 : vector<1024x384xf32>
    %slice3A_798 = vector.extract_strided_slice %add3A_785 {offsets = [0, 0], sizes = [1024, 128], strides = [1, 1]} : vector<1024x384xf32> to vector<1024x128xf32>
    %slice3A_799 = vector.extract_strided_slice %add3A_797 {offsets = [0, 0], sizes = [1024, 128], strides = [1, 1]} : vector<1024x384xf32> to vector<1024x128xf32>
    %add3A_800 = arith.addf %slice3A_798, %slice3A_799 : vector<1024x128xf32>
    %logistic3A_801 = arith.negf %add3A_800 : vector<1024x128xf32>
    %logistic3A_802 = math.exp %logistic3A_801 : vector<1024x128xf32>
    %logistic3A_803 = arith.constant 1.000000e+00 : f32
    %logistic3A_804 = vector.broadcast %logistic3A_803 : f32 to vector<1024x128xf32>
    %logistic3A_805 = arith.addf %logistic3A_804, %logistic3A_802 : vector<1024x128xf32>
    %logistic3A_806 = arith.divf %logistic3A_804, %logistic3A_805 : vector<1024x128xf32>
    %slice3A_807 = vector.extract_strided_slice %add3A_785 {offsets = [0, 128], sizes = [1024, 128], strides = [1, 1]} : vector<1024x384xf32> to vector<1024x128xf32>
    %slice3A_808 = vector.extract_strided_slice %add3A_797 {offsets = [0, 128], sizes = [1024, 128], strides = [1, 1]} : vector<1024x384xf32> to vector<1024x128xf32>
    %add3A_809 = arith.addf %slice3A_807, %slice3A_808 : vector<1024x128xf32>
    %logistic3A_810 = arith.negf %add3A_809 : vector<1024x128xf32>
    %logistic3A_811 = math.exp %logistic3A_810 : vector<1024x128xf32>
    %logistic3A_812 = arith.constant 1.000000e+00 : f32
    %logistic3A_813 = vector.broadcast %logistic3A_812 : f32 to vector<1024x128xf32>
    %logistic3A_814 = arith.addf %logistic3A_813, %logistic3A_811 : vector<1024x128xf32>
    %logistic3A_815 = arith.divf %logistic3A_813, %logistic3A_814 : vector<1024x128xf32>
    %slice3A_816 = vector.extract_strided_slice %add3A_785 {offsets = [0, 256], sizes = [1024, 128], strides = [1, 1]} : vector<1024x384xf32> to vector<1024x128xf32>
    %slice3A_817 = vector.extract_strided_slice %add3A_797 {offsets = [0, 256], sizes = [1024, 128], strides = [1, 1]} : vector<1024x384xf32> to vector<1024x128xf32>
    %mul3A_818 = arith.mulf %logistic3A_806, %slice3A_817 : vector<1024x128xf32>
    %add3A_819 = arith.addf %slice3A_816, %mul3A_818 : vector<1024x128xf32>
    %tanh3A_820 = math.tanh %add3A_819 : vector<1024x128xf32>
    %sub3A_821 = arith.constant 1.000000e+00 : f32
    %sub3A_822 = vector.broadcast %sub3A_821 : f32 to vector<1024x128xf32>
    %sub3A_823 = arith.subf %sub3A_822, %logistic3A_815 : vector<1024x128xf32>
    %mul3A_824 = arith.mulf %sub3A_823, %tanh3A_820 : vector<1024x128xf32>
    %mul3A_825 = arith.mulf %logistic3A_815, %add3A_767 : vector<1024x128xf32>
    %add3A_826 = arith.addf %mul3A_824, %mul3A_825 : vector<1024x128xf32>
    %swap3A_827 = arith.constant 13 : index
    %swap3A_828 = arith.constant 0 : index
    %swap3A_829 = arith.constant 0 : index
    %swap3A_830 = vector.load %arg7[%swap3A_827, %swap3A_828, %swap3A_829] : memref<20x1024x128xf32, #tpu.memory_space<vmem>>, vector<1x1024x128xf32>
    %swap3A_831 = vector.shape_cast %swap3A_830 : vector<1x1024x128xf32> to vector<1024x128xf32>
    %swap3A_832 = vector.shape_cast %add3A_826 : vector<1024x128xf32> to vector<1x1024x128xf32>
    tpu.vector_store %arg7[%swap3A_827, %swap3A_828, %swap3A_829], %swap3A_832 {strides = array<i32>} : memref<20x1024x128xf32, #tpu.memory_space<vmem>>, vector<1x1024x128xf32>,
    %get3A_833 = arith.constant 0 : index
    %get3A_834 = arith.constant 0 : index
    %get3A_835 = vector.load %arg3[%get3A_833, %get3A_834] : memref<384x128xf32, #tpu.memory_space<vmem>>, vector<384x128xf32>
    %dot_general3A_836 = arith.constant dense<0.000000e+00> : vector<1024x384xf32>
    %dot_general3A_837 = tpu.matmul %add3A_826, %get3A_835, %dot_general3A_836 {dimension_numbers = #tpu.dot_dimension_numbers<[1], [1], [0], [0], [0, 0, 1, 0], [], []>, transpose_lhs_hint = false} : vector<1024x128xf32>, vector<384x128xf32>, vector<1024x384xf32> -> vector<1024x384xf32>
    %get3A_838 = arith.constant 0 : index
    %get3A_839 = arith.constant 0 : index
    %get3A_840 = vector.load %arg5[%get3A_838, %get3A_839] : memref<1x384xf32, #tpu.memory_space<vmem>>, vector<1x384xf32>
    %get3A_841 = vector.shape_cast %get3A_840 : vector<1x384xf32> to vector<384xf32>
    %broadcast_in_dim3A_842 = vector.shape_cast %get3A_841 : vector<384xf32> to vector<1x384xf32>
    %add3A_843 = vector.broadcast %broadcast_in_dim3A_842 : vector<1x384xf32> to vector<1024x384xf32>
    %add3A_844 = arith.addf %dot_general3A_837, %add3A_843 : vector<1024x384xf32>
    %get3A_845 = arith.constant 0 : index
    %get3A_846 = arith.constant 0 : index
    %get3A_847 = vector.load %arg4[%get3A_845, %get3A_846] : memref<384x128xf32, #tpu.memory_space<vmem>>, vector<384x128xf32>
    %dot_general3A_848 = arith.constant dense<0.000000e+00> : vector<1024x384xf32>
    %dot_general3A_849 = tpu.matmul %add3A_826, %get3A_847, %dot_general3A_848 {dimension_numbers = #tpu.dot_dimension_numbers<[1], [1], [0], [0], [0, 0, 1, 0], [], []>, transpose_lhs_hint = false} : vector<1024x128xf32>, vector<384x128xf32>, vector<1024x384xf32> -> vector<1024x384xf32>
    %get3A_850 = arith.constant 0 : index
    %get3A_851 = arith.constant 0 : index
    %get3A_852 = vector.load %arg6[%get3A_850, %get3A_851] : memref<1x384xf32, #tpu.memory_space<vmem>>, vector<1x384xf32>
    %get3A_853 = vector.shape_cast %get3A_852 : vector<1x384xf32> to vector<384xf32>
    %broadcast_in_dim3A_854 = vector.shape_cast %get3A_853 : vector<384xf32> to vector<1x384xf32>
    %add3A_855 = vector.broadcast %broadcast_in_dim3A_854 : vector<1x384xf32> to vector<1024x384xf32>
    %add3A_856 = arith.addf %dot_general3A_849, %add3A_855 : vector<1024x384xf32>
    %slice3A_857 = vector.extract_strided_slice %add3A_844 {offsets = [0, 0], sizes = [1024, 128], strides = [1, 1]} : vector<1024x384xf32> to vector<1024x128xf32>
    %slice3A_858 = vector.extract_strided_slice %add3A_856 {offsets = [0, 0], sizes = [1024, 128], strides = [1, 1]} : vector<1024x384xf32> to vector<1024x128xf32>
    %add3A_859 = arith.addf %slice3A_857, %slice3A_858 : vector<1024x128xf32>
    %logistic3A_860 = arith.negf %add3A_859 : vector<1024x128xf32>
    %logistic3A_861 = math.exp %logistic3A_860 : vector<1024x128xf32>
    %logistic3A_862 = arith.constant 1.000000e+00 : f32
    %logistic3A_863 = vector.broadcast %logistic3A_862 : f32 to vector<1024x128xf32>
    %logistic3A_864 = arith.addf %logistic3A_863, %logistic3A_861 : vector<1024x128xf32>
    %logistic3A_865 = arith.divf %logistic3A_863, %logistic3A_864 : vector<1024x128xf32>
    %slice3A_866 = vector.extract_strided_slice %add3A_844 {offsets = [0, 128], sizes = [1024, 128], strides = [1, 1]} : vector<1024x384xf32> to vector<1024x128xf32>
    %slice3A_867 = vector.extract_strided_slice %add3A_856 {offsets = [0, 128], sizes = [1024, 128], strides = [1, 1]} : vector<1024x384xf32> to vector<1024x128xf32>
    %add3A_868 = arith.addf %slice3A_866, %slice3A_867 : vector<1024x128xf32>
    %logistic3A_869 = arith.negf %add3A_868 : vector<1024x128xf32>
    %logistic3A_870 = math.exp %logistic3A_869 : vector<1024x128xf32>
    %logistic3A_871 = arith.constant 1.000000e+00 : f32
    %logistic3A_872 = vector.broadcast %logistic3A_871 : f32 to vector<1024x128xf32>
    %logistic3A_873 = arith.addf %logistic3A_872, %logistic3A_870 : vector<1024x128xf32>
    %logistic3A_874 = arith.divf %logistic3A_872, %logistic3A_873 : vector<1024x128xf32>
    %slice3A_875 = vector.extract_strided_slice %add3A_844 {offsets = [0, 256], sizes = [1024, 128], strides = [1, 1]} : vector<1024x384xf32> to vector<1024x128xf32>
    %slice3A_876 = vector.extract_strided_slice %add3A_856 {offsets = [0, 256], sizes = [1024, 128], strides = [1, 1]} : vector<1024x384xf32> to vector<1024x128xf32>
    %mul3A_877 = arith.mulf %logistic3A_865, %slice3A_876 : vector<1024x128xf32>
    %add3A_878 = arith.addf %slice3A_875, %mul3A_877 : vector<1024x128xf32>
    %tanh3A_879 = math.tanh %add3A_878 : vector<1024x128xf32>
    %sub3A_880 = arith.constant 1.000000e+00 : f32
    %sub3A_881 = vector.broadcast %sub3A_880 : f32 to vector<1024x128xf32>
    %sub3A_882 = arith.subf %sub3A_881, %logistic3A_874 : vector<1024x128xf32>
    %mul3A_883 = arith.mulf %sub3A_882, %tanh3A_879 : vector<1024x128xf32>
    %mul3A_884 = arith.mulf %logistic3A_874, %add3A_826 : vector<1024x128xf32>
    %add3A_885 = arith.addf %mul3A_883, %mul3A_884 : vector<1024x128xf32>
    %swap3A_886 = arith.constant 14 : index
    %swap3A_887 = arith.constant 0 : index
    %swap3A_888 = arith.constant 0 : index
    %swap3A_889 = vector.load %arg7[%swap3A_886, %swap3A_887, %swap3A_888] : memref<20x1024x128xf32, #tpu.memory_space<vmem>>, vector<1x1024x128xf32>
    %swap3A_890 = vector.shape_cast %swap3A_889 : vector<1x1024x128xf32> to vector<1024x128xf32>
    %swap3A_891 = vector.shape_cast %add3A_885 : vector<1024x128xf32> to vector<1x1024x128xf32>
    tpu.vector_store %arg7[%swap3A_886, %swap3A_887, %swap3A_888], %swap3A_891 {strides = array<i32>} : memref<20x1024x128xf32, #tpu.memory_space<vmem>>, vector<1x1024x128xf32>,
    %get3A_892 = arith.constant 0 : index
    %get3A_893 = arith.constant 0 : index
    %get3A_894 = vector.load %arg3[%get3A_892, %get3A_893] : memref<384x128xf32, #tpu.memory_space<vmem>>, vector<384x128xf32>
    %dot_general3A_895 = arith.constant dense<0.000000e+00> : vector<1024x384xf32>
    %dot_general3A_896 = tpu.matmul %add3A_885, %get3A_894, %dot_general3A_895 {dimension_numbers = #tpu.dot_dimension_numbers<[1], [1], [0], [0], [0, 0, 1, 0], [], []>, transpose_lhs_hint = false} : vector<1024x128xf32>, vector<384x128xf32>, vector<1024x384xf32> -> vector<1024x384xf32>
    %get3A_897 = arith.constant 0 : index
    %get3A_898 = arith.constant 0 : index
    %get3A_899 = vector.load %arg5[%get3A_897, %get3A_898] : memref<1x384xf32, #tpu.memory_space<vmem>>, vector<1x384xf32>
    %get3A_900 = vector.shape_cast %get3A_899 : vector<1x384xf32> to vector<384xf32>
    %broadcast_in_dim3A_901 = vector.shape_cast %get3A_900 : vector<384xf32> to vector<1x384xf32>
    %add3A_902 = vector.broadcast %broadcast_in_dim3A_901 : vector<1x384xf32> to vector<1024x384xf32>
    %add3A_903 = arith.addf %dot_general3A_896, %add3A_902 : vector<1024x384xf32>
    %get3A_904 = arith.constant 0 : index
    %get3A_905 = arith.constant 0 : index
    %get3A_906 = vector.load %arg4[%get3A_904, %get3A_905] : memref<384x128xf32, #tpu.memory_space<vmem>>, vector<384x128xf32>
    %dot_general3A_907 = arith.constant dense<0.000000e+00> : vector<1024x384xf32>
    %dot_general3A_908 = tpu.matmul %add3A_885, %get3A_906, %dot_general3A_907 {dimension_numbers = #tpu.dot_dimension_numbers<[1], [1], [0], [0], [0, 0, 1, 0], [], []>, transpose_lhs_hint = false} : vector<1024x128xf32>, vector<384x128xf32>, vector<1024x384xf32> -> vector<1024x384xf32>
    %get3A_909 = arith.constant 0 : index
    %get3A_910 = arith.constant 0 : index
    %get3A_911 = vector.load %arg6[%get3A_909, %get3A_910] : memref<1x384xf32, #tpu.memory_space<vmem>>, vector<1x384xf32>
    %get3A_912 = vector.shape_cast %get3A_911 : vector<1x384xf32> to vector<384xf32>
    %broadcast_in_dim3A_913 = vector.shape_cast %get3A_912 : vector<384xf32> to vector<1x384xf32>
    %add3A_914 = vector.broadcast %broadcast_in_dim3A_913 : vector<1x384xf32> to vector<1024x384xf32>
    %add3A_915 = arith.addf %dot_general3A_908, %add3A_914 : vector<1024x384xf32>
    %slice3A_916 = vector.extract_strided_slice %add3A_903 {offsets = [0, 0], sizes = [1024, 128], strides = [1, 1]} : vector<1024x384xf32> to vector<1024x128xf32>
    %slice3A_917 = vector.extract_strided_slice %add3A_915 {offsets = [0, 0], sizes = [1024, 128], strides = [1, 1]} : vector<1024x384xf32> to vector<1024x128xf32>
    %add3A_918 = arith.addf %slice3A_916, %slice3A_917 : vector<1024x128xf32>
    %logistic3A_919 = arith.negf %add3A_918 : vector<1024x128xf32>
    %logistic3A_920 = math.exp %logistic3A_919 : vector<1024x128xf32>
    %logistic3A_921 = arith.constant 1.000000e+00 : f32
    %logistic3A_922 = vector.broadcast %logistic3A_921 : f32 to vector<1024x128xf32>
    %logistic3A_923 = arith.addf %logistic3A_922, %logistic3A_920 : vector<1024x128xf32>
    %logistic3A_924 = arith.divf %logistic3A_922, %logistic3A_923 : vector<1024x128xf32>
    %slice3A_925 = vector.extract_strided_slice %add3A_903 {offsets = [0, 128], sizes = [1024, 128], strides = [1, 1]} : vector<1024x384xf32> to vector<1024x128xf32>
    %slice3A_926 = vector.extract_strided_slice %add3A_915 {offsets = [0, 128], sizes = [1024, 128], strides = [1, 1]} : vector<1024x384xf32> to vector<1024x128xf32>
    %add3A_927 = arith.addf %slice3A_925, %slice3A_926 : vector<1024x128xf32>
    %logistic3A_928 = arith.negf %add3A_927 : vector<1024x128xf32>
    %logistic3A_929 = math.exp %logistic3A_928 : vector<1024x128xf32>
    %logistic3A_930 = arith.constant 1.000000e+00 : f32
    %logistic3A_931 = vector.broadcast %logistic3A_930 : f32 to vector<1024x128xf32>
    %logistic3A_932 = arith.addf %logistic3A_931, %logistic3A_929 : vector<1024x128xf32>
    %logistic3A_933 = arith.divf %logistic3A_931, %logistic3A_932 : vector<1024x128xf32>
    %slice3A_934 = vector.extract_strided_slice %add3A_903 {offsets = [0, 256], sizes = [1024, 128], strides = [1, 1]} : vector<1024x384xf32> to vector<1024x128xf32>
    %slice3A_935 = vector.extract_strided_slice %add3A_915 {offsets = [0, 256], sizes = [1024, 128], strides = [1, 1]} : vector<1024x384xf32> to vector<1024x128xf32>
    %mul3A_936 = arith.mulf %logistic3A_924, %slice3A_935 : vector<1024x128xf32>
    %add3A_937 = arith.addf %slice3A_934, %mul3A_936 : vector<1024x128xf32>
    %tanh3A_938 = math.tanh %add3A_937 : vector<1024x128xf32>
    %sub3A_939 = arith.constant 1.000000e+00 : f32
    %sub3A_940 = vector.broadcast %sub3A_939 : f32 to vector<1024x128xf32>
    %sub3A_941 = arith.subf %sub3A_940, %logistic3A_933 : vector<1024x128xf32>
    %mul3A_942 = arith.mulf %sub3A_941, %tanh3A_938 : vector<1024x128xf32>
    %mul3A_943 = arith.mulf %logistic3A_933, %add3A_885 : vector<1024x128xf32>
    %add3A_944 = arith.addf %mul3A_942, %mul3A_943 : vector<1024x128xf32>
    %swap3A_945 = arith.constant 15 : index
    %swap3A_946 = arith.constant 0 : index
    %swap3A_947 = arith.constant 0 : index
    %swap3A_948 = vector.load %arg7[%swap3A_945, %swap3A_946, %swap3A_947] : memref<20x1024x128xf32, #tpu.memory_space<vmem>>, vector<1x1024x128xf32>
    %swap3A_949 = vector.shape_cast %swap3A_948 : vector<1x1024x128xf32> to vector<1024x128xf32>
    %swap3A_950 = vector.shape_cast %add3A_944 : vector<1024x128xf32> to vector<1x1024x128xf32>
    tpu.vector_store %arg7[%swap3A_945, %swap3A_946, %swap3A_947], %swap3A_950 {strides = array<i32>} : memref<20x1024x128xf32, #tpu.memory_space<vmem>>, vector<1x1024x128xf32>,
    %get3A_951 = arith.constant 0 : index
    %get3A_952 = arith.constant 0 : index
    %get3A_953 = vector.load %arg3[%get3A_951, %get3A_952] : memref<384x128xf32, #tpu.memory_space<vmem>>, vector<384x128xf32>
    %dot_general3A_954 = arith.constant dense<0.000000e+00> : vector<1024x384xf32>
    %dot_general3A_955 = tpu.matmul %add3A_944, %get3A_953, %dot_general3A_954 {dimension_numbers = #tpu.dot_dimension_numbers<[1], [1], [0], [0], [0, 0, 1, 0], [], []>, transpose_lhs_hint = false} : vector<1024x128xf32>, vector<384x128xf32>, vector<1024x384xf32> -> vector<1024x384xf32>
    %get3A_956 = arith.constant 0 : index
    %get3A_957 = arith.constant 0 : index
    %get3A_958 = vector.load %arg5[%get3A_956, %get3A_957] : memref<1x384xf32, #tpu.memory_space<vmem>>, vector<1x384xf32>
    %get3A_959 = vector.shape_cast %get3A_958 : vector<1x384xf32> to vector<384xf32>
    %broadcast_in_dim3A_960 = vector.shape_cast %get3A_959 : vector<384xf32> to vector<1x384xf32>
    %add3A_961 = vector.broadcast %broadcast_in_dim3A_960 : vector<1x384xf32> to vector<1024x384xf32>
    %add3A_962 = arith.addf %dot_general3A_955, %add3A_961 : vector<1024x384xf32>
    %get3A_963 = arith.constant 0 : index
    %get3A_964 = arith.constant 0 : index
    %get3A_965 = vector.load %arg4[%get3A_963, %get3A_964] : memref<384x128xf32, #tpu.memory_space<vmem>>, vector<384x128xf32>
    %dot_general3A_966 = arith.constant dense<0.000000e+00> : vector<1024x384xf32>
    %dot_general3A_967 = tpu.matmul %add3A_944, %get3A_965, %dot_general3A_966 {dimension_numbers = #tpu.dot_dimension_numbers<[1], [1], [0], [0], [0, 0, 1, 0], [], []>, transpose_lhs_hint = false} : vector<1024x128xf32>, vector<384x128xf32>, vector<1024x384xf32> -> vector<1024x384xf32>
    %get3A_968 = arith.constant 0 : index
    %get3A_969 = arith.constant 0 : index
    %get3A_970 = vector.load %arg6[%get3A_968, %get3A_969] : memref<1x384xf32, #tpu.memory_space<vmem>>, vector<1x384xf32>
    %get3A_971 = vector.shape_cast %get3A_970 : vector<1x384xf32> to vector<384xf32>
    %broadcast_in_dim3A_972 = vector.shape_cast %get3A_971 : vector<384xf32> to vector<1x384xf32>
    %add3A_973 = vector.broadcast %broadcast_in_dim3A_972 : vector<1x384xf32> to vector<1024x384xf32>
    %add3A_974 = arith.addf %dot_general3A_967, %add3A_973 : vector<1024x384xf32>
    %slice3A_975 = vector.extract_strided_slice %add3A_962 {offsets = [0, 0], sizes = [1024, 128], strides = [1, 1]} : vector<1024x384xf32> to vector<1024x128xf32>
    %slice3A_976 = vector.extract_strided_slice %add3A_974 {offsets = [0, 0], sizes = [1024, 128], strides = [1, 1]} : vector<1024x384xf32> to vector<1024x128xf32>
    %add3A_977 = arith.addf %slice3A_975, %slice3A_976 : vector<1024x128xf32>
    %logistic3A_978 = arith.negf %add3A_977 : vector<1024x128xf32>
    %logistic3A_979 = math.exp %logistic3A_978 : vector<1024x128xf32>
    %logistic3A_980 = arith.constant 1.000000e+00 : f32
    %logistic3A_981 = vector.broadcast %logistic3A_980 : f32 to vector<1024x128xf32>
    %logistic3A_982 = arith.addf %logistic3A_981, %logistic3A_979 : vector<1024x128xf32>
    %logistic3A_983 = arith.divf %logistic3A_981, %logistic3A_982 : vector<1024x128xf32>
    %slice3A_984 = vector.extract_strided_slice %add3A_962 {offsets = [0, 128], sizes = [1024, 128], strides = [1, 1]} : vector<1024x384xf32> to vector<1024x128xf32>
    %slice3A_985 = vector.extract_strided_slice %add3A_974 {offsets = [0, 128], sizes = [1024, 128], strides = [1, 1]} : vector<1024x384xf32> to vector<1024x128xf32>
    %add3A_986 = arith.addf %slice3A_984, %slice3A_985 : vector<1024x128xf32>
    %logistic3A_987 = arith.negf %add3A_986 : vector<1024x128xf32>
    %logistic3A_988 = math.exp %logistic3A_987 : vector<1024x128xf32>
    %logistic3A_989 = arith.constant 1.000000e+00 : f32
    %logistic3A_990 = vector.broadcast %logistic3A_989 : f32 to vector<1024x128xf32>
    %logistic3A_991 = arith.addf %logistic3A_990, %logistic3A_988 : vector<1024x128xf32>
    %logistic3A_992 = arith.divf %logistic3A_990, %logistic3A_991 : vector<1024x128xf32>
    %slice3A_993 = vector.extract_strided_slice %add3A_962 {offsets = [0, 256], sizes = [1024, 128], strides = [1, 1]} : vector<1024x384xf32> to vector<1024x128xf32>
    %slice3A_994 = vector.extract_strided_slice %add3A_974 {offsets = [0, 256], sizes = [1024, 128], strides = [1, 1]} : vector<1024x384xf32> to vector<1024x128xf32>
    %mul3A_995 = arith.mulf %logistic3A_983, %slice3A_994 : vector<1024x128xf32>
    %add3A_996 = arith.addf %slice3A_993, %mul3A_995 : vector<1024x128xf32>
    %tanh3A_997 = math.tanh %add3A_996 : vector<1024x128xf32>
    %sub3A_998 = arith.constant 1.000000e+00 : f32
    %sub3A_999 = vector.broadcast %sub3A_998 : f32 to vector<1024x128xf32>
    %sub3A_1000 = arith.subf %sub3A_999, %logistic3A_992 : vector<1024x128xf32>
    %mul3A_1001 = arith.mulf %sub3A_1000, %tanh3A_997 : vector<1024x128xf32>
    %mul3A_1002 = arith.mulf %logistic3A_992, %add3A_944 : vector<1024x128xf32>
    %add3A_1003 = arith.addf %mul3A_1001, %mul3A_1002 : vector<1024x128xf32>
    %swap3A_1004 = arith.constant 16 : index
    %swap3A_1005 = arith.constant 0 : index
    %swap3A_1006 = arith.constant 0 : index
    %swap3A_1007 = vector.load %arg7[%swap3A_1004, %swap3A_1005, %swap3A_1006] : memref<20x1024x128xf32, #tpu.memory_space<vmem>>, vector<1x1024x128xf32>
    %swap3A_1008 = vector.shape_cast %swap3A_1007 : vector<1x1024x128xf32> to vector<1024x128xf32>
    %swap3A_1009 = vector.shape_cast %add3A_1003 : vector<1024x128xf32> to vector<1x1024x128xf32>
    tpu.vector_store %arg7[%swap3A_1004, %swap3A_1005, %swap3A_1006], %swap3A_1009 {strides = array<i32>} : memref<20x1024x128xf32, #tpu.memory_space<vmem>>, vector<1x1024x128xf32>,
    %get3A_1010 = arith.constant 0 : index
    %get3A_1011 = arith.constant 0 : index
    %get3A_1012 = vector.load %arg3[%get3A_1010, %get3A_1011] : memref<384x128xf32, #tpu.memory_space<vmem>>, vector<384x128xf32>
    %dot_general3A_1013 = arith.constant dense<0.000000e+00> : vector<1024x384xf32>
    %dot_general3A_1014 = tpu.matmul %add3A_1003, %get3A_1012, %dot_general3A_1013 {dimension_numbers = #tpu.dot_dimension_numbers<[1], [1], [0], [0], [0, 0, 1, 0], [], []>, transpose_lhs_hint = false} : vector<1024x128xf32>, vector<384x128xf32>, vector<1024x384xf32> -> vector<1024x384xf32>
    %get3A_1015 = arith.constant 0 : index
    %get3A_1016 = arith.constant 0 : index
    %get3A_1017 = vector.load %arg5[%get3A_1015, %get3A_1016] : memref<1x384xf32, #tpu.memory_space<vmem>>, vector<1x384xf32>
    %get3A_1018 = vector.shape_cast %get3A_1017 : vector<1x384xf32> to vector<384xf32>
    %broadcast_in_dim3A_1019 = vector.shape_cast %get3A_1018 : vector<384xf32> to vector<1x384xf32>
    %add3A_1020 = vector.broadcast %broadcast_in_dim3A_1019 : vector<1x384xf32> to vector<1024x384xf32>
    %add3A_1021 = arith.addf %dot_general3A_1014, %add3A_1020 : vector<1024x384xf32>
    %get3A_1022 = arith.constant 0 : index
    %get3A_1023 = arith.constant 0 : index
    %get3A_1024 = vector.load %arg4[%get3A_1022, %get3A_1023] : memref<384x128xf32, #tpu.memory_space<vmem>>, vector<384x128xf32>
    %dot_general3A_1025 = arith.constant dense<0.000000e+00> : vector<1024x384xf32>
    %dot_general3A_1026 = tpu.matmul %add3A_1003, %get3A_1024, %dot_general3A_1025 {dimension_numbers = #tpu.dot_dimension_numbers<[1], [1], [0], [0], [0, 0, 1, 0], [], []>, transpose_lhs_hint = false} : vector<1024x128xf32>, vector<384x128xf32>, vector<1024x384xf32> -> vector<1024x384xf32>
    %get3A_1027 = arith.constant 0 : index
    %get3A_1028 = arith.constant 0 : index
    %get3A_1029 = vector.load %arg6[%get3A_1027, %get3A_1028] : memref<1x384xf32, #tpu.memory_space<vmem>>, vector<1x384xf32>
    %get3A_1030 = vector.shape_cast %get3A_1029 : vector<1x384xf32> to vector<384xf32>
    %broadcast_in_dim3A_1031 = vector.shape_cast %get3A_1030 : vector<384xf32> to vector<1x384xf32>
    %add3A_1032 = vector.broadcast %broadcast_in_dim3A_1031 : vector<1x384xf32> to vector<1024x384xf32>
    %add3A_1033 = arith.addf %dot_general3A_1026, %add3A_1032 : vector<1024x384xf32>
    %slice3A_1034 = vector.extract_strided_slice %add3A_1021 {offsets = [0, 0], sizes = [1024, 128], strides = [1, 1]} : vector<1024x384xf32> to vector<1024x128xf32>
    %slice3A_1035 = vector.extract_strided_slice %add3A_1033 {offsets = [0, 0], sizes = [1024, 128], strides = [1, 1]} : vector<1024x384xf32> to vector<1024x128xf32>
    %add3A_1036 = arith.addf %slice3A_1034, %slice3A_1035 : vector<1024x128xf32>
    %logistic3A_1037 = arith.negf %add3A_1036 : vector<1024x128xf32>
    %logistic3A_1038 = math.exp %logistic3A_1037 : vector<1024x128xf32>
    %logistic3A_1039 = arith.constant 1.000000e+00 : f32
    %logistic3A_1040 = vector.broadcast %logistic3A_1039 : f32 to vector<1024x128xf32>
    %logistic3A_1041 = arith.addf %logistic3A_1040, %logistic3A_1038 : vector<1024x128xf32>
    %logistic3A_1042 = arith.divf %logistic3A_1040, %logistic3A_1041 : vector<1024x128xf32>
    %slice3A_1043 = vector.extract_strided_slice %add3A_1021 {offsets = [0, 128], sizes = [1024, 128], strides = [1, 1]} : vector<1024x384xf32> to vector<1024x128xf32>
    %slice3A_1044 = vector.extract_strided_slice %add3A_1033 {offsets = [0, 128], sizes = [1024, 128], strides = [1, 1]} : vector<1024x384xf32> to vector<1024x128xf32>
    %add3A_1045 = arith.addf %slice3A_1043, %slice3A_1044 : vector<1024x128xf32>
    %logistic3A_1046 = arith.negf %add3A_1045 : vector<1024x128xf32>
    %logistic3A_1047 = math.exp %logistic3A_1046 : vector<1024x128xf32>
    %logistic3A_1048 = arith.constant 1.000000e+00 : f32
    %logistic3A_1049 = vector.broadcast %logistic3A_1048 : f32 to vector<1024x128xf32>
    %logistic3A_1050 = arith.addf %logistic3A_1049, %logistic3A_1047 : vector<1024x128xf32>
    %logistic3A_1051 = arith.divf %logistic3A_1049, %logistic3A_1050 : vector<1024x128xf32>
    %slice3A_1052 = vector.extract_strided_slice %add3A_1021 {offsets = [0, 256], sizes = [1024, 128], strides = [1, 1]} : vector<1024x384xf32> to vector<1024x128xf32>
    %slice3A_1053 = vector.extract_strided_slice %add3A_1033 {offsets = [0, 256], sizes = [1024, 128], strides = [1, 1]} : vector<1024x384xf32> to vector<1024x128xf32>
    %mul3A_1054 = arith.mulf %logistic3A_1042, %slice3A_1053 : vector<1024x128xf32>
    %add3A_1055 = arith.addf %slice3A_1052, %mul3A_1054 : vector<1024x128xf32>
    %tanh3A_1056 = math.tanh %add3A_1055 : vector<1024x128xf32>
    %sub3A_1057 = arith.constant 1.000000e+00 : f32
    %sub3A_1058 = vector.broadcast %sub3A_1057 : f32 to vector<1024x128xf32>
    %sub3A_1059 = arith.subf %sub3A_1058, %logistic3A_1051 : vector<1024x128xf32>
    %mul3A_1060 = arith.mulf %sub3A_1059, %tanh3A_1056 : vector<1024x128xf32>
    %mul3A_1061 = arith.mulf %logistic3A_1051, %add3A_1003 : vector<1024x128xf32>
    %add3A_1062 = arith.addf %mul3A_1060, %mul3A_1061 : vector<1024x128xf32>
    %swap3A_1063 = arith.constant 17 : index
    %swap3A_1064 = arith.constant 0 : index
    %swap3A_1065 = arith.constant 0 : index
    %swap3A_1066 = vector.load %arg7[%swap3A_1063, %swap3A_1064, %swap3A_1065] : memref<20x1024x128xf32, #tpu.memory_space<vmem>>, vector<1x1024x128xf32>
    %swap3A_1067 = vector.shape_cast %swap3A_1066 : vector<1x1024x128xf32> to vector<1024x128xf32>
    %swap3A_1068 = vector.shape_cast %add3A_1062 : vector<1024x128xf32> to vector<1x1024x128xf32>
    tpu.vector_store %arg7[%swap3A_1063, %swap3A_1064, %swap3A_1065], %swap3A_1068 {strides = array<i32>} : memref<20x1024x128xf32, #tpu.memory_space<vmem>>, vector<1x1024x128xf32>,
    %get3A_1069 = arith.constant 0 : index
    %get3A_1070 = arith.constant 0 : index
    %get3A_1071 = vector.load %arg3[%get3A_1069, %get3A_1070] : memref<384x128xf32, #tpu.memory_space<vmem>>, vector<384x128xf32>
    %dot_general3A_1072 = arith.constant dense<0.000000e+00> : vector<1024x384xf32>
    %dot_general3A_1073 = tpu.matmul %add3A_1062, %get3A_1071, %dot_general3A_1072 {dimension_numbers = #tpu.dot_dimension_numbers<[1], [1], [0], [0], [0, 0, 1, 0], [], []>, transpose_lhs_hint = false} : vector<1024x128xf32>, vector<384x128xf32>, vector<1024x384xf32> -> vector<1024x384xf32>
    %get3A_1074 = arith.constant 0 : index
    %get3A_1075 = arith.constant 0 : index
    %get3A_1076 = vector.load %arg5[%get3A_1074, %get3A_1075] : memref<1x384xf32, #tpu.memory_space<vmem>>, vector<1x384xf32>
    %get3A_1077 = vector.shape_cast %get3A_1076 : vector<1x384xf32> to vector<384xf32>
    %broadcast_in_dim3A_1078 = vector.shape_cast %get3A_1077 : vector<384xf32> to vector<1x384xf32>
    %add3A_1079 = vector.broadcast %broadcast_in_dim3A_1078 : vector<1x384xf32> to vector<1024x384xf32>
    %add3A_1080 = arith.addf %dot_general3A_1073, %add3A_1079 : vector<1024x384xf32>
    %get3A_1081 = arith.constant 0 : index
    %get3A_1082 = arith.constant 0 : index
    %get3A_1083 = vector.load %arg4[%get3A_1081, %get3A_1082] : memref<384x128xf32, #tpu.memory_space<vmem>>, vector<384x128xf32>
    %dot_general3A_1084 = arith.constant dense<0.000000e+00> : vector<1024x384xf32>
    %dot_general3A_1085 = tpu.matmul %add3A_1062, %get3A_1083, %dot_general3A_1084 {dimension_numbers = #tpu.dot_dimension_numbers<[1], [1], [0], [0], [0, 0, 1, 0], [], []>, transpose_lhs_hint = false} : vector<1024x128xf32>, vector<384x128xf32>, vector<1024x384xf32> -> vector<1024x384xf32>
    %get3A_1086 = arith.constant 0 : index
    %get3A_1087 = arith.constant 0 : index
    %get3A_1088 = vector.load %arg6[%get3A_1086, %get3A_1087] : memref<1x384xf32, #tpu.memory_space<vmem>>, vector<1x384xf32>
    %get3A_1089 = vector.shape_cast %get3A_1088 : vector<1x384xf32> to vector<384xf32>
    %broadcast_in_dim3A_1090 = vector.shape_cast %get3A_1089 : vector<384xf32> to vector<1x384xf32>
    %add3A_1091 = vector.broadcast %broadcast_in_dim3A_1090 : vector<1x384xf32> to vector<1024x384xf32>
    %add3A_1092 = arith.addf %dot_general3A_1085, %add3A_1091 : vector<1024x384xf32>
    %slice3A_1093 = vector.extract_strided_slice %add3A_1080 {offsets = [0, 0], sizes = [1024, 128], strides = [1, 1]} : vector<1024x384xf32> to vector<1024x128xf32>
    %slice3A_1094 = vector.extract_strided_slice %add3A_1092 {offsets = [0, 0], sizes = [1024, 128], strides = [1, 1]} : vector<1024x384xf32> to vector<1024x128xf32>
    %add3A_1095 = arith.addf %slice3A_1093, %slice3A_1094 : vector<1024x128xf32>
    %logistic3A_1096 = arith.negf %add3A_1095 : vector<1024x128xf32>
    %logistic3A_1097 = math.exp %logistic3A_1096 : vector<1024x128xf32>
    %logistic3A_1098 = arith.constant 1.000000e+00 : f32
    %logistic3A_1099 = vector.broadcast %logistic3A_1098 : f32 to vector<1024x128xf32>
    %logistic3A_1100 = arith.addf %logistic3A_1099, %logistic3A_1097 : vector<1024x128xf32>
    %logistic3A_1101 = arith.divf %logistic3A_1099, %logistic3A_1100 : vector<1024x128xf32>
    %slice3A_1102 = vector.extract_strided_slice %add3A_1080 {offsets = [0, 128], sizes = [1024, 128], strides = [1, 1]} : vector<1024x384xf32> to vector<1024x128xf32>
    %slice3A_1103 = vector.extract_strided_slice %add3A_1092 {offsets = [0, 128], sizes = [1024, 128], strides = [1, 1]} : vector<1024x384xf32> to vector<1024x128xf32>
    %add3A_1104 = arith.addf %slice3A_1102, %slice3A_1103 : vector<1024x128xf32>
    %logistic3A_1105 = arith.negf %add3A_1104 : vector<1024x128xf32>
    %logistic3A_1106 = math.exp %logistic3A_1105 : vector<1024x128xf32>
    %logistic3A_1107 = arith.constant 1.000000e+00 : f32
    %logistic3A_1108 = vector.broadcast %logistic3A_1107 : f32 to vector<1024x128xf32>
    %logistic3A_1109 = arith.addf %logistic3A_1108, %logistic3A_1106 : vector<1024x128xf32>
    %logistic3A_1110 = arith.divf %logistic3A_1108, %logistic3A_1109 : vector<1024x128xf32>
    %slice3A_1111 = vector.extract_strided_slice %add3A_1080 {offsets = [0, 256], sizes = [1024, 128], strides = [1, 1]} : vector<1024x384xf32> to vector<1024x128xf32>
    %slice3A_1112 = vector.extract_strided_slice %add3A_1092 {offsets = [0, 256], sizes = [1024, 128], strides = [1, 1]} : vector<1024x384xf32> to vector<1024x128xf32>
    %mul3A_1113 = arith.mulf %logistic3A_1101, %slice3A_1112 : vector<1024x128xf32>
    %add3A_1114 = arith.addf %slice3A_1111, %mul3A_1113 : vector<1024x128xf32>
    %tanh3A_1115 = math.tanh %add3A_1114 : vector<1024x128xf32>
    %sub3A_1116 = arith.constant 1.000000e+00 : f32
    %sub3A_1117 = vector.broadcast %sub3A_1116 : f32 to vector<1024x128xf32>
    %sub3A_1118 = arith.subf %sub3A_1117, %logistic3A_1110 : vector<1024x128xf32>
    %mul3A_1119 = arith.mulf %sub3A_1118, %tanh3A_1115 : vector<1024x128xf32>
    %mul3A_1120 = arith.mulf %logistic3A_1110, %add3A_1062 : vector<1024x128xf32>
    %add3A_1121 = arith.addf %mul3A_1119, %mul3A_1120 : vector<1024x128xf32>
    %swap3A_1122 = arith.constant 18 : index
    %swap3A_1123 = arith.constant 0 : index
    %swap3A_1124 = arith.constant 0 : index
    %swap3A_1125 = vector.load %arg7[%swap3A_1122, %swap3A_1123, %swap3A_1124] : memref<20x1024x128xf32, #tpu.memory_space<vmem>>, vector<1x1024x128xf32>
    %swap3A_1126 = vector.shape_cast %swap3A_1125 : vector<1x1024x128xf32> to vector<1024x128xf32>
    %swap3A_1127 = vector.shape_cast %add3A_1121 : vector<1024x128xf32> to vector<1x1024x128xf32>
    tpu.vector_store %arg7[%swap3A_1122, %swap3A_1123, %swap3A_1124], %swap3A_1127 {strides = array<i32>} : memref<20x1024x128xf32, #tpu.memory_space<vmem>>, vector<1x1024x128xf32>,
    %get3A_1128 = arith.constant 0 : index
    %get3A_1129 = arith.constant 0 : index
    %get3A_1130 = vector.load %arg3[%get3A_1128, %get3A_1129] : memref<384x128xf32, #tpu.memory_space<vmem>>, vector<384x128xf32>
    %dot_general3A_1131 = arith.constant dense<0.000000e+00> : vector<1024x384xf32>
    %dot_general3A_1132 = tpu.matmul %add3A_1121, %get3A_1130, %dot_general3A_1131 {dimension_numbers = #tpu.dot_dimension_numbers<[1], [1], [0], [0], [0, 0, 1, 0], [], []>, transpose_lhs_hint = false} : vector<1024x128xf32>, vector<384x128xf32>, vector<1024x384xf32> -> vector<1024x384xf32>
    %get3A_1133 = arith.constant 0 : index
    %get3A_1134 = arith.constant 0 : index
    %get3A_1135 = vector.load %arg5[%get3A_1133, %get3A_1134] : memref<1x384xf32, #tpu.memory_space<vmem>>, vector<1x384xf32>
    %get3A_1136 = vector.shape_cast %get3A_1135 : vector<1x384xf32> to vector<384xf32>
    %broadcast_in_dim3A_1137 = vector.shape_cast %get3A_1136 : vector<384xf32> to vector<1x384xf32>
    %add3A_1138 = vector.broadcast %broadcast_in_dim3A_1137 : vector<1x384xf32> to vector<1024x384xf32>
    %add3A_1139 = arith.addf %dot_general3A_1132, %add3A_1138 : vector<1024x384xf32>
    %get3A_1140 = arith.constant 0 : index
    %get3A_1141 = arith.constant 0 : index
    %get3A_1142 = vector.load %arg4[%get3A_1140, %get3A_1141] : memref<384x128xf32, #tpu.memory_space<vmem>>, vector<384x128xf32>
    %dot_general3A_1143 = arith.constant dense<0.000000e+00> : vector<1024x384xf32>
    %dot_general3A_1144 = tpu.matmul %add3A_1121, %get3A_1142, %dot_general3A_1143 {dimension_numbers = #tpu.dot_dimension_numbers<[1], [1], [0], [0], [0, 0, 1, 0], [], []>, transpose_lhs_hint = false} : vector<1024x128xf32>, vector<384x128xf32>, vector<1024x384xf32> -> vector<1024x384xf32>
    %get3A_1145 = arith.constant 0 : index
    %get3A_1146 = arith.constant 0 : index
    %get3A_1147 = vector.load %arg6[%get3A_1145, %get3A_1146] : memref<1x384xf32, #tpu.memory_space<vmem>>, vector<1x384xf32>
    %get3A_1148 = vector.shape_cast %get3A_1147 : vector<1x384xf32> to vector<384xf32>
    %broadcast_in_dim3A_1149 = vector.shape_cast %get3A_1148 : vector<384xf32> to vector<1x384xf32>
    %add3A_1150 = vector.broadcast %broadcast_in_dim3A_1149 : vector<1x384xf32> to vector<1024x384xf32>
    %add3A_1151 = arith.addf %dot_general3A_1144, %add3A_1150 : vector<1024x384xf32>
    %slice3A_1152 = vector.extract_strided_slice %add3A_1139 {offsets = [0, 0], sizes = [1024, 128], strides = [1, 1]} : vector<1024x384xf32> to vector<1024x128xf32>
    %slice3A_1153 = vector.extract_strided_slice %add3A_1151 {offsets = [0, 0], sizes = [1024, 128], strides = [1, 1]} : vector<1024x384xf32> to vector<1024x128xf32>
    %add3A_1154 = arith.addf %slice3A_1152, %slice3A_1153 : vector<1024x128xf32>
    %logistic3A_1155 = arith.negf %add3A_1154 : vector<1024x128xf32>
    %logistic3A_1156 = math.exp %logistic3A_1155 : vector<1024x128xf32>
    %logistic3A_1157 = arith.constant 1.000000e+00 : f32
    %logistic3A_1158 = vector.broadcast %logistic3A_1157 : f32 to vector<1024x128xf32>
    %logistic3A_1159 = arith.addf %logistic3A_1158, %logistic3A_1156 : vector<1024x128xf32>
    %logistic3A_1160 = arith.divf %logistic3A_1158, %logistic3A_1159 : vector<1024x128xf32>
    %slice3A_1161 = vector.extract_strided_slice %add3A_1139 {offsets = [0, 128], sizes = [1024, 128], strides = [1, 1]} : vector<1024x384xf32> to vector<1024x128xf32>
    %slice3A_1162 = vector.extract_strided_slice %add3A_1151 {offsets = [0, 128], sizes = [1024, 128], strides = [1, 1]} : vector<1024x384xf32> to vector<1024x128xf32>
    %add3A_1163 = arith.addf %slice3A_1161, %slice3A_1162 : vector<1024x128xf32>
    %logistic3A_1164 = arith.negf %add3A_1163 : vector<1024x128xf32>
    %logistic3A_1165 = math.exp %logistic3A_1164 : vector<1024x128xf32>
    %logistic3A_1166 = arith.constant 1.000000e+00 : f32
    %logistic3A_1167 = vector.broadcast %logistic3A_1166 : f32 to vector<1024x128xf32>
    %logistic3A_1168 = arith.addf %logistic3A_1167, %logistic3A_1165 : vector<1024x128xf32>
    %logistic3A_1169 = arith.divf %logistic3A_1167, %logistic3A_1168 : vector<1024x128xf32>
    %slice3A_1170 = vector.extract_strided_slice %add3A_1139 {offsets = [0, 256], sizes = [1024, 128], strides = [1, 1]} : vector<1024x384xf32> to vector<1024x128xf32>
    %slice3A_1171 = vector.extract_strided_slice %add3A_1151 {offsets = [0, 256], sizes = [1024, 128], strides = [1, 1]} : vector<1024x384xf32> to vector<1024x128xf32>
    %mul3A_1172 = arith.mulf %logistic3A_1160, %slice3A_1171 : vector<1024x128xf32>
    %add3A_1173 = arith.addf %slice3A_1170, %mul3A_1172 : vector<1024x128xf32>
    %tanh3A_1174 = math.tanh %add3A_1173 : vector<1024x128xf32>
    %sub3A_1175 = arith.constant 1.000000e+00 : f32
    %sub3A_1176 = vector.broadcast %sub3A_1175 : f32 to vector<1024x128xf32>
    %sub3A_1177 = arith.subf %sub3A_1176, %logistic3A_1169 : vector<1024x128xf32>
    %mul3A_1178 = arith.mulf %sub3A_1177, %tanh3A_1174 : vector<1024x128xf32>
    %mul3A_1179 = arith.mulf %logistic3A_1169, %add3A_1121 : vector<1024x128xf32>
    %add3A_1180 = arith.addf %mul3A_1178, %mul3A_1179 : vector<1024x128xf32>
    %swap3A_1181 = arith.constant 19 : index
    %swap3A_1182 = arith.constant 0 : index
    %swap3A_1183 = arith.constant 0 : index
    %swap3A_1184 = vector.load %arg7[%swap3A_1181, %swap3A_1182, %swap3A_1183] : memref<20x1024x128xf32, #tpu.memory_space<vmem>>, vector<1x1024x128xf32>
    %swap3A_1185 = vector.shape_cast %swap3A_1184 : vector<1x1024x128xf32> to vector<1024x128xf32>
    %swap3A_1186 = vector.shape_cast %add3A_1180 : vector<1024x128xf32> to vector<1x1024x128xf32>
    tpu.vector_store %arg7[%swap3A_1181, %swap3A_1182, %swap3A_1183], %swap3A_1186 {strides = array<i32>} : memref<20x1024x128xf32, #tpu.memory_space<vmem>>, vector<1x1024x128xf32>,
    return
  }
}

module attributes {stable_mosaic.version = 14 : i64} {
  func.func @body(%arg0: i32, %arg1: memref<1024x128xf32, #tpu.memory_space<vmem>>, %arg2: memref<2048x128xf32, #tpu.memory_space<vmem>>, %arg3: memref<8x2048xf32, #tpu.memory_space<vmem>>, %arg4: memref<1024x2048xf32, #tpu.memory_space<vmem>>, %arg5: memref<1024x128xf32, #tpu.memory_space<vmem>>, %arg6: memref<1024x128xf32, #tpu.memory_space<vmem>>) attributes {dimension_semantics = [#tpu.dimension_semantics<arbitrary>], iteration_bounds = array<i64: 49>, scalar_prefetch = 0 : i64, scratch_operands = 1 : i64, tpu.core_type = #tpu.core_type<tc>, window_params = [{pipeline_mode = #tpu.pipeline_mode<synchronous>, transform_indices = @transform_0, window_bounds = array<i64: 1024, 128>}, {transform_indices = @transform_1, window_bounds = array<i64: 2048, 128>}, {transform_indices = @transform_2, window_bounds = array<i64: 8, 2048>}, {transform_indices = @transform_3, window_bounds = array<i64: 1024, 2048>}, {pipeline_mode = #tpu.pipeline_mode<synchronous>, transform_indices = @transform_4, window_bounds = array<i64: 1024, 128>}]} {
    %eq3A = arith.constant 0 : i32
    %eq3A_0 = arith.cmpi eq, %arg0, %eq3A : i32
    %convert_element_type3A = arith.extui %eq3A_0 : i1 to i32
    %cond3A = arith.constant 0 : i32
    %cond3A_1 = arith.cmpi ne, %convert_element_type3A, %cond3A : i32
    scf.if %cond3A_1 {
      %broadcast_in_dim3A_36 = arith.constant 0xFF800000 : f32
      %broadcast_in_dim3A_37 = vector.broadcast %broadcast_in_dim3A_36 : f32 to vector<1024x128xf32>
      %swap3A_38 = arith.constant 0 : index
      %swap3A_39 = arith.constant 0 : index
      %swap3A_40 = vector.load %arg6[%swap3A_38, %swap3A_39] : memref<1024x128xf32, #tpu.memory_space<vmem>>, vector<1024x128xf32>
      tpu.vector_store %arg6[%swap3A_38, %swap3A_39], %broadcast_in_dim3A_37 {strides = array<i32>} : memref<1024x128xf32, #tpu.memory_space<vmem>>, vector<1024x128xf32>,
    } else {
    }
    %get3A = arith.constant 0 : index
    %get3A_2 = arith.constant 0 : index
    %get3A_3 = vector.load %arg1[%get3A, %get3A_2] : memref<1024x128xf32, #tpu.memory_space<vmem>>, vector<1024x128xf32>
    %get3A_4 = arith.constant 0 : index
    %get3A_5 = arith.constant 0 : index
    %get3A_6 = vector.load %arg2[%get3A_4, %get3A_5] : memref<2048x128xf32, #tpu.memory_space<vmem>>, vector<2048x128xf32>
    %dot_general3A = arith.constant dense<0.000000e+00> : vector<1024x2048xf32>
    %dot_general3A_7 = tpu.matmul %get3A_3, %get3A_6, %dot_general3A {dimension_numbers = #tpu.dot_dimension_numbers<[1], [1], [0], [0], [0, 0, 1, 0], [], []>, transpose_lhs_hint = false} : vector<1024x128xf32>, vector<2048x128xf32>, vector<1024x2048xf32> -> vector<1024x2048xf32>
    %get3A_8 = arith.constant 0 : index
    %get3A_9 = arith.constant 0 : index
    %get3A_10 = vector.load %arg3[%get3A_8, %get3A_9] : memref<8x2048xf32, #tpu.memory_space<vmem>>, vector<1x2048xf32>
    %get3A_11 = vector.shape_cast %get3A_10 : vector<1x2048xf32> to vector<2048xf32>
    %broadcast_in_dim3A = vector.shape_cast %get3A_11 : vector<2048xf32> to vector<1x2048xf32>
    %add3A = vector.broadcast %broadcast_in_dim3A : vector<1x2048xf32> to vector<1024x2048xf32>
    %add3A_12 = arith.addf %dot_general3A_7, %add3A : vector<1024x2048xf32>
    %swap3A = arith.constant 0 : index
    %swap3A_13 = arith.constant 0 : index
    %swap3A_14 = vector.load %arg4[%swap3A, %swap3A_13] : memref<1024x2048xf32, #tpu.memory_space<vmem>>, vector<1024x2048xf32>
    tpu.vector_store %arg4[%swap3A, %swap3A_13], %add3A_12 {strides = array<i32>} : memref<1024x2048xf32, #tpu.memory_space<vmem>>, vector<1024x2048xf32>,
    %mul3A = arith.constant 2048 : i32
    %mul3A_15 = arith.muli %arg0, %mul3A : i32
    %iota3A = tpu.iota {dimensions = array<i32: 1>} : vector<1024x2048xi32>
    %add3A_16 = vector.broadcast %mul3A_15 : i32 to vector<1024x2048xi32>
    %add3A_17 = arith.addi %add3A_16, %iota3A : vector<1024x2048xi32>
    %lt3A = arith.constant 100000 : i32
    %lt3A_18 = vector.broadcast %lt3A : i32 to vector<1024x2048xi32>
    %lt3A_19 = arith.cmpi slt, %add3A_17, %lt3A_18 : vector<1024x2048xi32>
    %jit3A = arith.constant 0xFF800000 : f32
    %broadcast_in_dim3A_20 = vector.broadcast %jit3A : f32 to vector<1024x2048xf32>
    %select_n3A = arith.select %lt3A_19, %add3A_12, %broadcast_in_dim3A_20 : vector<1024x2048xi1>, vector<1024x2048xf32>
    %reduce_max3A = arith.constant dense<0xFF800000> : vector<1024xf32>
    %reduce_max3A_21 = vector.multi_reduction <maximumf>, %select_n3A, %reduce_max3A [1] : vector<1024x2048xf32> to vector<1024xf32>
    %broadcast_in_dim3A_22 = vector.shape_cast %reduce_max3A_21 : vector<1024xf32> to vector<1024x1xf32>
    %get3A_23 = arith.constant 0 : index
    %get3A_24 = arith.constant 0 : index
    %get3A_25 = vector.load %arg6[%get3A_23, %get3A_24] : memref<1024x128xf32, #tpu.memory_space<vmem>>, vector<1024x1xf32>
    %max3A = arith.maximumf %get3A_25, %broadcast_in_dim3A_22 : vector<1024x1xf32>
    %broadcast_in_dim3A_26 = vector.shape_cast %max3A : vector<1024x1xf32> to vector<1024x1xf32>
    %broadcast_in_dim3A_27 = vector.broadcast %broadcast_in_dim3A_26 : vector<1024x1xf32> to vector<1024x128xf32>
    %swap3A_28 = arith.constant 0 : index
    %swap3A_29 = arith.constant 0 : index
    %swap3A_30 = vector.load %arg6[%swap3A_28, %swap3A_29] : memref<1024x128xf32, #tpu.memory_space<vmem>>, vector<1024x128xf32>
    tpu.vector_store %arg6[%swap3A_28, %swap3A_29], %broadcast_in_dim3A_27 {strides = array<i32>} : memref<1024x128xf32, #tpu.memory_space<vmem>>, vector<1024x128xf32>,
    %eq3A_31 = arith.constant 48 : i32
    %eq3A_32 = arith.cmpi eq, %arg0, %eq3A_31 : i32
    %convert_element_type3A_33 = arith.extui %eq3A_32 : i1 to i32
    %cond3A_34 = arith.constant 0 : i32
    %cond3A_35 = arith.cmpi ne, %convert_element_type3A_33, %cond3A_34 : i32
    scf.if %cond3A_35 {
      %get3A_36 = arith.constant 0 : index
      %get3A_37 = arith.constant 0 : index
      %get3A_38 = vector.load %arg6[%get3A_36, %get3A_37] : memref<1024x128xf32, #tpu.memory_space<vmem>>, vector<1024x128xf32>
      %swap3A_39 = arith.constant 0 : index
      %swap3A_40 = arith.constant 0 : index
      %swap3A_41 = vector.load %arg5[%swap3A_39, %swap3A_40] : memref<1024x128xf32, #tpu.memory_space<vmem>>, vector<1024x128xf32>
      tpu.vector_store %arg5[%swap3A_39, %swap3A_40], %get3A_38 {strides = array<i32>} : memref<1024x128xf32, #tpu.memory_space<vmem>>, vector<1024x128xf32>,
    } else {
    }
    return
  }
  func.func @transform_0(%arg0: i32) -> (i32, i32) {
    %c0_i32 = arith.constant 0 : i32
    %c0_i32_0 = arith.constant 0 : i32
    %c0_i32_1 = arith.constant 0 : i32
    return %c0_i32, %c0_i32_0 : i32, i32
  }
  func.func @transform_1(%arg0: i32) -> (i32, i32) {
    %c0_i32 = arith.constant 0 : i32
    %c0_i32_0 = arith.constant 0 : i32
    return %arg0, %c0_i32 : i32, i32
  }
  func.func @transform_2(%arg0: i32) -> (i32, i32) {
    %c0_i32 = arith.constant 0 : i32
    %c0_i32_0 = arith.constant 0 : i32
    return %c0_i32, %arg0 : i32, i32
  }
  func.func @transform_3(%arg0: i32) -> (i32, i32) {
    %c0_i32 = arith.constant 0 : i32
    %c0_i32_0 = arith.constant 0 : i32
    return %c0_i32, %arg0 : i32, i32
  }
  func.func @transform_4(%arg0: i32) -> (i32, i32) {
    %c0_i32 = arith.constant 0 : i32
    %c0_i32_0 = arith.constant 0 : i32
    %c0_i32_1 = arith.constant 0 : i32
    return %c0_i32, %c0_i32_0 : i32, i32
  }
}

module attributes {stable_mosaic.version = 14 : i64} {
  func.func @body(%arg0: i32, %arg1: memref<1024x2048xf32, #tpu.memory_space<vmem>>, %arg2: memref<1024x128xf32, #tpu.memory_space<vmem>>, %arg3: memref<1024x128xf32, #tpu.memory_space<vmem>>, %arg4: memref<1024x8xf32, #tpu.memory_space<vmem>>, %arg5: memref<1024x8xi32, #tpu.memory_space<vmem>>, %arg6: memref<1024x8xf32, #tpu.memory_space<vmem>>, %arg7: memref<1024x8xi32, #tpu.memory_space<vmem>>) attributes {dimension_semantics = [#tpu.dimension_semantics<arbitrary>], iteration_bounds = array<i64: 49>, scalar_prefetch = 0 : i64, scratch_operands = 2 : i64, tpu.core_type = #tpu.core_type<tc>, window_params = [{transform_indices = @transform_0, window_bounds = array<i64: 1024, 2048>}, {pipeline_mode = #tpu.pipeline_mode<synchronous>, transform_indices = @transform_1, window_bounds = array<i64: 1024, 128>}, {pipeline_mode = #tpu.pipeline_mode<synchronous>, transform_indices = @transform_2, window_bounds = array<i64: 1024, 128>}, {pipeline_mode = #tpu.pipeline_mode<synchronous>, transform_indices = @transform_3, window_bounds = array<i64: 1024, 8>}, {pipeline_mode = #tpu.pipeline_mode<synchronous>, transform_indices = @transform_4, window_bounds = array<i64: 1024, 8>}]} {
    %eq3A = arith.constant 0 : i32
    %eq3A_0 = arith.cmpi eq, %arg0, %eq3A : i32
    %convert_element_type3A = arith.extui %eq3A_0 : i1 to i32
    %cond3A = arith.constant 0 : i32
    %cond3A_1 = arith.cmpi ne, %convert_element_type3A, %cond3A : i32
    scf.if %cond3A_1 {
      %broadcast_in_dim3A_146 = arith.constant 0xFF800000 : f32
      %broadcast_in_dim3A_147 = vector.broadcast %broadcast_in_dim3A_146 : f32 to vector<1024x8xf32>
      %swap3A_148 = arith.constant 0 : index
      %swap3A_149 = arith.constant 0 : index
      %swap3A_150 = vector.load %arg6[%swap3A_148, %swap3A_149] : memref<1024x8xf32, #tpu.memory_space<vmem>>, vector<1024x8xf32>
      tpu.vector_store %arg6[%swap3A_148, %swap3A_149], %broadcast_in_dim3A_147 {strides = array<i32>} : memref<1024x8xf32, #tpu.memory_space<vmem>>, vector<1024x8xf32>,
      %broadcast_in_dim3A_151 = arith.constant 0 : i32
      %broadcast_in_dim3A_152 = vector.broadcast %broadcast_in_dim3A_151 : i32 to vector<1024x8xi32>
      %swap3A_153 = arith.constant 0 : index
      %swap3A_154 = arith.constant 0 : index
      %swap3A_155 = vector.load %arg7[%swap3A_153, %swap3A_154] : memref<1024x8xi32, #tpu.memory_space<vmem>>, vector<1024x8xi32>
      tpu.vector_store %arg7[%swap3A_153, %swap3A_154], %broadcast_in_dim3A_152 {strides = array<i32>} : memref<1024x8xi32, #tpu.memory_space<vmem>>, vector<1024x8xi32>,
    } else {
    }
    %get3A = arith.constant 0 : index
    %get3A_2 = arith.constant 0 : index
    %get3A_3 = vector.load %arg1[%get3A, %get3A_2] : memref<1024x2048xf32, #tpu.memory_space<vmem>>, vector<1024x2048xf32>
    %get3A_4 = arith.constant 0 : index
    %get3A_5 = arith.constant 0 : index
    %get3A_6 = vector.load %arg2[%get3A_4, %get3A_5] : memref<1024x128xf32, #tpu.memory_space<vmem>>, vector<1024x1xf32>
    %sub3A = vector.broadcast %get3A_6 : vector<1024x1xf32> to vector<1024x2048xf32>
    %sub3A_7 = arith.subf %get3A_3, %sub3A : vector<1024x2048xf32>
    %get3A_8 = arith.constant 0 : index
    %get3A_9 = arith.constant 0 : index
    %get3A_10 = vector.load %arg3[%get3A_8, %get3A_9] : memref<1024x128xf32, #tpu.memory_space<vmem>>, vector<1024x1xf32>
    %sub3A_11 = vector.broadcast %get3A_10 : vector<1024x1xf32> to vector<1024x2048xf32>
    %sub3A_12 = arith.subf %sub3A_7, %sub3A_11 : vector<1024x2048xf32>
    %mul3A = arith.constant 2048 : i32
    %mul3A_13 = arith.muli %arg0, %mul3A : i32
    %iota3A = tpu.iota {dimensions = array<i32: 1>} : vector<1024x2048xi32>
    %add3A = vector.broadcast %mul3A_13 : i32 to vector<1024x2048xi32>
    %add3A_14 = arith.addi %add3A, %iota3A : vector<1024x2048xi32>
    %lt3A = arith.constant 100000 : i32
    %lt3A_15 = vector.broadcast %lt3A : i32 to vector<1024x2048xi32>
    %lt3A_16 = arith.cmpi slt, %add3A_14, %lt3A_15 : vector<1024x2048xi32>
    %jit3A = arith.constant 0xFF800000 : f32
    %broadcast_in_dim3A = vector.broadcast %jit3A : f32 to vector<1024x2048xf32>
    %select_n3A = arith.select %lt3A_16, %sub3A_12, %broadcast_in_dim3A : vector<1024x2048xi1>, vector<1024x2048xf32>
    %get3A_17 = arith.constant 0 : index
    %get3A_18 = arith.constant 0 : index
    %get3A_19 = vector.load %arg6[%get3A_17, %get3A_18] : memref<1024x8xf32, #tpu.memory_space<vmem>>, vector<1024x8xf32>
    %concatenate3A = tpu.concatenate %get3A_19, %select_n3A in 1 : vector<1024x8xf32>, vector<1024x2048xf32> -> vector<1024x2056xf32>
    %get3A_20 = arith.constant 0 : index
    %get3A_21 = arith.constant 0 : index
    %get3A_22 = vector.load %arg7[%get3A_20, %get3A_21] : memref<1024x8xi32, #tpu.memory_space<vmem>>, vector<1024x8xi32>
    %concatenate3A_23 = tpu.concatenate %get3A_22, %add3A_14 in 1 : vector<1024x8xi32>, vector<1024x2048xi32> -> vector<1024x2056xi32>
    %iota3A_24 = tpu.iota {dimensions = array<i32: 1>} : vector<1024x2056xi32>
    %reduce_max3A = arith.constant dense<0xFF800000> : vector<1024xf32>
    %reduce_max3A_25 = vector.multi_reduction <maximumf>, %concatenate3A, %reduce_max3A [1] : vector<1024x2056xf32> to vector<1024xf32>
    %broadcast_in_dim3A_26 = vector.shape_cast %reduce_max3A_25 : vector<1024xf32> to vector<1024x1xf32>
    %eq3A_27 = vector.broadcast %broadcast_in_dim3A_26 : vector<1024x1xf32> to vector<1024x2056xf32>
    %eq3A_28 = arith.cmpf oeq, %concatenate3A, %eq3A_27 : vector<1024x2056xf32>
    %jit3A_29 = arith.constant 1073741824 : i32
    %broadcast_in_dim3A_30 = vector.broadcast %jit3A_29 : i32 to vector<1024x2056xi32>
    %select_n3A_31 = arith.select %eq3A_28, %iota3A_24, %broadcast_in_dim3A_30 : vector<1024x2056xi1>, vector<1024x2056xi32>
    %reduce_min3A = arith.constant dense<2147483647> : vector<1024xi32>
    %reduce_min3A_32 = vector.multi_reduction <minsi>, %select_n3A_31, %reduce_min3A [1] : vector<1024x2056xi32> to vector<1024xi32>
    %broadcast_in_dim3A_33 = vector.shape_cast %reduce_min3A_32 : vector<1024xi32> to vector<1024x1xi32>
    %eq3A_34 = vector.broadcast %broadcast_in_dim3A_33 : vector<1024x1xi32> to vector<1024x2056xi32>
    %eq3A_35 = arith.cmpi eq, %iota3A_24, %eq3A_34 : vector<1024x2056xi32>
    %jit3A_36 = arith.constant -1 : i32
    %broadcast_in_dim3A_37 = vector.broadcast %jit3A_36 : i32 to vector<1024x2056xi32>
    %select_n3A_38 = arith.select %eq3A_35, %concatenate3A_23, %broadcast_in_dim3A_37 : vector<1024x2056xi1>, vector<1024x2056xi32>
    %reduce_max3A_39 = arith.constant dense<-2147483648> : vector<1024xi32>
    %reduce_max3A_40 = vector.multi_reduction <maxsi>, %select_n3A_38, %reduce_max3A_39 [1] : vector<1024x2056xi32> to vector<1024xi32>
    %broadcast_in_dim3A_41 = vector.shape_cast %reduce_max3A_40 : vector<1024xi32> to vector<1024x1xi32>
    %jit3A_42 = arith.constant 0xFF800000 : f32
    %broadcast_in_dim3A_43 = vector.broadcast %jit3A_42 : f32 to vector<1024x2056xf32>
    %select_n3A_44 = arith.select %eq3A_35, %broadcast_in_dim3A_43, %concatenate3A : vector<1024x2056xi1>, vector<1024x2056xf32>
    %reduce_max3A_45 = arith.constant dense<0xFF800000> : vector<1024xf32>
    %reduce_max3A_46 = vector.multi_reduction <maximumf>, %select_n3A_44, %reduce_max3A_45 [1] : vector<1024x2056xf32> to vector<1024xf32>
    %broadcast_in_dim3A_47 = vector.shape_cast %reduce_max3A_46 : vector<1024xf32> to vector<1024x1xf32>
    %eq3A_48 = vector.broadcast %broadcast_in_dim3A_47 : vector<1024x1xf32> to vector<1024x2056xf32>
    %eq3A_49 = arith.cmpf oeq, %select_n3A_44, %eq3A_48 : vector<1024x2056xf32>
    %jit3A_50 = arith.constant 1073741824 : i32
    %broadcast_in_dim3A_51 = vector.broadcast %jit3A_50 : i32 to vector<1024x2056xi32>
    %select_n3A_52 = arith.select %eq3A_49, %iota3A_24, %broadcast_in_dim3A_51 : vector<1024x2056xi1>, vector<1024x2056xi32>
    %reduce_min3A_53 = arith.constant dense<2147483647> : vector<1024xi32>
    %reduce_min3A_54 = vector.multi_reduction <minsi>, %select_n3A_52, %reduce_min3A_53 [1] : vector<1024x2056xi32> to vector<1024xi32>
    %broadcast_in_dim3A_55 = vector.shape_cast %reduce_min3A_54 : vector<1024xi32> to vector<1024x1xi32>
    %eq3A_56 = vector.broadcast %broadcast_in_dim3A_55 : vector<1024x1xi32> to vector<1024x2056xi32>
    %eq3A_57 = arith.cmpi eq, %iota3A_24, %eq3A_56 : vector<1024x2056xi32>
    %jit3A_58 = arith.constant -1 : i32
    %broadcast_in_dim3A_59 = vector.broadcast %jit3A_58 : i32 to vector<1024x2056xi32>
    %select_n3A_60 = arith.select %eq3A_57, %concatenate3A_23, %broadcast_in_dim3A_59 : vector<1024x2056xi1>, vector<1024x2056xi32>
    %reduce_max3A_61 = arith.constant dense<-2147483648> : vector<1024xi32>
    %reduce_max3A_62 = vector.multi_reduction <maxsi>, %select_n3A_60, %reduce_max3A_61 [1] : vector<1024x2056xi32> to vector<1024xi32>
    %broadcast_in_dim3A_63 = vector.shape_cast %reduce_max3A_62 : vector<1024xi32> to vector<1024x1xi32>
    %jit3A_64 = arith.constant 0xFF800000 : f32
    %broadcast_in_dim3A_65 = vector.broadcast %jit3A_64 : f32 to vector<1024x2056xf32>
    %select_n3A_66 = arith.select %eq3A_57, %broadcast_in_dim3A_65, %select_n3A_44 : vector<1024x2056xi1>, vector<1024x2056xf32>
    %reduce_max3A_67 = arith.constant dense<0xFF800000> : vector<1024xf32>
    %reduce_max3A_68 = vector.multi_reduction <maximumf>, %select_n3A_66, %reduce_max3A_67 [1] : vector<1024x2056xf32> to vector<1024xf32>
    %broadcast_in_dim3A_69 = vector.shape_cast %reduce_max3A_68 : vector<1024xf32> to vector<1024x1xf32>
    %eq3A_70 = vector.broadcast %broadcast_in_dim3A_69 : vector<1024x1xf32> to vector<1024x2056xf32>
    %eq3A_71 = arith.cmpf oeq, %select_n3A_66, %eq3A_70 : vector<1024x2056xf32>
    %jit3A_72 = arith.constant 1073741824 : i32
    %broadcast_in_dim3A_73 = vector.broadcast %jit3A_72 : i32 to vector<1024x2056xi32>
    %select_n3A_74 = arith.select %eq3A_71, %iota3A_24, %broadcast_in_dim3A_73 : vector<1024x2056xi1>, vector<1024x2056xi32>
    %reduce_min3A_75 = arith.constant dense<2147483647> : vector<1024xi32>
    %reduce_min3A_76 = vector.multi_reduction <minsi>, %select_n3A_74, %reduce_min3A_75 [1] : vector<1024x2056xi32> to vector<1024xi32>
    %broadcast_in_dim3A_77 = vector.shape_cast %reduce_min3A_76 : vector<1024xi32> to vector<1024x1xi32>
    %eq3A_78 = vector.broadcast %broadcast_in_dim3A_77 : vector<1024x1xi32> to vector<1024x2056xi32>
    %eq3A_79 = arith.cmpi eq, %iota3A_24, %eq3A_78 : vector<1024x2056xi32>
    %jit3A_80 = arith.constant -1 : i32
    %broadcast_in_dim3A_81 = vector.broadcast %jit3A_80 : i32 to vector<1024x2056xi32>
    %select_n3A_82 = arith.select %eq3A_79, %concatenate3A_23, %broadcast_in_dim3A_81 : vector<1024x2056xi1>, vector<1024x2056xi32>
    %reduce_max3A_83 = arith.constant dense<-2147483648> : vector<1024xi32>
    %reduce_max3A_84 = vector.multi_reduction <maxsi>, %select_n3A_82, %reduce_max3A_83 [1] : vector<1024x2056xi32> to vector<1024xi32>
    %broadcast_in_dim3A_85 = vector.shape_cast %reduce_max3A_84 : vector<1024xi32> to vector<1024x1xi32>
    %jit3A_86 = arith.constant 0xFF800000 : f32
    %broadcast_in_dim3A_87 = vector.broadcast %jit3A_86 : f32 to vector<1024x2056xf32>
    %select_n3A_88 = arith.select %eq3A_79, %broadcast_in_dim3A_87, %select_n3A_66 : vector<1024x2056xi1>, vector<1024x2056xf32>
    %reduce_max3A_89 = arith.constant dense<0xFF800000> : vector<1024xf32>
    %reduce_max3A_90 = vector.multi_reduction <maximumf>, %select_n3A_88, %reduce_max3A_89 [1] : vector<1024x2056xf32> to vector<1024xf32>
    %broadcast_in_dim3A_91 = vector.shape_cast %reduce_max3A_90 : vector<1024xf32> to vector<1024x1xf32>
    %eq3A_92 = vector.broadcast %broadcast_in_dim3A_91 : vector<1024x1xf32> to vector<1024x2056xf32>
    %eq3A_93 = arith.cmpf oeq, %select_n3A_88, %eq3A_92 : vector<1024x2056xf32>
    %jit3A_94 = arith.constant 1073741824 : i32
    %broadcast_in_dim3A_95 = vector.broadcast %jit3A_94 : i32 to vector<1024x2056xi32>
    %select_n3A_96 = arith.select %eq3A_93, %iota3A_24, %broadcast_in_dim3A_95 : vector<1024x2056xi1>, vector<1024x2056xi32>
    %reduce_min3A_97 = arith.constant dense<2147483647> : vector<1024xi32>
    %reduce_min3A_98 = vector.multi_reduction <minsi>, %select_n3A_96, %reduce_min3A_97 [1] : vector<1024x2056xi32> to vector<1024xi32>
    %broadcast_in_dim3A_99 = vector.shape_cast %reduce_min3A_98 : vector<1024xi32> to vector<1024x1xi32>
    %eq3A_100 = vector.broadcast %broadcast_in_dim3A_99 : vector<1024x1xi32> to vector<1024x2056xi32>
    %eq3A_101 = arith.cmpi eq, %iota3A_24, %eq3A_100 : vector<1024x2056xi32>
    %jit3A_102 = arith.constant -1 : i32
    %broadcast_in_dim3A_103 = vector.broadcast %jit3A_102 : i32 to vector<1024x2056xi32>
    %select_n3A_104 = arith.select %eq3A_101, %concatenate3A_23, %broadcast_in_dim3A_103 : vector<1024x2056xi1>, vector<1024x2056xi32>
    %reduce_max3A_105 = arith.constant dense<-2147483648> : vector<1024xi32>
    %reduce_max3A_106 = vector.multi_reduction <maxsi>, %select_n3A_104, %reduce_max3A_105 [1] : vector<1024x2056xi32> to vector<1024xi32>
    %broadcast_in_dim3A_107 = vector.shape_cast %reduce_max3A_106 : vector<1024xi32> to vector<1024x1xi32>
    %jit3A_108 = arith.constant 0xFF800000 : f32
    %broadcast_in_dim3A_109 = vector.broadcast %jit3A_108 : f32 to vector<1024x2056xf32>
    %select_n3A_110 = arith.select %eq3A_101, %broadcast_in_dim3A_109, %select_n3A_88 : vector<1024x2056xi1>, vector<1024x2056xf32>
    %reduce_max3A_111 = arith.constant dense<0xFF800000> : vector<1024xf32>
    %reduce_max3A_112 = vector.multi_reduction <maximumf>, %select_n3A_110, %reduce_max3A_111 [1] : vector<1024x2056xf32> to vector<1024xf32>
    %broadcast_in_dim3A_113 = vector.shape_cast %reduce_max3A_112 : vector<1024xf32> to vector<1024x1xf32>
    %eq3A_114 = vector.broadcast %broadcast_in_dim3A_113 : vector<1024x1xf32> to vector<1024x2056xf32>
    %eq3A_115 = arith.cmpf oeq, %select_n3A_110, %eq3A_114 : vector<1024x2056xf32>
    %jit3A_116 = arith.constant 1073741824 : i32
    %broadcast_in_dim3A_117 = vector.broadcast %jit3A_116 : i32 to vector<1024x2056xi32>
    %select_n3A_118 = arith.select %eq3A_115, %iota3A_24, %broadcast_in_dim3A_117 : vector<1024x2056xi1>, vector<1024x2056xi32>
    %reduce_min3A_119 = arith.constant dense<2147483647> : vector<1024xi32>
    %reduce_min3A_120 = vector.multi_reduction <minsi>, %select_n3A_118, %reduce_min3A_119 [1] : vector<1024x2056xi32> to vector<1024xi32>
    %broadcast_in_dim3A_121 = vector.shape_cast %reduce_min3A_120 : vector<1024xi32> to vector<1024x1xi32>
    %eq3A_122 = vector.broadcast %broadcast_in_dim3A_121 : vector<1024x1xi32> to vector<1024x2056xi32>
    %eq3A_123 = arith.cmpi eq, %iota3A_24, %eq3A_122 : vector<1024x2056xi32>
    %jit3A_124 = arith.constant -1 : i32
    %broadcast_in_dim3A_125 = vector.broadcast %jit3A_124 : i32 to vector<1024x2056xi32>
    %select_n3A_126 = arith.select %eq3A_123, %concatenate3A_23, %broadcast_in_dim3A_125 : vector<1024x2056xi1>, vector<1024x2056xi32>
    %reduce_max3A_127 = arith.constant dense<-2147483648> : vector<1024xi32>
    %reduce_max3A_128 = vector.multi_reduction <maxsi>, %select_n3A_126, %reduce_max3A_127 [1] : vector<1024x2056xi32> to vector<1024xi32>
    %broadcast_in_dim3A_129 = vector.shape_cast %reduce_max3A_128 : vector<1024xi32> to vector<1024x1xi32>
    %broadcast_in_dim3A_130 = arith.constant 0xFF800000 : f32
    %broadcast_in_dim3A_131 = vector.broadcast %broadcast_in_dim3A_130 : f32 to vector<1024x3xf32>
    %broadcast_in_dim3A_132 = arith.constant 0 : i32
    %broadcast_in_dim3A_133 = vector.broadcast %broadcast_in_dim3A_132 : i32 to vector<1024x3xi32>
    %concatenate3A_134 = tpu.concatenate %broadcast_in_dim3A_26, %broadcast_in_dim3A_47, %broadcast_in_dim3A_69, %broadcast_in_dim3A_91, %broadcast_in_dim3A_113, %broadcast_in_dim3A_131 in 1 : vector<1024x1xf32>, vector<1024x1xf32>, vector<1024x1xf32>, vector<1024x1xf32>, vector<1024x1xf32>, vector<1024x3xf32> -> vector<1024x8xf32>
    %concatenate3A_135 = tpu.concatenate %broadcast_in_dim3A_41, %broadcast_in_dim3A_63, %broadcast_in_dim3A_85, %broadcast_in_dim3A_107, %broadcast_in_dim3A_129, %broadcast_in_dim3A_133 in 1 : vector<1024x1xi32>, vector<1024x1xi32>, vector<1024x1xi32>, vector<1024x1xi32>, vector<1024x1xi32>, vector<1024x3xi32> -> vector<1024x8xi32>
    %swap3A = arith.constant 0 : index
    %swap3A_136 = arith.constant 0 : index
    %swap3A_137 = vector.load %arg6[%swap3A, %swap3A_136] : memref<1024x8xf32, #tpu.memory_space<vmem>>, vector<1024x8xf32>
    tpu.vector_store %arg6[%swap3A, %swap3A_136], %concatenate3A_134 {strides = array<i32>} : memref<1024x8xf32, #tpu.memory_space<vmem>>, vector<1024x8xf32>,
    %swap3A_138 = arith.constant 0 : index
    %swap3A_139 = arith.constant 0 : index
    %swap3A_140 = vector.load %arg7[%swap3A_138, %swap3A_139] : memref<1024x8xi32, #tpu.memory_space<vmem>>, vector<1024x8xi32>
    tpu.vector_store %arg7[%swap3A_138, %swap3A_139], %concatenate3A_135 {strides = array<i32>} : memref<1024x8xi32, #tpu.memory_space<vmem>>, vector<1024x8xi32>,
    %eq3A_141 = arith.constant 48 : i32
    %eq3A_142 = arith.cmpi eq, %arg0, %eq3A_141 : i32
    %convert_element_type3A_143 = arith.extui %eq3A_142 : i1 to i32
    %cond3A_144 = arith.constant 0 : i32
    %cond3A_145 = arith.cmpi ne, %convert_element_type3A_143, %cond3A_144 : i32
    scf.if %cond3A_145 {
      %swap3A_146 = arith.constant 0 : index
      %swap3A_147 = arith.constant 0 : index
      %swap3A_148 = vector.load %arg4[%swap3A_146, %swap3A_147] : memref<1024x8xf32, #tpu.memory_space<vmem>>, vector<1024x8xf32>
      tpu.vector_store %arg4[%swap3A_146, %swap3A_147], %concatenate3A_134 {strides = array<i32>} : memref<1024x8xf32, #tpu.memory_space<vmem>>, vector<1024x8xf32>,
      %swap3A_149 = arith.constant 0 : index
      %swap3A_150 = arith.constant 0 : index
      %swap3A_151 = vector.load %arg5[%swap3A_149, %swap3A_150] : memref<1024x8xi32, #tpu.memory_space<vmem>>, vector<1024x8xi32>
      tpu.vector_store %arg5[%swap3A_149, %swap3A_150], %concatenate3A_135 {strides = array<i32>} : memref<1024x8xi32, #tpu.memory_space<vmem>>, vector<1024x8xi32>,
    } else {
    }
    return
  }
  func.func @transform_0(%arg0: i32) -> (i32, i32) {
    %c0_i32 = arith.constant 0 : i32
    %c0_i32_0 = arith.constant 0 : i32
    return %c0_i32, %arg0 : i32, i32
  }
  func.func @transform_1(%arg0: i32) -> (i32, i32) {
    %c0_i32 = arith.constant 0 : i32
    %c0_i32_0 = arith.constant 0 : i32
    %c0_i32_1 = arith.constant 0 : i32
    return %c0_i32, %c0_i32_0 : i32, i32
  }
  func.func @transform_2(%arg0: i32) -> (i32, i32) {
    %c0_i32 = arith.constant 0 : i32
    %c0_i32_0 = arith.constant 0 : i32
    %c0_i32_1 = arith.constant 0 : i32
    return %c0_i32, %c0_i32_0 : i32, i32
  }
  func.func @transform_3(%arg0: i32) -> (i32, i32) {
    %c0_i32 = arith.constant 0 : i32
    %c0_i32_0 = arith.constant 0 : i32
    %c0_i32_1 = arith.constant 0 : i32
    return %c0_i32, %c0_i32_0 : i32, i32
  }
  func.func @transform_4(%arg0: i32) -> (i32, i32) {
    %c0_i32 = arith.constant 0 : i32
    %c0_i32_0 = arith.constant 0 : i32
    %c0_i32_1 = arith.constant 0 : i32
    return %c0_i32, %c0_i32_0 : i32, i32
  }
}

</mosaic_0001>

<sc_bundles>
// kernel: gather_offload_async_start
scs
__scs_entry_jumppad:
0x0: {  	(pc) =	sbr.rel $0x88, $3  }
0x1: {  	(tag) =	ssettag $0x0;
	lr =	simm.s32 $0x1  }
0x2: {  	[smem:$0x3F91] =	sst lr;
	_ =	strace $0xD0000000  }
0x3: {  	_ = 	snop  }
0x4: {  	_ = 	snop  }
0x5: {  	_ = 	snop  }
0x6: {  	_ = 	snop  }
0x7: {  	_ = 	snop  }
__scs_overlays_trampoline_lowered:
0x8: {  	[smem:$0x3FA0] =	sst s0  }
0x9: {  	[smem:$0x3FA1] =	sst s1  }
0xa: {  	[smem:$0x3FA2] =	sst s2  }
0xb: {  	[smem:$0x3FA3] =	sst s3  }
0xc: {  	[smem:$0x3FA4] =	sst s4  }
0xd: {  	[smem:$0x3FA5] =	sst s5  }
0xe: {  	[smem:$0x3FA6] =	sst s6  }
0xf: {  	[smem:$0x3FA7] =	sst s7  }
0x10: {  	[smem:$0x3FA8] =	sst s8  }
0x11: {  	[smem:$0x3FA9] =	sst s9;
	s0 =	simm.s32 @!p0 $0x0  }
0x12: {  	s1 =	sld [smem:$0x3F8F];
	s0 =	simm.s32 @p0 $0x1  }
0x13: {  	[smem:$0x3FAA] =	sst s0;
	s0 =	simm.s32 @!p1 $0x0  }
0x14: {  	s2 =	sld [smem:$0x3F8E];
	s0 =	simm.s32 @p1 $0x1  }
0x15: {  	[smem:$0x3FAB] =	sst s0;
	s0 =	simm.s32 @!p2 $0x0  }
0x16: {  	s3 =	sld [smem:$0x3FDB];
	s0 =	simm.s32 @p2 $0x1  }
0x17: {  	s4 =	simm.s32 $0x1BF5;
	[smem:$0x3FAD] =	sst s0  }
0x18: {  	s0 =	sld [smem:$0x3F90];
	_ =	swait.ge [sflag:s4], $0x0  }
0x19: {  	s7 =	sld [smem:$0x3F91]  }
0x1a: {  	s8 =	sadd.s32 $0xFFFFE003, lr  }
0x1b: {  	s9 =	sadd.s32 $0xFFFFFEF7, lr;
	s5 =	simm.s32 $0xFFFFFFFF;
	p2 =	slt.u32 s8, $0xFFFFF086  }
0x1c: {  	p1 =	slt.u32 s9, $0xF7A;
	s5 =	simm.s32 @!p2 $0x0  }
0x1d: {  	s5 =	simm.s32 @p1 $0x1;
	p0 =	seq.s32 s7, s2  }
0x1e: {  	s7 =	smul.u32 @!p0 $0xF7A, s2;
	p2 =	seq.s32 @!p0 s5, $0x0  }
0x1f: {  	s9 =	smul.u32 $0xF7A, s1;
	s8 =	simm.s32 @!p0 $0x1BF5;
	p2 =	por !p2, p0  }
0x20: {  	[sflag:s8] =	ssyncset.s32 @!p0 $0xFFFFF086;
	s6 =	sadd.s32 @!p0 s3, s7;
	s7 =	simm.s32 @!p0 $0x108  }
0x21: {  	s3 =	sadd.s32 s3, s9;
	s6 =	sadd.s32 @!p0 $0x88, s6;
	s7 =	simm.s32 @p2 $0x1082  }
0x22: {  	[simem:s7], [sflag:s8] =	dma.local @!p0 [hbm:s6], $0xF7A  }
0x23: {  	s9 =	sor.u32 $0xD0000000, s2;
	s6 =	simm.s32 $0x108;
	_ =	swait.ge @!p0 [sflag:s8], $0x0  }
0x24: {  	s3 =	sadd.s32 $0x88, s3;
	s6 =	simm.s32 @!p1 $0x1082;
	[sflag:s4] =	ssyncset.s32 $0xFFFFF086  }
0x25: {  	[simem:s6], [sflag:s4] =	dma.local [hbm:s3], $0xF7A  }
0x26: {  	[smem:$0x3F91] =	sst s1;
	(tag) =	ssettag s2;
	_ =	strace s9  }
0x27: {  	s1 =	sld [smem:$0x3FA1]  }
0x28: {  	s2 =	sld [smem:$0x3FA2]  }
0x29: {  	s4 =	sld [smem:$0x3FA4]  }
0x2a: {  	p0 =	seq.s32 s5, $0x0;
	s5 =	sld [smem:$0x3FA5]  }
0x2b: {  	s6 =	sld [smem:$0x3FA6]  }
0x2c: {  	s7 =	sld [smem:$0x3FA7]  }
0x2d: {  	s3 =	simm.s32 $0x108;
	s8 =	sld [smem:$0x3FA8]  }
0x2e: {  	s3 =	simm.s32 @!p0 $0x1082;
	s9 =	sld [smem:$0x3FA9]  }
0x2f: {  	lr =	sadd.s32 s0, s3;
	s0 =	sld [smem:$0x3FA0]  }
0x30: {  	s3 =	sld [smem:$0x3FA3]  }
0x31: {  	[smem:$0x3FAC] =	sst s10  }
0x32: {  	s10 =	sld [smem:$0x3FAA];
	_ =	sdelay $0x3  }
0x33: {  	p0 =	seq.s32 s10, $0x1;
	s10 =	sld [smem:$0x3FAC];
	_ =	sdelay $0x3  }
0x34: {  	[smem:$0x3FAC] =	sst s10  }
0x35: {  	s10 =	sld [smem:$0x3FAB];
	_ =	sdelay $0x3  }
0x36: {  	p1 =	seq.s32 s10, $0x1;
	s10 =	sld [smem:$0x3FAC];
	_ =	sdelay $0x3  }
0x37: {  	[smem:$0x3FAC] =	sst s10  }
0x38: {  	s10 =	sld [smem:$0x3FAD]  }
0x39: {  	_ = 	snop;
	(pc) =	sbr.ind lr, $3  }
0x3a: {  	_ = 	snop  }
0x3b: {  	_ = 	snop  }
0x3c: {  	p2 =	seq.s32 s10, $0x1;
	s10 =	sld [smem:$0x3FAC]  }
0x3d: {  	_ =	shalt  }
0x3e: {  	_ =	shalt  }
0x3f: {  	_ =	shalt  }
0x40: {  	_ =	shalt  }
0x41: {  	_ =	shalt  }
0x42: {  	_ =	shalt  }
0x43: {  	_ =	shalt  }
0x44: {  	_ =	shalt  }
0x45: {  	_ =	shalt  }
0x46: {  	_ =	shalt  }
0x47: {  	_ =	shalt  }
0x48: {  	_ =	shalt  }
0x49: {  	_ =	shalt  }
0x4a: {  	_ =	shalt  }
0x4b: {  	_ =	shalt  }
0x4c: {  	_ =	shalt  }
0x4d: {  	_ =	shalt  }
0x4e: {  	_ =	shalt  }
0x4f: {  	_ =	shalt  }
0x50: {  	_ =	shalt  }
0x51: {  	_ =	shalt  }
0x52: {  	_ =	shalt  }
0x53: {  	_ =	shalt  }
0x54: {  	_ =	shalt  }
0x55: {  	_ =	shalt  }
0x56: {  	_ =	shalt  }
0x57: {  	_ =	shalt  }
0x58: {  	_ =	shalt  }
0x59: {  	_ =	shalt  }
0x5a: {  	_ =	shalt  }
0x5b: {  	_ =	shalt  }
0x5c: {  	_ =	shalt  }
0x5d: {  	_ =	shalt  }
0x5e: {  	_ =	shalt  }
0x5f: {  	_ =	shalt  }
0x60: {  	_ =	shalt  }
0x61: {  	_ =	shalt  }
0x62: {  	_ =	shalt  }
0x63: {  	_ =	shalt  }
0x64: {  	_ =	shalt  }
0x65: {  	_ =	shalt  }
0x66: {  	_ =	shalt  }
0x67: {  	_ =	shalt  }
0x68: {  	_ =	shalt  }
0x69: {  	_ =	shalt  }
0x6a: {  	_ =	shalt  }
0x6b: {  	_ =	shalt  }
0x6c: {  	_ =	shalt  }
0x6d: {  	_ =	shalt  }
0x6e: {  	_ =	shalt  }
0x6f: {  	_ =	shalt  }
0x70: {  	_ =	shalt  }
0x71: {  	_ =	shalt  }
0x72: {  	_ =	shalt  }
0x73: {  	_ =	shalt  }
0x74: {  	_ =	shalt  }
0x75: {  	_ =	shalt  }
0x76: {  	_ =	shalt  }
0x77: {  	_ =	shalt  }
0x78: {  	_ =	shalt  }
0x79: {  	_ =	shalt  }
0x7a: {  	_ =	shalt  }
0x7b: {  	_ =	shalt  }
0x7c: {  	_ =	shalt  }
0x7d: {  	_ =	shalt  }
0x7e: {  	_ =	shalt  }
0x7f: {  	_ =	shalt  }
0x80: {  	_ =	shalt  }
0x81: {  	_ =	shalt  }
0x82: {  	_ =	shalt  }
0x83: {  	_ =	shalt  }
0x84: {  	_ =	shalt  }
0x85: {  	_ =	shalt  }
0x86: {  	_ =	shalt  }
0x87: {  	_ =	shalt  }
.Lfunc_end0:
.L_simem_size_0:
called_computation_lowered:
.L_overlay_start_0:
0x88: {  	s2 =	sld [smem:$0x3FD9]  }
0x89: {  	s3 =	sld [smem:$0x3FFE];
	_ =	sdelay $0x1  }
0x8a: {  	s1 =	srdreg.scid  }
0x8b: {  	s0 =	sand.u32 $0x1, s1  }
0x8c: {  	s14 =	sshll.u32 s0, $0xA;
	s2 =	sadd.s32 s3, s2  }
0x8d: {  	s2 =	sadd.s32 s2, s14  }
0x8e: {  	[smem:$0x3FB8] =	sst s2  }
0x8f: {  	_ = 	snop  }
0x90: {  	s2 =	sld [smem:$0x3FD0];
	_ =	sdelay $0x2  }
0x91: {  	s15 =	simm.s32 $0xA;
	s4 =	simm.s32 $0x10  }
0x92: {  	[smem:s4], [sflag:s15] =	dma.local [hbm:s2], $0x1  }
0x93: {  	_ =	swait.eq [sflag:s15], $0x1  }
0x94: {  	[sflag:s15] =	ssyncset.done $0x0  }
0x95: {  	[sflag:s15] =	ssyncadd.s32 $0xFFFFFFFF  }
0x96: {  	s16 =	sld [smem:$0x11];
	(tm) =	ssettm $0x1  }
0x97: {  	s17 =	sld [smem:$0x3FFB];
	_ =	sdelay $0x3  }
0x98: {  	_ =	strace s17  }
0x99: {  	s3 =	sld [smem:$0x3FFC];
	_ =	sdelay $0x3  }
0x9a: {  	_ =	strace s3  }
0x9b: {  	s3 =	sld [smem:$0x3FFD];
	_ =	sdelay $0x3  }
0x9c: {  	_ =	strace s3  }
0x9d: {  	_ =	strace $0x8FFFFFFF  }
0x9e: {  	s18 =	sld [smem:$0x3FDB];
	_ =	sdelay $0x1  }
0x9f: {  	s19 =	simm.s32 $_scs_section_size  }
0xa0: {  	s5 =	simm.s32 $_size__tile_overlayer_lowered;
	s6 =	simm.s32 $_tile_overlayer_lowered  }
0xa1: {  	s22 =	simm.s32 $0x1BFF;
	s21 =	sshll.u32 s6, $0x1;
	s3 =	sadd.s32 s19, s18  }
0xa2: {  	s7 =	simm.s32 $0x0;
	s20 =	sshll.u32 s5, $0x1;
	s5 =	sadd.s32 s21, s3  }
0xa3: {  	[timem:s7], [sflag:s22] =	dma.local [hbm:s5], s20  }
0xa4: {  	_ =	swait.ge [sflag:s22], s20  }
0xa5: {  	s4 =	ssub.s32 $0x0, s20;
	[sflag:s22] =	ssyncset.done $0x0  }
0xa6: {  	[sflag:s22] =	ssyncadd.s32 s4;
	_ =	sdelay $0x1  }
0xa7: {  	s23 =	simm.s32 $0x1B8B  }
0xa8: {  	_ =	swait.ge [sflag:s23], $0x1  }
0xa9: {  	[sflag:s23] =	ssyncset.done $0x0  }
0xaa: {  	s25 =	simm.s32 $0x1B8E;
	s24 =	sld [smem:$0x3FFE];
	[sflag:s23] =	ssyncadd.s32 $0xFFFFFFFF  }
0xab: {  	s26 =	simm.s32 $execute0_lowered;
	[smem:$0x3FD2] =	sst s25  }
0xac: {  	s5 =	sshll.u32 s26, $0x1;
	_ =	strace $0x80000049;
	[dreg:$0x1] =	wrdreg $0xFFFFFFFF  }
0xad: {  	s28 =	simm.s32 $_size_execute0_lowered;
	s3 =	sadd.s32 s3, s5;
	[dreg:$0x0] =	wrdreg $0x0  }
0xae: {  	s5 =	sshll.u32 s28, $0x1;
	[dreg:$0x2] =	wrdreg s3  }
0xaf: {  	[dreg:$0x3] =	wrdreg s5  }
0xb0: {  	[dreg:$0x4] =	wrdreg $0xC0  }
0xb1: {  	_ =	task [dreg:s7], $0x5FFFF  }
0xb2: {  	[dreg:$0x1] =	wrdreg $0xFFFFFFFF  }
0xb3: {  	[dreg:$0x0] =	wrdreg $0x60  }
0xb4: {  	[dreg:$0x2] =	wrdreg s24  }
0xb5: {  	[dreg:$0x3] =	wrdreg s16  }
0xb6: {  	[dreg:$0x4] =	wrdreg $0x9  }
0xb7: {  	_ =	task.clear_ibuf [dreg:s7], $0x5FFFF;
	_ =	strace $0x90000049  }
0xb8: {  	s29 =	simm.s32 $0x9;
	_ =	strace $0x8000004B  }
0xb9: {  	_ =	swait.ge [sflag:s29], $0x1  }
0xba: {  	[sflag:s29] =	ssyncadd.s32 $0xFFFFFFFF  }
0xbb: {  	_ =	strace $0x9000004B  }
0xbc: {  	_ =	sfence  }
0xbd: {  	s30 =	sld [smem:$0x0];
	_ =	sdelay $0x2  }
0xbe: {  	s31 =	sshll.u32 s1, $0xD;
	s1 =	sshrl.u32 s1, $0x2  }
0xbf: {  	s3 =	sand.u32 $0x4000, s31;
	s1 =	sadd.s32 s1, s30  }
0xc0: {  	s0 =	sor.u32 s3, s0;
	s1 =	sshll.u32 s1, $0x11  }
0xc1: {  	s0 =	sor.u32 s1, s0  }
0xc2: {  	s0 =	sadd.s32 $0x8F2B, s0  }
0xc3: {  	[sflag:s0] =	ssyncadd.remote.s32 $0x1  }
0xc4: {  	_ =	sfence.sel $0xFFFF  }
0xc5: {  	[dreg:$0x0] =	wrdreg $0xFFFFFFFF;
	(pc) =	sbr.abs _section_cstart, $3  }
0xc6: {  	[dreg:$0x1] =	wrdreg $0xFFFFFFFF  }
0xc7: {  	_ =	task.clear_ibuf [dreg:s7], $0x2FFFF;
	_ =	strace $0x9FFFFFFF  }
0xc8: {  	(tm) =	ssettm $0x7FFFFFFF  }
0xc9: {  	_ =	shalt  }
tec
execute0_lowered:
.L_overlay_start_1:
0x0: {  	(tag) =	ssettag $0x1  }
0x1: {  	s1 =	srdreg.scid;
	s2 =	rddreg [dreg:$0x0]  }
0x2: {  	s0 =	stileid.u32;
	s3 =	rddreg [dreg:$0x1]  }
0x3: {  	s6 =	simm.s32 $0x1;
	s9 =	simm.s32 $0x1;
	s1 =	sshll.u32 s1, $0x9  }
0x4: {  	s10 =	simm.s32 $0x3;
	s4 =	sshll.u32 s0, $0xA;
	s5 =	sand.u32 $0x200, s1  }
0x5: {  	s13 =	simm.s32 $0x0;
	s12 =	simm.s32 $0x0;
	s4 =	sor.u32 s4, s5  }
0x6: {  	s1 =	rddreg [dreg:$0x2];
	_ =	strace $0x8000004A;
	s8 =	ssub.s32 $0x5000, s4  }
.Ltmp0:
0x7: {  	s5 =	sadd.s32 $0x3C00, s2;
	s7 =	sand.u32 $0x3E00, s8;
	(pc) =	sbr.rel .LBB2_1-.Ltmp0, $4  }
0x8: {  	[sflag:s6] =	ssyncpa.u1 $0x0;
	s11 =	smov.u32 s4;
	p0 =	sne.s32 s7, $0x0  }
0x9: {  	s8 =	sshrl.u32 s8, $0xE;
	s7 =	simm.s32 $0x2;
	s9 =	simm.s32 @!p0 $0x0  }
0xa: {  	[sflag:s7] =	ssyncpa.u1 $0x0;
	p0 =	por $0x0, $0x0;
	s8 =	sadd.s32 s9, s8  }
0xb: {  	vm0 =	vmmov $0xffff;
	[sflag:s10] =	ssyncpa.u1 $0x0;
	s10 =	simm.s32 $0x0;
	s9 =	sadd.s32 $0x1, s8  }
.LBB2_4:
0xc: {  	v4 =	vsel vm1, $0xFFFFA000, v4;
	v5 =	vand.u32 $0xFFFFE000, v5  }
0xd: {  	v2 =	vshll.u32 v2, $0x7;
	vm1 =	vmmov vm1;
	vm2 =	vmmov vm2  }
0xe: {  	v59 =	vshrl.u32 v0, $0xF;
	v60 =	vand.u32 $0x1F, v0;
	v61 =	vshrl.u32 v0, $0x5  }
0xf: {  	v3 =	vsel vm1, $0xFFFFFFFF, v3;
	v4 =	vadd.s32 v5, v4;
	v2 =	vand.u32 $0x380, v2  }
0x10: {  	v0 =	vand.u32 $0x3FF, v61;
	v58 =	vshll.u32 v3, $0x3;
	v2 =	vor.u32 v2, v4  }
0x11: {  	v3 =	vand.u32 $0x7F, v3;
	v4 =	vand.u32 $0x7, v59;
	v5 =	vand.u32 $0xFFFFFC00, v58  }
0x12: {  	v2 =	vor.u32 v3, v2;
	v4 =	vmul.u32 $0x6000, v4;
	v3 =	vsel vm2, $0xFFFFFFFF, v60  }
0x13: {  	vm1 =	vmmov vm2;
	v2 =	vadd.s32 v5, v2;
	v62 =	vshll.u32 v3, $0xA  }
0x14: {  	v3 =	vshll.u32 v3, $0x7;
	v4 =	vsel vm2, $0xFFFFA000, v4;
	v5 =	vand.u32 $0xFFFFE000, v62  }
0x15: {  	v0 =	vsel vm1, $0xFFFFFFFF, v0;
	v3 =	vand.u32 $0x380, v3;
	v4 =	vadd.s32 v5, v4  }
0x16: {  	v63 =	vand.u32 $0x7F, v0;
	v0 =	vshll.u32 v0, $0x3;
	v3 =	vor.u32 v3, v4  }
0x17: {  	v0 =	vand.u32 $0xFFFFFC00, v0;
	v3 =	vor.u32 v63, v3  }
0x18: {  	(ifvalue) =	ssetifvalue $0x7FFFFFFF;
	s15 =	sadd.s32 $0x10, s15;
	v0 =	vadd.s32 v0, v3  }
0x19: {  	[tilespmem:s15], [sflag:$0x1] =	stream.indirect_vreg.gather [hbm4b:s2+s10], $0x1, v1, vm0, $0x4038;
	[tilespmem:$0x800] =	vst v63  }
0x1a: {  	(ifvalue) =	ssetifvalue $0x7FFFFFFF;
	s15 =	sadd.s32 $0x10, s15  }
0x1b: {  	[tilespmem:s15], [sflag:$0x1] =	stream.indirect_vreg.gather [hbm4b:s2+s10], $0x1, v2, vm0, $0x4038;
	[tilespmem:$0x800] =	vst v63  }
0x1c: {  	(ifvalue) =	ssetifvalue $0x7FFFFFFF;
	s15 =	sadd.s32 $0x10, s15  }
0x1d: {  	[tilespmem:s15], [sflag:$0x1] =	stream.indirect_vreg.gather [hbm4b:s2+s10], $0x1, v0, vm0, $0x4038;
	[tilespmem:$0x800] =	vst v63  }
0x1e: {  	_ =	swait.ge [sflag:s6], $0x200  }
0x1f: {  	s30 =	sshrl.u32 s13, $0x3;
	[sflag:s6] =	ssyncset.done $0x0  }
0x20: {  	s31 =	sand.u32 $0x7, s13;
	s15 =	sadd.s32 s5, s30;
	[sflag:s6] =	ssyncadd.s32 $0xFFFFFE00  }
0x21: {  	[hbm4b:s15+s31] =	stream.linear.scatter [tilespmem:s14], [sflag:$0x3], $0x200, $0x38;
	[tilespmem:$0x800] =	vst v63  }
.LBB2_5:
0x22: {  	s15 =	sadd.s32 $0x4000, s11  }
0x23: {  	p2 =	sgt.s32 s15, $0x4FFF  }
0x24: {  	s15 =	smov.u32 @p2 s4;
	p2 =	sne.s32 s12, s9  }
.Ltmp1:
0x25: {  	p1 =	slt.u32 s12, $0x2;
	(pc) =	sbr.rel @!p2 .LBB2_6-.Ltmp1, $4  }
0x26: {  	s14 =	simm.s32 @!p1 $0x3  }
0x27: {  	s16 =	sadd.s32 $0x1, s12;
	_ =	swait.ge @!p1 [sflag:s14], $0x200  }
0x28: {  	s13 =	smov.u32 s11;
	p0 =	por !p0, !p0;
	[sflag:s14] =	ssyncset.done @!p1 $0x0  }
0x29: {  	s12 =	smov.u32 s16;
	s11 =	smov.u32 s15;
	[sflag:s14] =	ssyncadd.s32 @!p1 $0xFFFFFE00  }
.LBB2_1:
0x2a: {  	p1 =	sge.u32 s12, s8  }
0x2b: {  	s14 =	sxor.u32 @!p1 $0xFFFFFFFF, s12  }
0x2c: {  	s31 =	sadd.s32 $0xFFFFFFFF, s12;
	s15 =	sshrl.u32 @!p1 s11, $0x3;
	s14 =	sshll.u32 @!p1 s14, $0x9  }
0x2d: {  	s16 =	sand.u32 @!p1 $0x7, s11;
	s15 =	sadd.s32 @!p1 s3, s15;
	s14 =	sand.u32 @!p1 $0x200, s14  }
0x2e: {  	[tilespmem:s14], [sflag:$0x2] =	stream.linear.gather @!p1 [hbm4b:s15+s16], $0x200, $0x38;
	[tilespmem:$0x800] =	vst v63  }
0x2f: {  	p1 =	sge.u32 s31, s8  }
.Ltmp2:
0x30: {  	_ = 	snop;
	(pc) =	sbr.rel @p1 .LBB2_5-.Ltmp2, $1  }
0x31: {  	_ =	sdelay $0x3  }
0x32: {  	s14 =	simm.s32 $0x1  }
0x33: {  	_ =	swait.ge [sflag:s7], $0x200;
	s14 =	simm.s32 @!p0 $0x0  }
0x34: {  	[sflag:s7] =	ssyncset.done $0x0;
	s14 =	sshll.u32 s14, $0x9  }
0x35: {  	[sflag:s7] =	ssyncadd.s32 $0xFFFFFE00;
	(ifvalue) =	ssetifvalue $0x7FFFFFFF;
	v0 =	vld.msk [tilespmem:s14+$0x0 ss:$0x1], $0xffff  }
0x36: {  	s15 =	sadd.s32 $0x10, s14  }
0x37: {  	v1 =	vld.msk [tilespmem:s15+$0x0 ss:$0x1], $0xffff;
	_ =	sdelay $0x2  }
0x38: {  	s15 =	sadd.s32 $0x10, s15;
	v2 =	vshrl.u32 v0, $0xF;
	vm1 =	veq.s32 v0, $0x80000000;
	v3 =	vand.u32 $0x1F, v0  }
0x39: {  	v5 =	vld.msk [tilespmem:s15+$0x0 ss:$0x1], $0xffff;
	v0 =	vshrl.u32 v0, $0x5;
	v2 =	vand.u32 $0x7, v2;
	vm1 =	vmmov vm1  }
0x3a: {  	vm2 =	veq.s32 v1, $0x80000000;
	v2 =	vmul.u32 $0x6000, v2;
	v3 =	vsel vm1, $0xFFFFFFFF, v3  }
0x3b: {  	v0 =	vand.u32 $0x3FF, v0;
	vm2 =	vmmov vm2;
	v4 =	vshll.u32 v3, $0xA  }
0x3c: {  	v3 =	vshll.u32 v3, $0x7;
	v2 =	vsel vm1, $0xFFFFA000, v2;
	vm1 =	vmmov vm1  }
0x3d: {  	v4 =	vand.u32 $0xFFFFE000, v4;
	v3 =	vand.u32 $0x380, v3;
	v0 =	vsel vm1, $0xFFFFFFFF, v0  }
0x3e: {  	v2 =	vadd.s32 v4, v2;
	vm1 =	veq.s32 v5, $0x80000000;
	v4 =	vand.u32 $0x7F, v0  }
0x3f: {  	v0 =	vshll.u32 v0, $0x3;
	v2 =	vor.u32 v3, v2;
	v3 =	vshrl.u32 v1, $0xF  }
0x40: {  	vm1 =	vmmov vm1;
	v0 =	vand.u32 $0xFFFFFC00, v0;
	v2 =	vor.u32 v4, v2  }
0x41: {  	v4 =	vand.u32 $0x1F, v1;
	v3 =	vand.u32 $0x7, v3;
	v1 =	vshrl.u32 v1, $0x5  }
0x42: {  	v2 =	vadd.s32 v0, v2;
	v0 =	vsel vm2, $0xFFFFFFFF, v4;
	v3 =	vmul.u32 $0x6000, v3  }
0x43: {  	v1 =	vand.u32 $0x3FF, v1;
	v4 =	vshll.u32 v0, $0xA;
	v6 =	vshll.u32 v0, $0x7  }
0x44: {  	s17 =	sadd.s32 $0x10, s15;
	v3 =	vsel vm2, $0xFFFFA000, v3;
	v4 =	vand.u32 $0xFFFFE000, v4;
	vm2 =	vmmov vm2  }
0x45: {  	v0 =	vld.msk [tilespmem:s17+$0x0 ss:$0x1], $0xffff;
	v1 =	vsel vm2, $0xFFFFFFFF, v1;
	v3 =	vadd.s32 v4, v3;
	v4 =	vand.u32 $0x380, v6  }
0x46: {  	v6 =	vand.u32 $0x7F, v1;
	v1 =	vshll.u32 v1, $0x3;
	v3 =	vor.u32 v4, v3  }
0x47: {  	s31 =	sshll.u32 s12, $0x9;
	s15 =	sor.u32 $0x400, s14;
	(ifvalue) =	ssetifvalue $0x7FFFFFFF;
	v4 =	vshrl.u32 v5, $0xF;
	v1 =	vand.u32 $0xFFFFFC00, v1;
	v3 =	vor.u32 v6, v3  }
0x48: {  	[tilespmem:s15], [sflag:$0x1] =	stream.indirect_vreg.gather [hbm4b:s2+s10], $0x1, v2, vm0, $0x4038;
	v2 =	vand.u32 $0x1F, v5;
	v4 =	vand.u32 $0x7, v4;
	v1 =	vadd.s32 v1, v3;
	[tilespmem:$0x800] =	vst v63  }
0x49: {  	s14 =	sand.u32 $0x200, s31;
	v2 =	vsel vm1, $0xFFFFFFFF, v2;
	v3 =	vshrl.u32 v5, $0x5;
	v4 =	vmul.u32 $0x6000, v4  }
0x4a: {  	s16 =	simm.s32 $0x30;
	s14 =	sor.u32 $0x400, s14;
	s17 =	sadd.s32 $0x10, s17;
	vm2 =	veq.s32 v0, $0x80000000;
	v3 =	vand.u32 $0x3FF, v3;
	v5 =	vshll.u32 v2, $0xA  }
.LBB2_3:
0x4b: {  	v4 =	vsel vm1, $0xFFFFA000, v4;
	v5 =	vand.u32 $0xFFFFE000, v5  }
0x4c: {  	v6 =	vld.msk [tilespmem:s17+$0x0 ss:$0x1], $0xffff;
	v2 =	vshll.u32 v2, $0x7;
	vm3 =	vmmov vm1;
	vm1 =	vmmov vm2;
	s16 =	sadd.s32 $0x10, s16  }
0x4d: {  	s15 =	sadd.s32 $0x10, s15;
	v3 =	vsel vm3, $0xFFFFFFFF, v3;
	v4 =	vadd.s32 v5, v4;
	v2 =	vand.u32 $0x380, v2;
	(ifvalue) =	ssetifvalue $0x7FFFFFFF;
	p1 =	slt.u32 s16, $0x1F0  }
0x4e: {  	[tilespmem:s15], [sflag:$0x1] =	stream.indirect_vreg.gather [hbm4b:s2+s10], $0x1, v1, vm0, $0x4038;
	[tilespmem:$0x800] =	vst v63  }
.Ltmp3:
0x4f: {  	v5 =	vand.u32 $0x7F, v3;
	v3 =	vshll.u32 v3, $0x3;
	v2 =	vor.u32 v2, v4;
	(pc) =	sbr.rel @p1 .LBB2_3-.Ltmp3, $4  }
0x50: {  	v1 =	vshrl.u32 v0, $0xF;
	v3 =	vand.u32 $0xFFFFFC00, v3;
	v2 =	vor.u32 v5, v2  }
0x51: {  	v4 =	vand.u32 $0x1F, v0;
	v5 =	vand.u32 $0x7, v1;
	v1 =	vadd.s32 v3, v2  }
0x52: {  	v7 =	vshrl.u32 v0, $0x5;
	v2 =	vsel vm1, $0xFFFFFFFF, v4;
	v4 =	vmul.u32 $0x6000, v5  }
0x53: {  	s17 =	sadd.s32 $0x10, s17;
	v3 =	vand.u32 $0x3FF, v7;
	vm2 =	veq.s32 v6, $0x80000000;
	v5 =	vshll.u32 v2, $0xA;
	v0 =	vmovc v6  }
.Ltmp4:
0x54: {  	_ = 	snop;
	(pc) =	sbr.rel .LBB2_4-.Ltmp4, $1  }
0x55: {  	_ =	sdelay $0x3  }
.LBB2_6:
0x56: {  	_ =	sfence.sel $0x180000  }
0x57: {  	s2 =	simm.s32 $0x2;
	[bflag:$0x0] =	sbarrier.arrive $0xFFFF  }
0x58: {  	s30 =	simm.s32 $0x3;
	[sflag:s2] =	ssyncpa.u1 $0x1  }
0x59: {  	s31 =	simm.s32 $0x1;
	[sflag:s30] =	ssyncpa.u1 $0x1  }
0x5a: {  	[sflag:s31] =	ssyncpa.u1 $0x1  }
0x5b: {  	p0 =	sne.s32 s0, $0x0;
	_ =	strace $0x9000004A  }
0x5c: {  	s0 =	sadd.s32 @!p0 $0x100000, s1;
	[bflag:$0x2] =	sbarrier.arrive $0xFFFF  }
0x5d: {  	[sflag:s0] =	ssyncadd.tile.s32 @!p0 $0x1;
	_ =	shalt  }
.Lfunc_end2:
_tile_overlayer_lowered:
.L_overlay_start_2:
0x5e: {  	(tag) =	ssettag $0x2  }
0x5f: {  	s0 =	rddreg [dreg:$0x0];
	s2 =	stileid.u32  }
0x60: {  	s1 =	rddreg [dreg:$0x1];
	p0 =	sne.s32 s2, $0x0  }
0x61: {  	s3 =	rddreg [dreg:$0x2];
	[bflag:$0x3] =	sbarrier.arrive $0xFFFF;
	s2 =	simm.s32 @!p0 $0x1C01  }
0x62: {  	[timem:s3], [sflag:s2] =	dma.local @!p0 [hbm:s0], s1  }
0x63: {  	s0 =	simm.s32 @!p0 $0x1  }
0x64: {  	_ =	swait.ge @!p0 [sflag:s0], s1  }
0x65: {  	s1 =	ssub.s32 @!p0 $0x0, s1;
	[sflag:s0] =	ssyncset.done @!p0 $0x0  }
0x66: {  	[sflag:s0] =	ssyncadd.s32 @!p0 s1  }
0x67: {  	[bflag:$0x3] =	sbarrier.arrive $0xFFFF  }
0x68: {  	_ =	shalt  }

// kernel: kernel.46.cloned.1.call-start
scs
__scs_entry_jumppad:
0x0: {  	(pc) =	sbr.rel $0x88, $3  }
0x1: {  	(tag) =	ssettag $0x0;
	lr =	simm.s32 $0x1  }
0x2: {  	[smem:$0x3F91] =	sst lr;
	_ =	strace $0xD0000000  }
0x3: {  	_ = 	snop  }
0x4: {  	_ = 	snop  }
0x5: {  	_ = 	snop  }
0x6: {  	_ = 	snop  }
0x7: {  	_ = 	snop  }
__scs_overlays_trampoline_lowered:
0x8: {  	[smem:$0x3FA0] =	sst s0  }
0x9: {  	[smem:$0x3FA1] =	sst s1  }
0xa: {  	[smem:$0x3FA2] =	sst s2  }
0xb: {  	[smem:$0x3FA3] =	sst s3  }
0xc: {  	[smem:$0x3FA4] =	sst s4  }
0xd: {  	[smem:$0x3FA5] =	sst s5  }
0xe: {  	[smem:$0x3FA6] =	sst s6  }
0xf: {  	[smem:$0x3FA7] =	sst s7  }
0x10: {  	[smem:$0x3FA8] =	sst s8  }
0x11: {  	[smem:$0x3FA9] =	sst s9;
	s0 =	simm.s32 @!p0 $0x0  }
0x12: {  	s1 =	sld [smem:$0x3F8F];
	s0 =	simm.s32 @p0 $0x1  }
0x13: {  	[smem:$0x3FAA] =	sst s0;
	s0 =	simm.s32 @!p1 $0x0  }
0x14: {  	s2 =	sld [smem:$0x3F8E];
	s0 =	simm.s32 @p1 $0x1  }
0x15: {  	[smem:$0x3FAB] =	sst s0;
	s0 =	simm.s32 @!p2 $0x0  }
0x16: {  	s3 =	sld [smem:$0x3FDB];
	s0 =	simm.s32 @p2 $0x1  }
0x17: {  	s4 =	simm.s32 $0x1BF5;
	[smem:$0x3FAD] =	sst s0  }
0x18: {  	s0 =	sld [smem:$0x3F90];
	_ =	swait.ge [sflag:s4], $0x0  }
0x19: {  	s7 =	sld [smem:$0x3F91]  }
0x1a: {  	s8 =	sadd.s32 $0xFFFFE003, lr  }
0x1b: {  	s9 =	sadd.s32 $0xFFFFFEF7, lr;
	s5 =	simm.s32 $0xFFFFFFFF;
	p2 =	slt.u32 s8, $0xFFFFF086  }
0x1c: {  	p1 =	slt.u32 s9, $0xF7A;
	s5 =	simm.s32 @!p2 $0x0  }
0x1d: {  	s5 =	simm.s32 @p1 $0x1;
	p0 =	seq.s32 s7, s2  }
0x1e: {  	s7 =	smul.u32 @!p0 $0xF7A, s2;
	p2 =	seq.s32 @!p0 s5, $0x0  }
0x1f: {  	s9 =	smul.u32 $0xF7A, s1;
	s8 =	simm.s32 @!p0 $0x1BF5;
	p2 =	por !p2, p0  }
0x20: {  	[sflag:s8] =	ssyncset.s32 @!p0 $0xFFFFF086;
	s6 =	sadd.s32 @!p0 s3, s7;
	s7 =	simm.s32 @!p0 $0x108  }
0x21: {  	s3 =	sadd.s32 s3, s9;
	s6 =	sadd.s32 @!p0 $0x88, s6;
	s7 =	simm.s32 @p2 $0x1082  }
0x22: {  	[simem:s7], [sflag:s8] =	dma.local @!p0 [hbm:s6], $0xF7A  }
0x23: {  	s9 =	sor.u32 $0xD0000000, s2;
	s6 =	simm.s32 $0x108;
	_ =	swait.ge @!p0 [sflag:s8], $0x0  }
0x24: {  	s3 =	sadd.s32 $0x88, s3;
	s6 =	simm.s32 @!p1 $0x1082;
	[sflag:s4] =	ssyncset.s32 $0xFFFFF086  }
0x25: {  	[simem:s6], [sflag:s4] =	dma.local [hbm:s3], $0xF7A  }
0x26: {  	[smem:$0x3F91] =	sst s1;
	(tag) =	ssettag s2;
	_ =	strace s9  }
0x27: {  	s1 =	sld [smem:$0x3FA1]  }
0x28: {  	s2 =	sld [smem:$0x3FA2]  }
0x29: {  	s4 =	sld [smem:$0x3FA4]  }
0x2a: {  	p0 =	seq.s32 s5, $0x0;
	s5 =	sld [smem:$0x3FA5]  }
0x2b: {  	s6 =	sld [smem:$0x3FA6]  }
0x2c: {  	s7 =	sld [smem:$0x3FA7]  }
0x2d: {  	s3 =	simm.s32 $0x108;
	s8 =	sld [smem:$0x3FA8]  }
0x2e: {  	s3 =	simm.s32 @!p0 $0x1082;
	s9 =	sld [smem:$0x3FA9]  }
0x2f: {  	lr =	sadd.s32 s0, s3;
	s0 =	sld [smem:$0x3FA0]  }
0x30: {  	s3 =	sld [smem:$0x3FA3]  }
0x31: {  	[smem:$0x3FAC] =	sst s10  }
0x32: {  	s10 =	sld [smem:$0x3FAA];
	_ =	sdelay $0x3  }
0x33: {  	p0 =	seq.s32 s10, $0x1;
	s10 =	sld [smem:$0x3FAC];
	_ =	sdelay $0x3  }
0x34: {  	[smem:$0x3FAC] =	sst s10  }
0x35: {  	s10 =	sld [smem:$0x3FAB];
	_ =	sdelay $0x3  }
0x36: {  	p1 =	seq.s32 s10, $0x1;
	s10 =	sld [smem:$0x3FAC];
	_ =	sdelay $0x3  }
0x37: {  	[smem:$0x3FAC] =	sst s10  }
0x38: {  	s10 =	sld [smem:$0x3FAD]  }
0x39: {  	_ = 	snop;
	(pc) =	sbr.ind lr, $3  }
0x3a: {  	_ = 	snop  }
0x3b: {  	_ = 	snop  }
0x3c: {  	p2 =	seq.s32 s10, $0x1;
	s10 =	sld [smem:$0x3FAC]  }
0x3d: {  	_ =	shalt  }
0x3e: {  	_ =	shalt  }
0x3f: {  	_ =	shalt  }
0x40: {  	_ =	shalt  }
0x41: {  	_ =	shalt  }
0x42: {  	_ =	shalt  }
0x43: {  	_ =	shalt  }
0x44: {  	_ =	shalt  }
0x45: {  	_ =	shalt  }
0x46: {  	_ =	shalt  }
0x47: {  	_ =	shalt  }
0x48: {  	_ =	shalt  }
0x49: {  	_ =	shalt  }
0x4a: {  	_ =	shalt  }
0x4b: {  	_ =	shalt  }
0x4c: {  	_ =	shalt  }
0x4d: {  	_ =	shalt  }
0x4e: {  	_ =	shalt  }
0x4f: {  	_ =	shalt  }
0x50: {  	_ =	shalt  }
0x51: {  	_ =	shalt  }
0x52: {  	_ =	shalt  }
0x53: {  	_ =	shalt  }
0x54: {  	_ =	shalt  }
0x55: {  	_ =	shalt  }
0x56: {  	_ =	shalt  }
0x57: {  	_ =	shalt  }
0x58: {  	_ =	shalt  }
0x59: {  	_ =	shalt  }
0x5a: {  	_ =	shalt  }
0x5b: {  	_ =	shalt  }
0x5c: {  	_ =	shalt  }
0x5d: {  	_ =	shalt  }
0x5e: {  	_ =	shalt  }
0x5f: {  	_ =	shalt  }
0x60: {  	_ =	shalt  }
0x61: {  	_ =	shalt  }
0x62: {  	_ =	shalt  }
0x63: {  	_ =	shalt  }
0x64: {  	_ =	shalt  }
0x65: {  	_ =	shalt  }
0x66: {  	_ =	shalt  }
0x67: {  	_ =	shalt  }
0x68: {  	_ =	shalt  }
0x69: {  	_ =	shalt  }
0x6a: {  	_ =	shalt  }
0x6b: {  	_ =	shalt  }
0x6c: {  	_ =	shalt  }
0x6d: {  	_ =	shalt  }
0x6e: {  	_ =	shalt  }
0x6f: {  	_ =	shalt  }
0x70: {  	_ =	shalt  }
0x71: {  	_ =	shalt  }
0x72: {  	_ =	shalt  }
0x73: {  	_ =	shalt  }
0x74: {  	_ =	shalt  }
0x75: {  	_ =	shalt  }
0x76: {  	_ =	shalt  }
0x77: {  	_ =	shalt  }
0x78: {  	_ =	shalt  }
0x79: {  	_ =	shalt  }
0x7a: {  	_ =	shalt  }
0x7b: {  	_ =	shalt  }
0x7c: {  	_ =	shalt  }
0x7d: {  	_ =	shalt  }
0x7e: {  	_ =	shalt  }
0x7f: {  	_ =	shalt  }
0x80: {  	_ =	shalt  }
0x81: {  	_ =	shalt  }
0x82: {  	_ =	shalt  }
0x83: {  	_ =	shalt  }
0x84: {  	_ =	shalt  }
0x85: {  	_ =	shalt  }
0x86: {  	_ =	shalt  }
0x87: {  	_ =	shalt  }
.Lfunc_end0:
.L_simem_size_0:
called_computation.1_lowered:
.L_overlay_start_0:
0x88: {  	s2 =	sld [smem:$0x3FD9]  }
0x89: {  	s3 =	sld [smem:$0x3FFE];
	_ =	sdelay $0x1  }
0x8a: {  	s1 =	srdreg.scid  }
0x8b: {  	s0 =	sand.u32 $0x1, s1  }
0x8c: {  	s14 =	sshll.u32 s0, $0xA;
	s2 =	sadd.s32 s3, s2  }
0x8d: {  	s2 =	sadd.s32 s2, s14  }
0x8e: {  	[smem:$0x3FB8] =	sst s2  }
0x8f: {  	_ = 	snop  }
0x90: {  	s2 =	sld [smem:$0x3FD0];
	_ =	sdelay $0x2  }
0x91: {  	s4 =	simm.s32 $0xA;
	s5 =	simm.s32 $0x10;
	s15 =	sld [smem:$0x3FC8]  }
0x92: {  	[smem:s5], [sflag:s4] =	dma.local [hbm:s2], $0x1  }
0x93: {  	_ =	swait.eq [sflag:s4], $0x1  }
0x94: {  	[sflag:s4] =	ssyncset.done $0x0  }
0x95: {  	[sflag:s4] =	ssyncadd.s32 $0xFFFFFFFF  }
0x96: {  	s16 =	sld [smem:$0x10];
	(tm) =	ssettm $0x1  }
0x97: {  	s17 =	sld [smem:$0x3FFB];
	_ =	sdelay $0x3  }
0x98: {  	_ =	strace s17  }
0x99: {  	s4 =	sld [smem:$0x3FFC];
	_ =	sdelay $0x3  }
0x9a: {  	_ =	strace s4  }
0x9b: {  	s4 =	sld [smem:$0x3FFD];
	_ =	sdelay $0x3  }
0x9c: {  	_ =	strace s4  }
0x9d: {  	_ =	strace $0x8FFFFFFF  }
0x9e: {  	s18 =	sld [smem:$0x3FDB];
	_ =	sdelay $0x1  }
0x9f: {  	s19 =	simm.s32 $_scs_section_size  }
0xa0: {  	s6 =	simm.s32 $_size__tile_overlayer_lowered;
	s7 =	simm.s32 $_tile_overlayer_lowered  }
0xa1: {  	s22 =	simm.s32 $0x1BFF;
	s21 =	sshll.u32 s7, $0x1;
	s4 =	sadd.s32 s19, s18  }
0xa2: {  	s8 =	simm.s32 $0x0;
	s20 =	sshll.u32 s6, $0x1;
	s6 =	sadd.s32 s21, s4  }
0xa3: {  	[timem:s8], [sflag:s22] =	dma.local [hbm:s6], s20  }
0xa4: {  	_ =	swait.ge [sflag:s22], s20  }
0xa5: {  	s5 =	ssub.s32 $0x0, s20;
	[sflag:s22] =	ssyncset.done $0x0  }
0xa6: {  	[sflag:s22] =	ssyncadd.s32 s5;
	_ =	sdelay $0x1  }
0xa7: {  	s23 =	simm.s32 $0x1B8B  }
0xa8: {  	_ =	swait.ge [sflag:s23], $0x1  }
0xa9: {  	[sflag:s23] =	ssyncset.done $0x0  }
0xaa: {  	s25 =	simm.s32 $0x1B8E;
	s24 =	sld [smem:$0x3FFE];
	[sflag:s23] =	ssyncadd.s32 $0xFFFFFFFF  }
0xab: {  	s26 =	simm.s32 $execute0_lowered;
	[smem:$0x3FD2] =	sst s25  }
0xac: {  	s6 =	sshll.u32 s26, $0x1;
	_ =	strace $0x80000046;
	[dreg:$0x1] =	wrdreg $0xFFFFFFFF  }
0xad: {  	s28 =	simm.s32 $_size_execute0_lowered;
	s4 =	sadd.s32 s4, s6;
	[dreg:$0x0] =	wrdreg $0x0  }
0xae: {  	s6 =	sshll.u32 s28, $0x1;
	[dreg:$0x2] =	wrdreg s4  }
0xaf: {  	[dreg:$0x3] =	wrdreg s6  }
0xb0: {  	[dreg:$0x4] =	wrdreg $0xC0  }
0xb1: {  	_ =	task [dreg:s8], $0x5FFFF  }
0xb2: {  	[dreg:$0x1] =	wrdreg $0xFFFFFFFF  }
0xb3: {  	[dreg:$0x0] =	wrdreg $0x60  }
0xb4: {  	[dreg:$0x2] =	wrdreg s16  }
0xb5: {  	[dreg:$0x3] =	wrdreg s15  }
0xb6: {  	[dreg:$0x4] =	wrdreg s24  }
0xb7: {  	[dreg:$0x5] =	wrdreg $0x9  }
0xb8: {  	_ =	task.clear_ibuf [dreg:s8], $0x6FFFF;
	_ =	strace $0x90000046  }
0xb9: {  	s29 =	simm.s32 $0x9;
	_ =	strace $0x80000048  }
0xba: {  	_ =	swait.ge [sflag:s29], $0x1  }
0xbb: {  	[sflag:s29] =	ssyncadd.s32 $0xFFFFFFFF  }
0xbc: {  	_ =	strace $0x90000048  }
0xbd: {  	_ =	sfence  }
0xbe: {  	s30 =	sld [smem:$0x0];
	_ =	sdelay $0x2  }
0xbf: {  	s31 =	sshll.u32 s1, $0xD;
	s1 =	sshrl.u32 s1, $0x2  }
0xc0: {  	s3 =	sand.u32 $0x4000, s31;
	s1 =	sadd.s32 s1, s30  }
0xc1: {  	s0 =	sor.u32 s3, s0;
	s1 =	sshll.u32 s1, $0x11  }
0xc2: {  	s0 =	sor.u32 s1, s0  }
0xc3: {  	s0 =	sadd.s32 $0x8F2B, s0  }
0xc4: {  	[sflag:s0] =	ssyncadd.remote.s32 $0x1  }
0xc5: {  	_ =	sfence.sel $0xFFFF  }
0xc6: {  	[dreg:$0x0] =	wrdreg $0xFFFFFFFF;
	(pc) =	sbr.abs _section_cstart, $3  }
0xc7: {  	[dreg:$0x1] =	wrdreg $0xFFFFFFFF  }
0xc8: {  	_ =	task.clear_ibuf [dreg:s8], $0x2FFFF;
	_ =	strace $0x9FFFFFFF  }
0xc9: {  	(tm) =	ssettm $0x7FFFFFFF  }
tec
execute0_lowered:
.L_overlay_start_1:
0x0: {  	(tag) =	ssettag $0x1  }
0x1: {  	s0 =	srdreg.scid;
	s2 =	stileid.u32  }
0x2: {  	s1 =	rddreg [dreg:$0x0];
	s0 =	sand.u32 $0x1, s0;
	s2 =	sshll.u32 s2, $0x1  }
0x3: {  	s3 =	rddreg [dreg:$0x1];
	s4 =	sor.u32 s0, s2  }
0x4: {  	s5 =	rddreg [dreg:$0x2];
	s2 =	simm.s32 $0x0;
	s6 =	smul.u32 $0xC8, s4  }
0x5: {  	s0 =	ssub.s32 $0x2, s0;
	s7 =	smul.u32 $0x32000, s4;
	[smem:$0x7FF] =	sst s2  }
0x6: {  	s4 =	smul.u32 $0x6400, s4;
	s24 =	sshrl.u32 s0, $0x1;
	_ =	strace $0x80000047  }
0x7: {  	s0 =	ssub.s32 s0, s24;
	s1 =	sadd.s32 s1, s6;
	s7 =	sshrl.u32 s7, $0x3  }
0x8: {  	s8 =	sadd.s32 s5, s4;
	s0 =	smax.u32 s0, $0x1;
	[dreg:$0x4] =	wrdreg s1  }
0x9: {  	s9 =	sadd.s32 s5, s7;
	[dreg:$0x5] =	wrdreg s8;
	p1 =	sne.s32 s0, $0x1  }
0xa: {  	s1 =	sadd.s32 $0xFFFFFFFF, s0;
	s10 =	sadd.s32 $0x500, s9;
	s0 =	rddreg [dreg:$0x4]  }
0xb: {  	s11 =	sadd.s32 $0xA00, s9;
	[dreg:$0x6] =	wrdreg s10  }
0xc: {  	s12 =	sadd.s32 $0xF00, s9;
	[dreg:$0x7] =	wrdreg s11  }
0xd: {  	s13 =	sadd.s32 $0x1400, s9;
	[dreg:$0x8] =	wrdreg s12  }
0xe: {  	s14 =	sadd.s32 $0x1900, s9;
	[dreg:$0x9] =	wrdreg s13  }
0xf: {  	s15 =	sadd.s32 $0x1E00, s9;
	[dreg:$0xa] =	wrdreg s14  }
0x10: {  	s16 =	sadd.s32 $0x2300, s9;
	[dreg:$0xb] =	wrdreg s15  }
0x11: {  	s31 =	simm.s32 $0xA0;
	s17 =	sadd.s32 $0x2800, s9;
	[dreg:$0xc] =	wrdreg s16  }
0x12: {  	s30 =	simm.s32 $0xF0;
	s18 =	sadd.s32 $0x2D00, s9;
	[dreg:$0xd] =	wrdreg s17  }
0x13: {  	s29 =	simm.s32 $0x140;
	s19 =	sadd.s32 $0x3200, s9;
	[dreg:$0xe] =	wrdreg s18  }
0x14: {  	s28 =	simm.s32 $0x190;
	s20 =	sadd.s32 $0x3700, s9;
	[dreg:$0xf] =	wrdreg s19  }
0x15: {  	p0 =	por $0x0, $0x0;
	s21 =	sadd.s32 $0x3C00, s9;
	[dreg:$0x10] =	wrdreg s20  }
0x16: {  	s24 =	simm.s32 $0x280;
	s22 =	sadd.s32 $0x4100, s9;
	[dreg:$0x11] =	wrdreg s21  }
0x17: {  	s4 =	simm.s32 $0x3;
	s23 =	sadd.s32 $0x4600, s9;
	[dreg:$0x12] =	wrdreg s22  }
0x18: {  	s6 =	simm.s32 $0x2E80;
	s25 =	sadd.s32 $0x4B00, s9;
	[dreg:$0x13] =	wrdreg s23  }
0x19: {  	s8 =	simm.s32 $0x2;
	s26 =	sadd.s32 $0x5000, s9;
	[dreg:$0x14] =	wrdreg s25  }
0x1a: {  	s7 =	sadd.s32 $0x5A00, s9;
	s5 =	sadd.s32 $0x5F00, s9;
	[dreg:$0x15] =	wrdreg s26  }
0x1b: {  	s10 =	sadd.s32 $0x5500, s9;
	s11 =	simm.s32 $0x50;
	s9 =	simm.s32 $0x680  }
.Ltmp0:
0x1c: {  	s12 =	simm.s32 $0x1;
	s26 =	simm.s32 $0x1E0;
	(pc) =	sbr.rel @!p1 .LBB2_3-.Ltmp0, $4  }
0x1d: {  	s25 =	simm.s32 $0x230;
	s23 =	simm.s32 $0x2D0;
	s22 =	simm.s32 $0x320  }
0x1e: {  	s21 =	simm.s32 $0x370;
	s20 =	simm.s32 $0x3C0;
	s19 =	simm.s32 $0x410  }
0x1f: {  	s18 =	simm.s32 $0x460;
	s17 =	simm.s32 $0x4B0;
	s16 =	simm.s32 $0x500  }
0x20: {  	s15 =	simm.s32 $0x550;
	s14 =	simm.s32 $0x5A0;
	s13 =	simm.s32 $0x5F0  }
0x21: {  	[tilespmem:s2], [sflag:$0x3] =	stream.linear.gather [hbm4b:s0+s2], $0x640, $0x38;
	[tilespmem:$0x5680] =	vst v63  }
0x22: {  	_ =	swait.ge [sflag:s4], $0x640  }
0x23: {  	[sflag:s4] =	ssyncset.done $0x0  }
0x24: {  	[sflag:s4] =	ssyncadd.s32 $0xFFFFF9C0  }
0x25: {  	[tilespmem:s9], [sflag:$0x1] =	stream.indirect.gather [hbm4b:s3+s11], $0x80, s2, s11, $0xb8;
	[tilespmem:$0x5680] =	vst v63  }
0x26: {  	_ = 	snop  }
0x27: {  	[tilespmem:s6], [sflag:$0x2] =	stream.indirect.gather [hbm4b:s3+s11], $0x80, s11, s11, $0xb8;
	[tilespmem:$0x5680] =	vst v63  }
0x28: {  	_ =	swait.ge [sflag:s12], $0x2800  }
0x29: {  	[sflag:s12] =	ssyncset.done $0x0  }
0x2a: {  	s0 =	rddreg [dreg:$0x5];
	[sflag:s12] =	ssyncadd.s32 $0xFFFFD800  }
0x2b: {  	[hbm4b:s0+s2] =	stream.linear.scatter [tilespmem:s9], [sflag:$0x3], $0x2800, $0x38;
	[tilespmem:$0x5680] =	vst v63  }
0x2c: {  	_ =	swait.ge [sflag:s4], $0x2800  }
0x2d: {  	[sflag:s4] =	ssyncset.done $0x0  }
0x2e: {  	[sflag:s4] =	ssyncadd.s32 $0xFFFFD800  }
0x2f: {  	[tilespmem:s9], [sflag:$0x1] =	stream.indirect.gather [hbm4b:s3+s11], $0x80, s31, s11, $0xb8;
	[tilespmem:$0x5680] =	vst v63  }
0x30: {  	_ =	swait.ge [sflag:s8], $0x2800  }
0x31: {  	[sflag:s8] =	ssyncset.done $0x0  }
0x32: {  	s0 =	rddreg [dreg:$0x6];
	[sflag:s8] =	ssyncadd.s32 $0xFFFFD800  }
0x33: {  	[hbm4b:s0+s2] =	stream.linear.scatter [tilespmem:s6], [sflag:$0x3], $0x2800, $0x38;
	[tilespmem:$0x5680] =	vst v63  }
0x34: {  	_ =	swait.ge [sflag:s4], $0x2800  }
0x35: {  	[sflag:s4] =	ssyncset.done $0x0  }
0x36: {  	[sflag:s4] =	ssyncadd.s32 $0xFFFFD800  }
0x37: {  	[tilespmem:s6], [sflag:$0x2] =	stream.indirect.gather [hbm4b:s3+s11], $0x80, s30, s11, $0xb8;
	[tilespmem:$0x5680] =	vst v63  }
0x38: {  	_ =	swait.ge [sflag:s12], $0x2800  }
0x39: {  	[sflag:s12] =	ssyncset.done $0x0  }
0x3a: {  	s0 =	rddreg [dreg:$0x7];
	[sflag:s12] =	ssyncadd.s32 $0xFFFFD800  }
0x3b: {  	[hbm4b:s0+s2] =	stream.linear.scatter [tilespmem:s9], [sflag:$0x3], $0x2800, $0x38;
	[tilespmem:$0x5680] =	vst v63  }
0x3c: {  	_ =	swait.ge [sflag:s4], $0x2800  }
0x3d: {  	[sflag:s4] =	ssyncset.done $0x0  }
0x3e: {  	[sflag:s4] =	ssyncadd.s32 $0xFFFFD800  }
0x3f: {  	[tilespmem:s9], [sflag:$0x1] =	stream.indirect.gather [hbm4b:s3+s11], $0x80, s29, s11, $0xb8;
	[tilespmem:$0x5680] =	vst v63  }
0x40: {  	_ =	swait.ge [sflag:s8], $0x2800  }
0x41: {  	[sflag:s8] =	ssyncset.done $0x0  }
0x42: {  	s0 =	rddreg [dreg:$0x8];
	[sflag:s8] =	ssyncadd.s32 $0xFFFFD800  }
0x43: {  	[hbm4b:s0+s2] =	stream.linear.scatter [tilespmem:s6], [sflag:$0x3], $0x2800, $0x38;
	[tilespmem:$0x5680] =	vst v63  }
0x44: {  	_ =	swait.ge [sflag:s4], $0x2800  }
0x45: {  	[sflag:s4] =	ssyncset.done $0x0  }
0x46: {  	[sflag:s4] =	ssyncadd.s32 $0xFFFFD800  }
0x47: {  	[tilespmem:s6], [sflag:$0x2] =	stream.indirect.gather [hbm4b:s3+s11], $0x80, s28, s11, $0xb8;
	[tilespmem:$0x5680] =	vst v63  }
0x48: {  	_ =	swait.ge [sflag:s12], $0x2800  }
0x49: {  	[sflag:s12] =	ssyncset.done $0x0  }
0x4a: {  	s0 =	rddreg [dreg:$0x9];
	[sflag:s12] =	ssyncadd.s32 $0xFFFFD800  }
0x4b: {  	[hbm4b:s0+s2] =	stream.linear.scatter [tilespmem:s9], [sflag:$0x3], $0x2800, $0x38;
	[tilespmem:$0x5680] =	vst v63  }
0x4c: {  	_ =	swait.ge [sflag:s4], $0x2800  }
0x4d: {  	[sflag:s4] =	ssyncset.done $0x0  }
0x4e: {  	[sflag:s4] =	ssyncadd.s32 $0xFFFFD800  }
0x4f: {  	[tilespmem:s9], [sflag:$0x1] =	stream.indirect.gather [hbm4b:s3+s11], $0x80, s26, s11, $0xb8;
	[tilespmem:$0x5680] =	vst v63  }
0x50: {  	_ =	swait.ge [sflag:s8], $0x2800  }
0x51: {  	[sflag:s8] =	ssyncset.done $0x0  }
0x52: {  	s0 =	rddreg [dreg:$0xa];
	[sflag:s8] =	ssyncadd.s32 $0xFFFFD800  }
0x53: {  	[hbm4b:s0+s2] =	stream.linear.scatter [tilespmem:s6], [sflag:$0x3], $0x2800, $0x38;
	[tilespmem:$0x5680] =	vst v63  }
0x54: {  	_ =	swait.ge [sflag:s4], $0x2800  }
0x55: {  	[sflag:s4] =	ssyncset.done $0x0  }
0x56: {  	[sflag:s4] =	ssyncadd.s32 $0xFFFFD800  }
0x57: {  	[tilespmem:s6], [sflag:$0x2] =	stream.indirect.gather [hbm4b:s3+s11], $0x80, s25, s11, $0xb8;
	[tilespmem:$0x5680] =	vst v63  }
0x58: {  	_ =	swait.ge [sflag:s12], $0x2800  }
0x59: {  	[sflag:s12] =	ssyncset.done $0x0  }
0x5a: {  	s0 =	rddreg [dreg:$0xb];
	[sflag:s12] =	ssyncadd.s32 $0xFFFFD800  }
0x5b: {  	[hbm4b:s0+s2] =	stream.linear.scatter [tilespmem:s9], [sflag:$0x3], $0x2800, $0x38;
	[tilespmem:$0x5680] =	vst v63  }
0x5c: {  	_ =	swait.ge [sflag:s4], $0x2800  }
0x5d: {  	[sflag:s4] =	ssyncset.done $0x0  }
0x5e: {  	[sflag:s4] =	ssyncadd.s32 $0xFFFFD800  }
0x5f: {  	[tilespmem:s9], [sflag:$0x1] =	stream.indirect.gather [hbm4b:s3+s11], $0x80, s24, s11, $0xb8;
	[tilespmem:$0x5680] =	vst v63  }
0x60: {  	_ =	swait.ge [sflag:s8], $0x2800  }
0x61: {  	[sflag:s8] =	ssyncset.done $0x0  }
0x62: {  	s0 =	rddreg [dreg:$0xc];
	[sflag:s8] =	ssyncadd.s32 $0xFFFFD800  }
0x63: {  	[hbm4b:s0+s2] =	stream.linear.scatter [tilespmem:s6], [sflag:$0x3], $0x2800, $0x38;
	[tilespmem:$0x5680] =	vst v63  }
0x64: {  	_ =	swait.ge [sflag:s4], $0x2800  }
0x65: {  	[sflag:s4] =	ssyncset.done $0x0  }
0x66: {  	[sflag:s4] =	ssyncadd.s32 $0xFFFFD800  }
0x67: {  	[tilespmem:s6], [sflag:$0x2] =	stream.indirect.gather [hbm4b:s3+s11], $0x80, s23, s11, $0xb8;
	[tilespmem:$0x5680] =	vst v63  }
0x68: {  	_ =	swait.ge [sflag:s12], $0x2800  }
0x69: {  	[sflag:s12] =	ssyncset.done $0x0  }
0x6a: {  	s0 =	rddreg [dreg:$0xd];
	[sflag:s12] =	ssyncadd.s32 $0xFFFFD800  }
0x6b: {  	[hbm4b:s0+s2] =	stream.linear.scatter [tilespmem:s9], [sflag:$0x3], $0x2800, $0x38;
	[tilespmem:$0x5680] =	vst v63  }
0x6c: {  	_ =	swait.ge [sflag:s4], $0x2800  }
0x6d: {  	[sflag:s4] =	ssyncset.done $0x0  }
0x6e: {  	[sflag:s4] =	ssyncadd.s32 $0xFFFFD800  }
0x6f: {  	[tilespmem:s9], [sflag:$0x1] =	stream.indirect.gather [hbm4b:s3+s11], $0x80, s22, s11, $0xb8;
	[tilespmem:$0x5680] =	vst v63  }
0x70: {  	_ =	swait.ge [sflag:s8], $0x2800  }
0x71: {  	[sflag:s8] =	ssyncset.done $0x0  }
0x72: {  	s0 =	rddreg [dreg:$0xe];
	[sflag:s8] =	ssyncadd.s32 $0xFFFFD800  }
0x73: {  	[hbm4b:s0+s2] =	stream.linear.scatter [tilespmem:s6], [sflag:$0x3], $0x2800, $0x38;
	[tilespmem:$0x5680] =	vst v63  }
0x74: {  	_ =	swait.ge [sflag:s4], $0x2800  }
0x75: {  	[sflag:s4] =	ssyncset.done $0x0  }
0x76: {  	[sflag:s4] =	ssyncadd.s32 $0xFFFFD800  }
0x77: {  	[tilespmem:s6], [sflag:$0x2] =	stream.indirect.gather [hbm4b:s3+s11], $0x80, s21, s11, $0xb8;
	[tilespmem:$0x5680] =	vst v63  }
0x78: {  	_ =	swait.ge [sflag:s12], $0x2800  }
0x79: {  	[sflag:s12] =	ssyncset.done $0x0  }
0x7a: {  	s0 =	rddreg [dreg:$0xf];
	[sflag:s12] =	ssyncadd.s32 $0xFFFFD800  }
0x7b: {  	[hbm4b:s0+s2] =	stream.linear.scatter [tilespmem:s9], [sflag:$0x3], $0x2800, $0x38;
	[tilespmem:$0x5680] =	vst v63  }
0x7c: {  	_ =	swait.ge [sflag:s4], $0x2800  }
0x7d: {  	[sflag:s4] =	ssyncset.done $0x0  }
0x7e: {  	[sflag:s4] =	ssyncadd.s32 $0xFFFFD800  }
0x7f: {  	[tilespmem:s9], [sflag:$0x1] =	stream.indirect.gather [hbm4b:s3+s11], $0x80, s20, s11, $0xb8;
	[tilespmem:$0x5680] =	vst v63  }
0x80: {  	_ =	swait.ge [sflag:s8], $0x2800  }
0x81: {  	[sflag:s8] =	ssyncset.done $0x0  }
0x82: {  	s0 =	rddreg [dreg:$0x10];
	[sflag:s8] =	ssyncadd.s32 $0xFFFFD800  }
0x83: {  	[hbm4b:s0+s2] =	stream.linear.scatter [tilespmem:s6], [sflag:$0x3], $0x2800, $0x38;
	[tilespmem:$0x5680] =	vst v63  }
0x84: {  	_ =	swait.ge [sflag:s4], $0x2800  }
0x85: {  	[sflag:s4] =	ssyncset.done $0x0  }
0x86: {  	[sflag:s4] =	ssyncadd.s32 $0xFFFFD800  }
0x87: {  	[tilespmem:s6], [sflag:$0x2] =	stream.indirect.gather [hbm4b:s3+s11], $0x80, s19, s11, $0xb8;
	[tilespmem:$0x5680] =	vst v63  }
0x88: {  	_ =	swait.ge [sflag:s12], $0x2800  }
0x89: {  	[sflag:s12] =	ssyncset.done $0x0  }
0x8a: {  	s0 =	rddreg [dreg:$0x11];
	[sflag:s12] =	ssyncadd.s32 $0xFFFFD800  }
0x8b: {  	[hbm4b:s0+s2] =	stream.linear.scatter [tilespmem:s9], [sflag:$0x3], $0x2800, $0x38;
	[tilespmem:$0x5680] =	vst v63  }
0x8c: {  	_ =	swait.ge [sflag:s4], $0x2800  }
0x8d: {  	[sflag:s4] =	ssyncset.done $0x0  }
0x8e: {  	[sflag:s4] =	ssyncadd.s32 $0xFFFFD800  }
0x8f: {  	[tilespmem:s9], [sflag:$0x1] =	stream.indirect.gather [hbm4b:s3+s11], $0x80, s18, s11, $0xb8;
	[tilespmem:$0x5680] =	vst v63  }
0x90: {  	_ =	swait.ge [sflag:s8], $0x2800  }
0x91: {  	[sflag:s8] =	ssyncset.done $0x0  }
0x92: {  	s0 =	rddreg [dreg:$0x12];
	[sflag:s8] =	ssyncadd.s32 $0xFFFFD800  }
0x93: {  	[hbm4b:s0+s2] =	stream.linear.scatter [tilespmem:s6], [sflag:$0x3], $0x2800, $0x38;
	[tilespmem:$0x5680] =	vst v63  }
0x94: {  	_ =	swait.ge [sflag:s4], $0x2800  }
0x95: {  	[sflag:s4] =	ssyncset.done $0x0  }
0x96: {  	[sflag:s4] =	ssyncadd.s32 $0xFFFFD800  }
0x97: {  	[tilespmem:s6], [sflag:$0x2] =	stream.indirect.gather [hbm4b:s3+s11], $0x80, s17, s11, $0xb8;
	[tilespmem:$0x5680] =	vst v63  }
0x98: {  	_ =	swait.ge [sflag:s12], $0x2800  }
0x99: {  	[sflag:s12] =	ssyncset.done $0x0  }
0x9a: {  	s0 =	rddreg [dreg:$0x13];
	[sflag:s12] =	ssyncadd.s32 $0xFFFFD800  }
0x9b: {  	[hbm4b:s0+s2] =	stream.linear.scatter [tilespmem:s9], [sflag:$0x3], $0x2800, $0x38;
	[tilespmem:$0x5680] =	vst v63  }
0x9c: {  	_ =	swait.ge [sflag:s4], $0x2800  }
0x9d: {  	[sflag:s4] =	ssyncset.done $0x0  }
0x9e: {  	[sflag:s4] =	ssyncadd.s32 $0xFFFFD800  }
0x9f: {  	[tilespmem:s9], [sflag:$0x1] =	stream.indirect.gather [hbm4b:s3+s11], $0x80, s16, s11, $0xb8;
	[tilespmem:$0x5680] =	vst v63  }
0xa0: {  	_ =	swait.ge [sflag:s8], $0x2800  }
0xa1: {  	[sflag:s8] =	ssyncset.done $0x0  }
0xa2: {  	s0 =	rddreg [dreg:$0x14];
	[sflag:s8] =	ssyncadd.s32 $0xFFFFD800  }
0xa3: {  	[hbm4b:s0+s2] =	stream.linear.scatter [tilespmem:s6], [sflag:$0x3], $0x2800, $0x38;
	[tilespmem:$0x5680] =	vst v63  }
0xa4: {  	_ =	swait.ge [sflag:s4], $0x2800  }
0xa5: {  	[sflag:s4] =	ssyncset.done $0x0  }
0xa6: {  	[sflag:s4] =	ssyncadd.s32 $0xFFFFD800  }
0xa7: {  	[tilespmem:s6], [sflag:$0x2] =	stream.indirect.gather [hbm4b:s3+s11], $0x80, s15, s11, $0xb8;
	[tilespmem:$0x5680] =	vst v63  }
0xa8: {  	_ =	swait.ge [sflag:s12], $0x2800  }
0xa9: {  	[sflag:s12] =	ssyncset.done $0x0  }
0xaa: {  	s0 =	rddreg [dreg:$0x15];
	[sflag:s12] =	ssyncadd.s32 $0xFFFFD800  }
0xab: {  	[hbm4b:s0+s2] =	stream.linear.scatter [tilespmem:s9], [sflag:$0x3], $0x2800, $0x38;
	[tilespmem:$0x5680] =	vst v63  }
0xac: {  	_ =	swait.ge [sflag:s4], $0x2800  }
0xad: {  	[sflag:s4] =	ssyncset.done $0x0  }
0xae: {  	[sflag:s4] =	ssyncadd.s32 $0xFFFFD800  }
0xaf: {  	[tilespmem:s9], [sflag:$0x1] =	stream.indirect.gather [hbm4b:s3+s11], $0x80, s14, s11, $0xb8;
	[tilespmem:$0x5680] =	vst v63  }
0xb0: {  	_ =	swait.ge [sflag:s8], $0x2800  }
0xb1: {  	[sflag:s8] =	ssyncset.done $0x0  }
0xb2: {  	[sflag:s8] =	ssyncadd.s32 $0xFFFFD800  }
0xb3: {  	[hbm4b:s10+s2] =	stream.linear.scatter [tilespmem:s6], [sflag:$0x3], $0x2800, $0x38;
	[tilespmem:$0x5680] =	vst v63  }
0xb4: {  	_ =	swait.ge [sflag:s4], $0x2800  }
0xb5: {  	[sflag:s4] =	ssyncset.done $0x0  }
0xb6: {  	[sflag:s4] =	ssyncadd.s32 $0xFFFFD800  }
0xb7: {  	[tilespmem:s6], [sflag:$0x2] =	stream.indirect.gather [hbm4b:s3+s11], $0x80, s13, s11, $0xb8;
	[tilespmem:$0x5680] =	vst v63  }
0xb8: {  	_ =	swait.ge [sflag:s12], $0x2800  }
0xb9: {  	[sflag:s12] =	ssyncset.done $0x0  }
0xba: {  	[sflag:s12] =	ssyncadd.s32 $0xFFFFD800  }
0xbb: {  	[hbm4b:s7+s2] =	stream.linear.scatter [tilespmem:s9], [sflag:$0x3], $0x2800, $0x38;
	[tilespmem:$0x5680] =	vst v63  }
0xbc: {  	_ =	swait.ge [sflag:s4], $0x2800  }
0xbd: {  	[sflag:s4] =	ssyncset.done $0x0  }
0xbe: {  	[sflag:s4] =	ssyncadd.s32 $0xFFFFD800  }
0xbf: {  	p1 =	sne.s32 s1, $0x1;
	_ =	swait.ge [sflag:s8], $0x2800  }
.Ltmp1:
0xc0: {  	[sflag:s8] =	ssyncset.done $0x0;
	(pc) =	sbr.rel @!p1 .LBB2_3-.Ltmp1, $4  }
0xc1: {  	[sflag:s8] =	ssyncadd.s32 $0xFFFFD800  }
0xc2: {  	[hbm4b:s5+s2] =	stream.linear.scatter [tilespmem:s6], [sflag:$0x3], $0x2800, $0x38;
	[tilespmem:$0x5680] =	vst v63  }
0xc3: {  	s1 =	sadd.s32 $0xFFFFFFFF, s1;
	_ =	swait.ge [sflag:s4], $0x2800  }
0xc4: {  	p0 =	por $0x1, $0x1;
	s0 =	rddreg [dreg:$0x4];
	[sflag:s4] =	ssyncset.done $0x0  }
.LBB2_2:
0xc5: {  	[sflag:s4] =	ssyncadd.s32 $0xFFFFD800  }
0xc6: {  	[tilespmem:s2], [sflag:$0x3] =	stream.linear.gather [hbm4b:s0+s2], $0x640, $0x38;
	[tilespmem:$0x5680] =	vst v63  }
0xc7: {  	_ =	swait.ge [sflag:s4], $0x640  }
0xc8: {  	[sflag:s4] =	ssyncset.done $0x0  }
0xc9: {  	[sflag:s4] =	ssyncadd.s32 $0xFFFFF9C0  }
0xca: {  	[tilespmem:s9], [sflag:$0x1] =	stream.indirect.gather [hbm4b:s3+s11], $0x80, s2, s11, $0xb8;
	[tilespmem:$0x5680] =	vst v63  }
0xcb: {  	_ = 	snop  }
0xcc: {  	[tilespmem:s6], [sflag:$0x2] =	stream.indirect.gather [hbm4b:s3+s11], $0x80, s11, s11, $0xb8;
	[tilespmem:$0x5680] =	vst v63  }
0xcd: {  	_ =	swait.ge [sflag:s12], $0x2800  }
0xce: {  	[sflag:s12] =	ssyncset.done $0x0  }
0xcf: {  	s0 =	rddreg [dreg:$0x5];
	[sflag:s12] =	ssyncadd.s32 $0xFFFFD800  }
0xd0: {  	[hbm4b:s0+s2] =	stream.linear.scatter [tilespmem:s9], [sflag:$0x3], $0x2800, $0x38;
	[tilespmem:$0x5680] =	vst v63  }
0xd1: {  	_ =	swait.ge [sflag:s4], $0x2800  }
0xd2: {  	[sflag:s4] =	ssyncset.done $0x0  }
0xd3: {  	[sflag:s4] =	ssyncadd.s32 $0xFFFFD800  }
0xd4: {  	[tilespmem:s9], [sflag:$0x1] =	stream.indirect.gather [hbm4b:s3+s11], $0x80, s31, s11, $0xb8;
	[tilespmem:$0x5680] =	vst v63  }
0xd5: {  	_ =	swait.ge [sflag:s8], $0x2800  }
0xd6: {  	[sflag:s8] =	ssyncset.done $0x0  }
0xd7: {  	s0 =	rddreg [dreg:$0x6];
	[sflag:s8] =	ssyncadd.s32 $0xFFFFD800  }
0xd8: {  	[hbm4b:s0+s2] =	stream.linear.scatter [tilespmem:s6], [sflag:$0x3], $0x2800, $0x38;
	[tilespmem:$0x5680] =	vst v63  }
0xd9: {  	_ =	swait.ge [sflag:s4], $0x2800  }
0xda: {  	[sflag:s4] =	ssyncset.done $0x0  }
0xdb: {  	[sflag:s4] =	ssyncadd.s32 $0xFFFFD800  }
0xdc: {  	[tilespmem:s6], [sflag:$0x2] =	stream.indirect.gather [hbm4b:s3+s11], $0x80, s30, s11, $0xb8;
	[tilespmem:$0x5680] =	vst v63  }
0xdd: {  	_ =	swait.ge [sflag:s12], $0x2800  }
0xde: {  	[sflag:s12] =	ssyncset.done $0x0  }
0xdf: {  	s0 =	rddreg [dreg:$0x7];
	[sflag:s12] =	ssyncadd.s32 $0xFFFFD800  }
0xe0: {  	[hbm4b:s0+s2] =	stream.linear.scatter [tilespmem:s9], [sflag:$0x3], $0x2800, $0x38;
	[tilespmem:$0x5680] =	vst v63  }
0xe1: {  	_ =	swait.ge [sflag:s4], $0x2800  }
0xe2: {  	[sflag:s4] =	ssyncset.done $0x0  }
0xe3: {  	[sflag:s4] =	ssyncadd.s32 $0xFFFFD800  }
0xe4: {  	[tilespmem:s9], [sflag:$0x1] =	stream.indirect.gather [hbm4b:s3+s11], $0x80, s29, s11, $0xb8;
	[tilespmem:$0x5680] =	vst v63  }
0xe5: {  	_ =	swait.ge [sflag:s8], $0x2800  }
0xe6: {  	[sflag:s8] =	ssyncset.done $0x0  }
0xe7: {  	s0 =	rddreg [dreg:$0x8];
	[sflag:s8] =	ssyncadd.s32 $0xFFFFD800  }
0xe8: {  	[hbm4b:s0+s2] =	stream.linear.scatter [tilespmem:s6], [sflag:$0x3], $0x2800, $0x38;
	[tilespmem:$0x5680] =	vst v63  }
0xe9: {  	_ =	swait.ge [sflag:s4], $0x2800  }
0xea: {  	[sflag:s4] =	ssyncset.done $0x0  }
0xeb: {  	[sflag:s4] =	ssyncadd.s32 $0xFFFFD800  }
0xec: {  	[tilespmem:s6], [sflag:$0x2] =	stream.indirect.gather [hbm4b:s3+s11], $0x80, s28, s11, $0xb8;
	[tilespmem:$0x5680] =	vst v63  }
0xed: {  	_ =	swait.ge [sflag:s12], $0x2800  }
0xee: {  	[sflag:s12] =	ssyncset.done $0x0  }
0xef: {  	s0 =	rddreg [dreg:$0x9];
	[sflag:s12] =	ssyncadd.s32 $0xFFFFD800  }
0xf0: {  	[hbm4b:s0+s2] =	stream.linear.scatter [tilespmem:s9], [sflag:$0x3], $0x2800, $0x38;
	[tilespmem:$0x5680] =	vst v63  }
0xf1: {  	_ =	swait.ge [sflag:s4], $0x2800  }
0xf2: {  	[sflag:s4] =	ssyncset.done $0x0  }
0xf3: {  	[sflag:s4] =	ssyncadd.s32 $0xFFFFD800  }
0xf4: {  	[tilespmem:s9], [sflag:$0x1] =	stream.indirect.gather [hbm4b:s3+s11], $0x80, s26, s11, $0xb8;
	[tilespmem:$0x5680] =	vst v63  }
0xf5: {  	_ =	swait.ge [sflag:s8], $0x2800  }
0xf6: {  	[sflag:s8] =	ssyncset.done $0x0  }
0xf7: {  	s0 =	rddreg [dreg:$0xa];
	[sflag:s8] =	ssyncadd.s32 $0xFFFFD800  }
0xf8: {  	[hbm4b:s0+s2] =	stream.linear.scatter [tilespmem:s6], [sflag:$0x3], $0x2800, $0x38;
	[tilespmem:$0x5680] =	vst v63  }
0xf9: {  	_ =	swait.ge [sflag:s4], $0x2800  }
0xfa: {  	[sflag:s4] =	ssyncset.done $0x0  }
0xfb: {  	[sflag:s4] =	ssyncadd.s32 $0xFFFFD800  }
0xfc: {  	[tilespmem:s6], [sflag:$0x2] =	stream.indirect.gather [hbm4b:s3+s11], $0x80, s25, s11, $0xb8;
	[tilespmem:$0x5680] =	vst v63  }
0xfd: {  	_ =	swait.ge [sflag:s12], $0x2800  }
0xfe: {  	[sflag:s12] =	ssyncset.done $0x0  }
0xff: {  	s0 =	rddreg [dreg:$0xb];
	[sflag:s12] =	ssyncadd.s32 $0xFFFFD800  }
0x100: {  	[hbm4b:s0+s2] =	stream.linear.scatter [tilespmem:s9], [sflag:$0x3], $0x2800, $0x38;
	[tilespmem:$0x5680] =	vst v63  }
0x101: {  	_ =	swait.ge [sflag:s4], $0x2800  }
0x102: {  	[sflag:s4] =	ssyncset.done $0x0  }
0x103: {  	[sflag:s4] =	ssyncadd.s32 $0xFFFFD800  }
0x104: {  	[tilespmem:s9], [sflag:$0x1] =	stream.indirect.gather [hbm4b:s3+s11], $0x80, s24, s11, $0xb8;
	[tilespmem:$0x5680] =	vst v63  }
0x105: {  	_ =	swait.ge [sflag:s8], $0x2800  }
0x106: {  	[sflag:s8] =	ssyncset.done $0x0  }
0x107: {  	s0 =	rddreg [dreg:$0xc];
	[sflag:s8] =	ssyncadd.s32 $0xFFFFD800  }
0x108: {  	[hbm4b:s0+s2] =	stream.linear.scatter [tilespmem:s6], [sflag:$0x3], $0x2800, $0x38;
	[tilespmem:$0x5680] =	vst v63  }
0x109: {  	_ =	swait.ge [sflag:s4], $0x2800  }
0x10a: {  	[sflag:s4] =	ssyncset.done $0x0  }
0x10b: {  	[sflag:s4] =	ssyncadd.s32 $0xFFFFD800  }
0x10c: {  	[tilespmem:s6], [sflag:$0x2] =	stream.indirect.gather [hbm4b:s3+s11], $0x80, s23, s11, $0xb8;
	[tilespmem:$0x5680] =	vst v63  }
0x10d: {  	_ =	swait.ge [sflag:s12], $0x2800  }
0x10e: {  	[sflag:s12] =	ssyncset.done $0x0  }
0x10f: {  	s0 =	rddreg [dreg:$0xd];
	[sflag:s12] =	ssyncadd.s32 $0xFFFFD800  }
0x110: {  	[hbm4b:s0+s2] =	stream.linear.scatter [tilespmem:s9], [sflag:$0x3], $0x2800, $0x38;
	[tilespmem:$0x5680] =	vst v63  }
0x111: {  	_ =	swait.ge [sflag:s4], $0x2800  }
0x112: {  	[sflag:s4] =	ssyncset.done $0x0  }
0x113: {  	[sflag:s4] =	ssyncadd.s32 $0xFFFFD800  }
0x114: {  	[tilespmem:s9], [sflag:$0x1] =	stream.indirect.gather [hbm4b:s3+s11], $0x80, s22, s11, $0xb8;
	[tilespmem:$0x5680] =	vst v63  }
0x115: {  	_ =	swait.ge [sflag:s8], $0x2800  }
0x116: {  	[sflag:s8] =	ssyncset.done $0x0  }
0x117: {  	s0 =	rddreg [dreg:$0xe];
	[sflag:s8] =	ssyncadd.s32 $0xFFFFD800  }
0x118: {  	[hbm4b:s0+s2] =	stream.linear.scatter [tilespmem:s6], [sflag:$0x3], $0x2800, $0x38;
	[tilespmem:$0x5680] =	vst v63  }
0x119: {  	_ =	swait.ge [sflag:s4], $0x2800  }
0x11a: {  	[sflag:s4] =	ssyncset.done $0x0  }
0x11b: {  	[sflag:s4] =	ssyncadd.s32 $0xFFFFD800  }
0x11c: {  	[tilespmem:s6], [sflag:$0x2] =	stream.indirect.gather [hbm4b:s3+s11], $0x80, s21, s11, $0xb8;
	[tilespmem:$0x5680] =	vst v63  }
0x11d: {  	_ =	swait.ge [sflag:s12], $0x2800  }
0x11e: {  	[sflag:s12] =	ssyncset.done $0x0  }
0x11f: {  	s0 =	rddreg [dreg:$0xf];
	[sflag:s12] =	ssyncadd.s32 $0xFFFFD800  }
0x120: {  	[hbm4b:s0+s2] =	stream.linear.scatter [tilespmem:s9], [sflag:$0x3], $0x2800, $0x38;
	[tilespmem:$0x5680] =	vst v63  }
0x121: {  	_ =	swait.ge [sflag:s4], $0x2800  }
0x122: {  	[sflag:s4] =	ssyncset.done $0x0  }
0x123: {  	[sflag:s4] =	ssyncadd.s32 $0xFFFFD800  }
0x124: {  	[tilespmem:s9], [sflag:$0x1] =	stream.indirect.gather [hbm4b:s3+s11], $0x80, s20, s11, $0xb8;
	[tilespmem:$0x5680] =	vst v63  }
0x125: {  	_ =	swait.ge [sflag:s8], $0x2800  }
0x126: {  	[sflag:s8] =	ssyncset.done $0x0  }
0x127: {  	s0 =	rddreg [dreg:$0x10];
	[sflag:s8] =	ssyncadd.s32 $0xFFFFD800  }
0x128: {  	[hbm4b:s0+s2] =	stream.linear.scatter [tilespmem:s6], [sflag:$0x3], $0x2800, $0x38;
	[tilespmem:$0x5680] =	vst v63  }
0x129: {  	_ =	swait.ge [sflag:s4], $0x2800  }
0x12a: {  	[sflag:s4] =	ssyncset.done $0x0  }
0x12b: {  	[sflag:s4] =	ssyncadd.s32 $0xFFFFD800  }
0x12c: {  	[tilespmem:s6], [sflag:$0x2] =	stream.indirect.gather [hbm4b:s3+s11], $0x80, s19, s11, $0xb8;
	[tilespmem:$0x5680] =	vst v63  }
0x12d: {  	_ =	swait.ge [sflag:s12], $0x2800  }
0x12e: {  	[sflag:s12] =	ssyncset.done $0x0  }
0x12f: {  	s0 =	rddreg [dreg:$0x11];
	[sflag:s12] =	ssyncadd.s32 $0xFFFFD800  }
0x130: {  	[hbm4b:s0+s2] =	stream.linear.scatter [tilespmem:s9], [sflag:$0x3], $0x2800, $0x38;
	[tilespmem:$0x5680] =	vst v63  }
0x131: {  	_ =	swait.ge [sflag:s4], $0x2800  }
0x132: {  	[sflag:s4] =	ssyncset.done $0x0  }
0x133: {  	[sflag:s4] =	ssyncadd.s32 $0xFFFFD800  }
0x134: {  	[tilespmem:s9], [sflag:$0x1] =	stream.indirect.gather [hbm4b:s3+s11], $0x80, s18, s11, $0xb8;
	[tilespmem:$0x5680] =	vst v63  }
0x135: {  	_ =	swait.ge [sflag:s8], $0x2800  }
0x136: {  	[sflag:s8] =	ssyncset.done $0x0  }
0x137: {  	s0 =	rddreg [dreg:$0x12];
	[sflag:s8] =	ssyncadd.s32 $0xFFFFD800  }
0x138: {  	[hbm4b:s0+s2] =	stream.linear.scatter [tilespmem:s6], [sflag:$0x3], $0x2800, $0x38;
	[tilespmem:$0x5680] =	vst v63  }
0x139: {  	_ =	swait.ge [sflag:s4], $0x2800  }
0x13a: {  	[sflag:s4] =	ssyncset.done $0x0  }
0x13b: {  	[sflag:s4] =	ssyncadd.s32 $0xFFFFD800  }
0x13c: {  	[tilespmem:s6], [sflag:$0x2] =	stream.indirect.gather [hbm4b:s3+s11], $0x80, s17, s11, $0xb8;
	[tilespmem:$0x5680] =	vst v63  }
0x13d: {  	_ =	swait.ge [sflag:s12], $0x2800  }
0x13e: {  	[sflag:s12] =	ssyncset.done $0x0  }
0x13f: {  	s0 =	rddreg [dreg:$0x13];
	[sflag:s12] =	ssyncadd.s32 $0xFFFFD800  }
0x140: {  	[hbm4b:s0+s2] =	stream.linear.scatter [tilespmem:s9], [sflag:$0x3], $0x2800, $0x38;
	[tilespmem:$0x5680] =	vst v63  }
0x141: {  	_ =	swait.ge [sflag:s4], $0x2800  }
0x142: {  	[sflag:s4] =	ssyncset.done $0x0  }
0x143: {  	[sflag:s4] =	ssyncadd.s32 $0xFFFFD800  }
0x144: {  	[tilespmem:s9], [sflag:$0x1] =	stream.indirect.gather [hbm4b:s3+s11], $0x80, s16, s11, $0xb8;
	[tilespmem:$0x5680] =	vst v63  }
0x145: {  	_ =	swait.ge [sflag:s8], $0x2800  }
0x146: {  	[sflag:s8] =	ssyncset.done $0x0  }
0x147: {  	s0 =	rddreg [dreg:$0x14];
	[sflag:s8] =	ssyncadd.s32 $0xFFFFD800  }
0x148: {  	[hbm4b:s0+s2] =	stream.linear.scatter [tilespmem:s6], [sflag:$0x3], $0x2800, $0x38;
	[tilespmem:$0x5680] =	vst v63  }
0x149: {  	_ =	swait.ge [sflag:s4], $0x2800  }
0x14a: {  	[sflag:s4] =	ssyncset.done $0x0  }
0x14b: {  	[sflag:s4] =	ssyncadd.s32 $0xFFFFD800  }
0x14c: {  	[tilespmem:s6], [sflag:$0x2] =	stream.indirect.gather [hbm4b:s3+s11], $0x80, s15, s11, $0xb8;
	[tilespmem:$0x5680] =	vst v63  }
0x14d: {  	_ =	swait.ge [sflag:s12], $0x2800  }
0x14e: {  	[sflag:s12] =	ssyncset.done $0x0  }
0x14f: {  	s0 =	rddreg [dreg:$0x15];
	[sflag:s12] =	ssyncadd.s32 $0xFFFFD800  }
0x150: {  	[hbm4b:s0+s2] =	stream.linear.scatter [tilespmem:s9], [sflag:$0x3], $0x2800, $0x38;
	[tilespmem:$0x5680] =	vst v63  }
0x151: {  	_ =	swait.ge [sflag:s4], $0x2800  }
0x152: {  	[sflag:s4] =	ssyncset.done $0x0  }
0x153: {  	[sflag:s4] =	ssyncadd.s32 $0xFFFFD800  }
0x154: {  	[tilespmem:s9], [sflag:$0x1] =	stream.indirect.gather [hbm4b:s3+s11], $0x80, s14, s11, $0xb8;
	[tilespmem:$0x5680] =	vst v63  }
0x155: {  	_ =	swait.ge [sflag:s8], $0x2800  }
0x156: {  	[sflag:s8] =	ssyncset.done $0x0  }
0x157: {  	[sflag:s8] =	ssyncadd.s32 $0xFFFFD800  }
0x158: {  	[hbm4b:s10+s2] =	stream.linear.scatter [tilespmem:s6], [sflag:$0x3], $0x2800, $0x38;
	[tilespmem:$0x5680] =	vst v63  }
0x159: {  	_ =	swait.ge [sflag:s4], $0x2800  }
0x15a: {  	[sflag:s4] =	ssyncset.done $0x0  }
0x15b: {  	[sflag:s4] =	ssyncadd.s32 $0xFFFFD800  }
0x15c: {  	[tilespmem:s6], [sflag:$0x2] =	stream.indirect.gather [hbm4b:s3+s11], $0x80, s13, s11, $0xb8;
	[tilespmem:$0x5680] =	vst v63  }
0x15d: {  	_ =	swait.ge [sflag:s12], $0x2800  }
0x15e: {  	[sflag:s12] =	ssyncset.done $0x0  }
0x15f: {  	[sflag:s12] =	ssyncadd.s32 $0xFFFFD800  }
0x160: {  	[hbm4b:s7+s2] =	stream.linear.scatter [tilespmem:s9], [sflag:$0x3], $0x2800, $0x38;
	[tilespmem:$0x5680] =	vst v63  }
0x161: {  	_ =	swait.ge [sflag:s4], $0x2800  }
0x162: {  	[sflag:s4] =	ssyncset.done $0x0  }
0x163: {  	[sflag:s4] =	ssyncadd.s32 $0xFFFFD800  }
0x164: {  	p1 =	sne.s32 s1, $0x1;
	_ =	swait.ge [sflag:s8], $0x2800  }
.Ltmp2:
0x165: {  	[sflag:s8] =	ssyncset.done $0x0;
	(pc) =	sbr.rel @p1 .LBB2_2-.Ltmp2, $4  }
0x166: {  	[sflag:s8] =	ssyncadd.s32 $0xFFFFD800  }
0x167: {  	[hbm4b:s5+s2] =	stream.linear.scatter [tilespmem:s6], [sflag:$0x3], $0x2800, $0x38;
	[tilespmem:$0x5680] =	vst v63  }
0x168: {  	_ =	swait.ge [sflag:s4], $0x2800  }
0x169: {  	s1 =	sadd.s32 $0xFFFFFFFF, s1;
	s0 =	rddreg [dreg:$0x4];
	[sflag:s4] =	ssyncset.done $0x0  }
.LBB2_3:
0x16a: {  	[sflag:s4] =	ssyncadd.s32 @p0 $0xFFFFD800  }
0x16b: {  	[tilespmem:s2], [sflag:$0x3] =	stream.linear.gather [hbm4b:s0+s2], $0x640, $0x38;
	[tilespmem:$0x5680] =	vst v63  }
0x16c: {  	_ =	swait.ge [sflag:s4], $0x640  }
0x16d: {  	[sflag:s4] =	ssyncset.done $0x0  }
0x16e: {  	[sflag:s4] =	ssyncadd.s32 $0xFFFFF9C0  }
0x16f: {  	[tilespmem:s9], [sflag:$0x1] =	stream.indirect.gather [hbm4b:s3+s11], $0x80, s2, s11, $0xb8;
	[tilespmem:$0x5680] =	vst v63  }
0x170: {  	_ = 	snop  }
0x171: {  	[tilespmem:s6], [sflag:$0x2] =	stream.indirect.gather [hbm4b:s3+s11], $0x80, s11, s11, $0xb8;
	[tilespmem:$0x5680] =	vst v63  }
0x172: {  	_ =	swait.ge [sflag:s12], $0x2800  }
0x173: {  	[sflag:s12] =	ssyncset.done $0x0  }
0x174: {  	s1 =	rddreg [dreg:$0x5];
	[sflag:s12] =	ssyncadd.s32 $0xFFFFD800  }
0x175: {  	[hbm4b:s1+s2] =	stream.linear.scatter [tilespmem:s9], [sflag:$0x3], $0x2800, $0x38;
	[tilespmem:$0x5680] =	vst v63  }
0x176: {  	_ =	swait.ge [sflag:s4], $0x2800  }
0x177: {  	[sflag:s4] =	ssyncset.done $0x0  }
0x178: {  	[sflag:s4] =	ssyncadd.s32 $0xFFFFD800  }
0x179: {  	[tilespmem:s9], [sflag:$0x1] =	stream.indirect.gather [hbm4b:s3+s11], $0x80, s31, s11, $0xb8;
	[tilespmem:$0x5680] =	vst v63  }
0x17a: {  	_ =	swait.ge [sflag:s8], $0x2800  }
0x17b: {  	[sflag:s8] =	ssyncset.done $0x0  }
0x17c: {  	s1 =	rddreg [dreg:$0x6];
	[sflag:s8] =	ssyncadd.s32 $0xFFFFD800  }
0x17d: {  	[hbm4b:s1+s2] =	stream.linear.scatter [tilespmem:s6], [sflag:$0x3], $0x2800, $0x38;
	[tilespmem:$0x5680] =	vst v63  }
0x17e: {  	_ =	swait.ge [sflag:s4], $0x2800  }
0x17f: {  	[sflag:s4] =	ssyncset.done $0x0  }
0x180: {  	[sflag:s4] =	ssyncadd.s32 $0xFFFFD800  }
0x181: {  	[tilespmem:s6], [sflag:$0x2] =	stream.indirect.gather [hbm4b:s3+s11], $0x80, s30, s11, $0xb8;
	[tilespmem:$0x5680] =	vst v63  }
0x182: {  	_ =	swait.ge [sflag:s12], $0x2800  }
0x183: {  	[sflag:s12] =	ssyncset.done $0x0  }
0x184: {  	s31 =	rddreg [dreg:$0x7];
	[sflag:s12] =	ssyncadd.s32 $0xFFFFD800  }
0x185: {  	[hbm4b:s31+s2] =	stream.linear.scatter [tilespmem:s9], [sflag:$0x3], $0x2800, $0x38;
	[tilespmem:$0x5680] =	vst v63  }
0x186: {  	_ =	swait.ge [sflag:s4], $0x2800  }
0x187: {  	[sflag:s4] =	ssyncset.done $0x0  }
0x188: {  	[sflag:s4] =	ssyncadd.s32 $0xFFFFD800  }
0x189: {  	[tilespmem:s9], [sflag:$0x1] =	stream.indirect.gather [hbm4b:s3+s11], $0x80, s29, s11, $0xb8;
	[tilespmem:$0x5680] =	vst v63  }
0x18a: {  	_ =	swait.ge [sflag:s8], $0x2800  }
0x18b: {  	[sflag:s8] =	ssyncset.done $0x0  }
0x18c: {  	s1 =	rddreg [dreg:$0x8];
	[sflag:s8] =	ssyncadd.s32 $0xFFFFD800  }
0x18d: {  	[hbm4b:s1+s2] =	stream.linear.scatter [tilespmem:s6], [sflag:$0x3], $0x2800, $0x38;
	[tilespmem:$0x5680] =	vst v63  }
0x18e: {  	_ =	swait.ge [sflag:s4], $0x2800  }
0x18f: {  	[sflag:s4] =	ssyncset.done $0x0  }
0x190: {  	[sflag:s4] =	ssyncadd.s32 $0xFFFFD800  }
0x191: {  	[tilespmem:s6], [sflag:$0x2] =	stream.indirect.gather [hbm4b:s3+s11], $0x80, s28, s11, $0xb8;
	[tilespmem:$0x5680] =	vst v63  }
0x192: {  	_ =	swait.ge [sflag:s12], $0x2800  }
0x193: {  	[sflag:s12] =	ssyncset.done $0x0  }
0x194: {  	s28 =	rddreg [dreg:$0x9];
	[sflag:s12] =	ssyncadd.s32 $0xFFFFD800  }
0x195: {  	[hbm4b:s28+s2] =	stream.linear.scatter [tilespmem:s9], [sflag:$0x3], $0x2800, $0x38;
	[tilespmem:$0x5680] =	vst v63  }
0x196: {  	_ =	swait.ge [sflag:s4], $0x2800  }
0x197: {  	[sflag:s4] =	ssyncset.done $0x0  }
0x198: {  	[sflag:s4] =	ssyncadd.s32 $0xFFFFD800  }
0x199: {  	[tilespmem:s9], [sflag:$0x1] =	stream.indirect.gather [hbm4b:s3+s11], $0x80, s26, s11, $0xb8;
	[tilespmem:$0x5680] =	vst v63  }
0x19a: {  	_ =	swait.ge [sflag:s8], $0x2800  }
0x19b: {  	[sflag:s8] =	ssyncset.done $0x0  }
0x19c: {  	s29 =	rddreg [dreg:$0xa];
	[sflag:s8] =	ssyncadd.s32 $0xFFFFD800  }
0x19d: {  	[hbm4b:s29+s2] =	stream.linear.scatter [tilespmem:s6], [sflag:$0x3], $0x2800, $0x38;
	[tilespmem:$0x5680] =	vst v63  }
0x19e: {  	_ =	swait.ge [sflag:s4], $0x2800  }
0x19f: {  	[sflag:s4] =	ssyncset.done $0x0  }
0x1a0: {  	[sflag:s4] =	ssyncadd.s32 $0xFFFFD800  }
0x1a1: {  	[tilespmem:s6], [sflag:$0x2] =	stream.indirect.gather [hbm4b:s3+s11], $0x80, s25, s11, $0xb8;
	[tilespmem:$0x5680] =	vst v63  }
0x1a2: {  	_ =	swait.ge [sflag:s12], $0x2800  }
0x1a3: {  	[sflag:s12] =	ssyncset.done $0x0  }
0x1a4: {  	s30 =	rddreg [dreg:$0xb];
	[sflag:s12] =	ssyncadd.s32 $0xFFFFD800  }
0x1a5: {  	[hbm4b:s30+s2] =	stream.linear.scatter [tilespmem:s9], [sflag:$0x3], $0x2800, $0x38;
	[tilespmem:$0x5680] =	vst v63  }
0x1a6: {  	_ =	swait.ge [sflag:s4], $0x2800  }
0x1a7: {  	[sflag:s4] =	ssyncset.done $0x0  }
0x1a8: {  	[sflag:s4] =	ssyncadd.s32 $0xFFFFD800  }
0x1a9: {  	[tilespmem:s9], [sflag:$0x1] =	stream.indirect.gather [hbm4b:s3+s11], $0x80, s24, s11, $0xb8;
	[tilespmem:$0x5680] =	vst v63  }
0x1aa: {  	_ =	swait.ge [sflag:s8], $0x2800  }
0x1ab: {  	[sflag:s8] =	ssyncset.done $0x0  }
0x1ac: {  	s31 =	rddreg [dreg:$0xc];
	[sflag:s8] =	ssyncadd.s32 $0xFFFFD800  }
0x1ad: {  	[hbm4b:s31+s2] =	stream.linear.scatter [tilespmem:s6], [sflag:$0x3], $0x2800, $0x38;
	[tilespmem:$0x5680] =	vst v63  }
0x1ae: {  	_ =	swait.ge [sflag:s4], $0x2800  }
0x1af: {  	[sflag:s4] =	ssyncset.done $0x0  }
0x1b0: {  	[sflag:s4] =	ssyncadd.s32 $0xFFFFD800  }
0x1b1: {  	[tilespmem:s6], [sflag:$0x2] =	stream.indirect.gather [hbm4b:s3+s11], $0x80, s23, s11, $0xb8;
	[tilespmem:$0x5680] =	vst v63  }
0x1b2: {  	_ =	swait.ge [sflag:s12], $0x2800  }
0x1b3: {  	[sflag:s12] =	ssyncset.done $0x0  }
0x1b4: {  	s1 =	rddreg [dreg:$0xd];
	[sflag:s12] =	ssyncadd.s32 $0xFFFFD800  }
0x1b5: {  	[hbm4b:s1+s2] =	stream.linear.scatter [tilespmem:s9], [sflag:$0x3], $0x2800, $0x38;
	[tilespmem:$0x5680] =	vst v63  }
0x1b6: {  	_ =	swait.ge [sflag:s4], $0x2800  }
0x1b7: {  	[sflag:s4] =	ssyncset.done $0x0  }
0x1b8: {  	[sflag:s4] =	ssyncadd.s32 $0xFFFFD800  }
0x1b9: {  	[tilespmem:s9], [sflag:$0x1] =	stream.indirect.gather [hbm4b:s3+s11], $0x80, s22, s11, $0xb8;
	[tilespmem:$0x5680] =	vst v63  }
0x1ba: {  	_ =	swait.ge [sflag:s8], $0x2800  }
0x1bb: {  	[sflag:s8] =	ssyncset.done $0x0  }
0x1bc: {  	s22 =	rddreg [dreg:$0xe];
	[sflag:s8] =	ssyncadd.s32 $0xFFFFD800  }
0x1bd: {  	[hbm4b:s22+s2] =	stream.linear.scatter [tilespmem:s6], [sflag:$0x3], $0x2800, $0x38;
	[tilespmem:$0x5680] =	vst v63  }
0x1be: {  	_ =	swait.ge [sflag:s4], $0x2800  }
0x1bf: {  	[sflag:s4] =	ssyncset.done $0x0  }
0x1c0: {  	[sflag:s4] =	ssyncadd.s32 $0xFFFFD800  }
0x1c1: {  	[tilespmem:s6], [sflag:$0x2] =	stream.indirect.gather [hbm4b:s3+s11], $0x80, s21, s11, $0xb8;
	[tilespmem:$0x5680] =	vst v63  }
0x1c2: {  	_ =	swait.ge [sflag:s12], $0x2800  }
0x1c3: {  	[sflag:s12] =	ssyncset.done $0x0  }
0x1c4: {  	s23 =	rddreg [dreg:$0xf];
	[sflag:s12] =	ssyncadd.s32 $0xFFFFD800  }
0x1c5: {  	[hbm4b:s23+s2] =	stream.linear.scatter [tilespmem:s9], [sflag:$0x3], $0x2800, $0x38;
	[tilespmem:$0x5680] =	vst v63  }
0x1c6: {  	_ =	swait.ge [sflag:s4], $0x2800  }
0x1c7: {  	[sflag:s4] =	ssyncset.done $0x0  }
0x1c8: {  	[sflag:s4] =	ssyncadd.s32 $0xFFFFD800  }
0x1c9: {  	[tilespmem:s9], [sflag:$0x1] =	stream.indirect.gather [hbm4b:s3+s11], $0x80, s20, s11, $0xb8;
	[tilespmem:$0x5680] =	vst v63  }
0x1ca: {  	_ =	swait.ge [sflag:s8], $0x2800  }
0x1cb: {  	[sflag:s8] =	ssyncset.done $0x0  }
0x1cc: {  	s24 =	rddreg [dreg:$0x10];
	[sflag:s8] =	ssyncadd.s32 $0xFFFFD800  }
0x1cd: {  	[hbm4b:s24+s2] =	stream.linear.scatter [tilespmem:s6], [sflag:$0x3], $0x2800, $0x38;
	[tilespmem:$0x5680] =	vst v63  }
0x1ce: {  	_ =	swait.ge [sflag:s4], $0x2800  }
0x1cf: {  	[sflag:s4] =	ssyncset.done $0x0  }
0x1d0: {  	[sflag:s4] =	ssyncadd.s32 $0xFFFFD800  }
0x1d1: {  	[tilespmem:s6], [sflag:$0x2] =	stream.indirect.gather [hbm4b:s3+s11], $0x80, s19, s11, $0xb8;
	[tilespmem:$0x5680] =	vst v63  }
0x1d2: {  	_ =	swait.ge [sflag:s12], $0x2800  }
0x1d3: {  	[sflag:s12] =	ssyncset.done $0x0  }
0x1d4: {  	s25 =	rddreg [dreg:$0x11];
	[sflag:s12] =	ssyncadd.s32 $0xFFFFD800  }
0x1d5: {  	[hbm4b:s25+s2] =	stream.linear.scatter [tilespmem:s9], [sflag:$0x3], $0x2800, $0x38;
	[tilespmem:$0x5680] =	vst v63  }
0x1d6: {  	_ =	swait.ge [sflag:s4], $0x2800  }
0x1d7: {  	[sflag:s4] =	ssyncset.done $0x0  }
0x1d8: {  	[sflag:s4] =	ssyncadd.s32 $0xFFFFD800  }
0x1d9: {  	[tilespmem:s9], [sflag:$0x1] =	stream.indirect.gather [hbm4b:s3+s11], $0x80, s18, s11, $0xb8;
	[tilespmem:$0x5680] =	vst v63  }
0x1da: {  	_ =	swait.ge [sflag:s8], $0x2800  }
0x1db: {  	[sflag:s8] =	ssyncset.done $0x0  }
0x1dc: {  	s26 =	rddreg [dreg:$0x12];
	[sflag:s8] =	ssyncadd.s32 $0xFFFFD800  }
0x1dd: {  	[hbm4b:s26+s2] =	stream.linear.scatter [tilespmem:s6], [sflag:$0x3], $0x2800, $0x38;
	[tilespmem:$0x5680] =	vst v63  }
0x1de: {  	_ =	swait.ge [sflag:s4], $0x2800  }
0x1df: {  	[sflag:s4] =	ssyncset.done $0x0  }
0x1e0: {  	[sflag:s4] =	ssyncadd.s32 $0xFFFFD800  }
0x1e1: {  	[tilespmem:s6], [sflag:$0x2] =	stream.indirect.gather [hbm4b:s3+s11], $0x80, s17, s11, $0xb8;
	[tilespmem:$0x5680] =	vst v63  }
0x1e2: {  	_ =	swait.ge [sflag:s12], $0x2800  }
0x1e3: {  	[sflag:s12] =	ssyncset.done $0x0  }
0x1e4: {  	s28 =	rddreg [dreg:$0x13];
	[sflag:s12] =	ssyncadd.s32 $0xFFFFD800  }
0x1e5: {  	[hbm4b:s28+s2] =	stream.linear.scatter [tilespmem:s9], [sflag:$0x3], $0x2800, $0x38;
	[tilespmem:$0x5680] =	vst v63  }
0x1e6: {  	_ =	swait.ge [sflag:s4], $0x2800  }
0x1e7: {  	[sflag:s4] =	ssyncset.done $0x0  }
0x1e8: {  	[sflag:s4] =	ssyncadd.s32 $0xFFFFD800  }
0x1e9: {  	[tilespmem:s9], [sflag:$0x1] =	stream.indirect.gather [hbm4b:s3+s11], $0x80, s16, s11, $0xb8;
	[tilespmem:$0x5680] =	vst v63  }
0x1ea: {  	_ =	swait.ge [sflag:s8], $0x2800  }
0x1eb: {  	[sflag:s8] =	ssyncset.done $0x0  }
0x1ec: {  	s29 =	rddreg [dreg:$0x14];
	[sflag:s8] =	ssyncadd.s32 $0xFFFFD800  }
0x1ed: {  	[hbm4b:s29+s2] =	stream.linear.scatter [tilespmem:s6], [sflag:$0x3], $0x2800, $0x38;
	[tilespmem:$0x5680] =	vst v63  }
0x1ee: {  	_ =	swait.ge [sflag:s4], $0x2800  }
0x1ef: {  	[sflag:s4] =	ssyncset.done $0x0  }
0x1f0: {  	[sflag:s4] =	ssyncadd.s32 $0xFFFFD800  }
0x1f1: {  	[tilespmem:s6], [sflag:$0x2] =	stream.indirect.gather [hbm4b:s3+s11], $0x80, s15, s11, $0xb8;
	[tilespmem:$0x5680] =	vst v63  }
0x1f2: {  	_ =	swait.ge [sflag:s12], $0x2800  }
0x1f3: {  	[sflag:s12] =	ssyncset.done $0x0  }
0x1f4: {  	s30 =	rddreg [dreg:$0x15];
	[sflag:s12] =	ssyncadd.s32 $0xFFFFD800  }
0x1f5: {  	[hbm4b:s30+s2] =	stream.linear.scatter [tilespmem:s9], [sflag:$0x3], $0x2800, $0x38;
	[tilespmem:$0x5680] =	vst v63  }
0x1f6: {  	_ =	swait.ge [sflag:s4], $0x2800  }
0x1f7: {  	[sflag:s4] =	ssyncset.done $0x0  }
0x1f8: {  	[sflag:s4] =	ssyncadd.s32 $0xFFFFD800  }
0x1f9: {  	[tilespmem:s9], [sflag:$0x1] =	stream.indirect.gather [hbm4b:s3+s11], $0x80, s14, s11, $0xb8;
	[tilespmem:$0x5680] =	vst v63  }
0x1fa: {  	_ =	swait.ge [sflag:s8], $0x2800  }
0x1fb: {  	[sflag:s8] =	ssyncset.done $0x0  }
0x1fc: {  	[sflag:s8] =	ssyncadd.s32 $0xFFFFD800  }
0x1fd: {  	[hbm4b:s10+s2] =	stream.linear.scatter [tilespmem:s6], [sflag:$0x3], $0x2800, $0x38;
	[tilespmem:$0x5680] =	vst v63  }
0x1fe: {  	_ =	swait.ge [sflag:s4], $0x2800  }
0x1ff: {  	[sflag:s4] =	ssyncset.done $0x0  }
0x200: {  	[sflag:s4] =	ssyncadd.s32 $0xFFFFD800  }
0x201: {  	[tilespmem:s6], [sflag:$0x2] =	stream.indirect.gather [hbm4b:s3+s11], $0x80, s13, s11, $0xb8;
	[tilespmem:$0x5680] =	vst v63  }
0x202: {  	_ =	swait.ge [sflag:s12], $0x2800  }
0x203: {  	[sflag:s12] =	ssyncset.done $0x0  }
0x204: {  	[sflag:s12] =	ssyncadd.s32 $0xFFFFD800  }
0x205: {  	[hbm4b:s7+s2] =	stream.linear.scatter [tilespmem:s9], [sflag:$0x3], $0x2800, $0x38;
	[tilespmem:$0x5680] =	vst v63  }
0x206: {  	_ =	swait.ge [sflag:s4], $0x2800  }
0x207: {  	[sflag:s4] =	ssyncset.done $0x0  }
0x208: {  	[sflag:s4] =	ssyncadd.s32 $0xFFFFD800  }
0x209: {  	_ =	swait.ge [sflag:s8], $0x2800  }
0x20a: {  	[sflag:s8] =	ssyncset.done $0x0  }
0x20b: {  	[sflag:s8] =	ssyncadd.s32 $0xFFFFD800  }
0x20c: {  	[hbm4b:s5+s2] =	stream.linear.scatter [tilespmem:s6], [sflag:$0x3], $0x2800, $0x38;
	[tilespmem:$0x5680] =	vst v63  }
0x20d: {  	_ =	swait.ge [sflag:s4], $0x2800  }
0x20e: {  	[sflag:s4] =	ssyncset.done $0x0  }
0x20f: {  	[sflag:s4] =	ssyncadd.s32 $0xFFFFD800  }
0x210: {  	_ =	sfence.sel $0x180000  }
0x211: {  	[bflag:$0x0] =	sbarrier.arrive $0xFFFF  }
0x212: {  	_ =	strace $0x90000047  }
0x213: {  	s31 =	stileid.u32;
	[bflag:$0x2] =	sbarrier.arrive $0xFFFF  }
0x214: {  	p0 =	sne.s32 s31, $0x0;
	s0 =	rddreg [dreg:$0x3]  }
0x215: {  	s0 =	sadd.s32 @!p0 $0x100000, s0  }
0x216: {  	[sflag:s0] =	ssyncadd.tile.s32 @!p0 $0x1;
	_ =	shalt  }
.Lfunc_end2:
_tile_overlayer_lowered:
.L_overlay_start_2:
0x217: {  	(tag) =	ssettag $0x2  }
0x218: {  	s0 =	rddreg [dreg:$0x0];
	s2 =	stileid.u32  }
0x219: {  	s1 =	rddreg [dreg:$0x1];
	p0 =	sne.s32 s2, $0x0  }
0x21a: {  	s3 =	rddreg [dreg:$0x2];
	[bflag:$0x3] =	sbarrier.arrive $0xFFFF;
	s2 =	simm.s32 @!p0 $0x1C03  }
0x21b: {  	[timem:s3], [sflag:s2] =	dma.local @!p0 [hbm:s0], s1  }
0x21c: {  	s0 =	simm.s32 @!p0 $0x3  }
0x21d: {  	_ =	swait.ge @!p0 [sflag:s0], s1  }
0x21e: {  	s1 =	ssub.s32 @!p0 $0x0, s1;
	[sflag:s0] =	ssyncset.done @!p0 $0x0  }
0x21f: {  	[sflag:s0] =	ssyncadd.s32 @!p0 s1  }
0x220: {  	[bflag:$0x3] =	sbarrier.arrive $0xFFFF  }
0x221: {  	_ =	shalt  }

</sc_bundles>
